<compile_context>
chip_gen: v7x
topology: tpu7x:2x2x1
jax: 0.10.2.dev20260603
libtpu: 0.0.44.dev20260713+nightly
codegen_flags: <defaults>
</compile_context>

<pallas_src>
import functools

import jax
import jax.numpy as jnp
from jax import lax
from jax.experimental import pallas as pl
from jax.experimental.pallas import tpu as pltpu
from jax.experimental.pallas import tpu_sc as plsc

_NC = 2
_NS = 16
_NW = _NC * _NS

_CHUNK = 128
_PAD_ROWS = 240
_BLK = 512
_NSEG = 64


def _build_degree_kernel(npad, cw):
    rows_per_tile = npad // _NS
    mesh = plsc.VectorSubcoreMesh(core_axis_name="c", subcore_axis_name="s")

    @functools.partial(
        pl.kernel,
        out_type=jax.ShapeDtypeStruct((_NC, _NS, rows_per_tile), jnp.float32),
        mesh=mesh,
        scratch_types=[
            pltpu.VMEM((cw, _CHUNK), jnp.int32),
            pltpu.VMEM((_CHUNK,), jnp.float32),
            pltpu.VMEM((rows_per_tile,), jnp.float32),
            pltpu.VMEM_SHARED((npad,), jnp.float32),
        ],
    )
    def deg_kernel(dst_hbm, out_hbm, idx_v, ones_v, zero_v, acc_sh):
        c = lax.axis_index("c")
        s = lax.axis_index("s")
        w = s * _NC + c
        row0 = s * rows_per_tile

        def _fill(i, carry):
            zero_v[pl.ds(i * 16, 16)] = jnp.zeros((16,), jnp.float32)
            return carry

        lax.fori_loop(0, rows_per_tile // 16, _fill, 0)

        def _fill1(i, carry):
            ones_v[pl.ds(i * 16, 16)] = jnp.ones((16,), jnp.float32)
            return carry

        lax.fori_loop(0, _CHUNK // 16, _fill1, 0)

        pltpu.sync_copy(zero_v, acc_sh.at[pl.ds(row0, rows_per_tile)])
        pltpu.sync_copy(dst_hbm.at[w], idx_v)
        plsc.subcore_barrier()

        def _scat(j, carry):
            pltpu.sync_copy(ones_v, acc_sh.at[idx_v.at[j]], add=True)
            return carry

        lax.fori_loop(0, cw, _scat, 0)
        plsc.subcore_barrier()
        pltpu.sync_copy(acc_sh.at[pl.ds(row0, rows_per_tile)], out_hbm.at[c, s])

    return deg_kernel


_SEG = 16


def _build_propagate_kernel(npad, d, cw):
    rows_per_tile = npad // _NS
    nzero = rows_per_tile // _CHUNK
    nseg = cw // _SEG
    mesh = plsc.VectorSubcoreMesh(core_axis_name="c", subcore_axis_name="s")

    @functools.partial(
        pl.kernel,
        out_type=jax.ShapeDtypeStruct((_NC, _NS, rows_per_tile, d), jnp.float32),
        mesh=mesh,
        scratch_types=[
            pltpu.VMEM((_SEG, _CHUNK), jnp.int32),
            pltpu.VMEM((_SEG, _CHUNK), jnp.int32),
            pltpu.VMEM((2, _CHUNK, d), jnp.float32),
            pltpu.VMEM_SHARED((npad, d), jnp.float32),
            pltpu.SemaphoreType.DMA,
            pltpu.SemaphoreType.DMA,
        ],
    )
    def prop_kernel(h_hbm, src_hbm, dst_hbm, out_hbm,
                    sidx_v, didx_v, rows_v, acc_sh, sem0, sem1):
        c = lax.axis_index("c")
        s = lax.axis_index("s")
        w = s * _NC + c
        row0 = s * rows_per_tile

        def _zr(r, carry):
            for kk in range(d // 16):
                rows_v[0, r, pl.ds(kk * 16, 16)] = jnp.zeros((16,), jnp.float32)
            return carry

        lax.fori_loop(0, _CHUNK, _zr, 0)
        for k in range(nzero):
            pltpu.sync_copy(rows_v.at[0],
                            acc_sh.at[pl.ds(row0 + k * _CHUNK, _CHUNK)])
        plsc.subcore_barrier()

        def _seg(g, carry):
            pltpu.sync_copy(src_hbm.at[w, pl.ds(g * _SEG, _SEG)], sidx_v)
            pltpu.sync_copy(dst_hbm.at[w, pl.ds(g * _SEG, _SEG)], didx_v)
            pltpu.async_copy(h_hbm.at[sidx_v.at[0]], rows_v.at[0], sem0)

            def _pair(p, carry2):
                j0 = 2 * p
                pltpu.make_async_copy(h_hbm.at[sidx_v.at[j0]],
                                      rows_v.at[0], sem0).wait()
                pltpu.async_copy(h_hbm.at[sidx_v.at[j0 + 1]], rows_v.at[1],
                                 sem1)
                pltpu.sync_copy(rows_v.at[0], acc_sh.at[didx_v.at[j0]],
                                add=True)
                pltpu.make_async_copy(h_hbm.at[sidx_v.at[j0 + 1]],
                                      rows_v.at[1], sem1).wait()

                @pl.when(j0 + 2 < _SEG)
                def _():
                    pltpu.async_copy(h_hbm.at[sidx_v.at[j0 + 2]],
                                     rows_v.at[0], sem0)

                pltpu.sync_copy(rows_v.at[1], acc_sh.at[didx_v.at[j0 + 1]],
                                add=True)
                return carry2

            lax.fori_loop(0, _SEG // 2, _pair, 0)
            return carry

        lax.fori_loop(0, nseg, _seg, 0)
        plsc.subcore_barrier()
        pltpu.sync_copy(acc_sh.at[pl.ds(row0, rows_per_tile)],
                        out_hbm.at[c, s])

    return prop_kernel


def _tc_scale_in(npad, d):
    grid = npad // _BLK

    def body(x_ref, w_ref, degp_ref, out_ref):
        deg = degp_ref[0] + degp_ref[1] + 1.0
        dinv = lax.rsqrt(deg)
        h = jnp.dot(x_ref[...], w_ref[...], preferred_element_type=jnp.float32)
        out_ref[...] = h * dinv[:, None]

    return pl.pallas_call(
        body,
        grid=(grid,),
        in_specs=[
            pl.BlockSpec((_BLK, d), lambda i: (i, 0)),
            pl.BlockSpec((d, d), lambda i: (0, 0)),
            pl.BlockSpec((_NC, _BLK), lambda i: (0, i)),
        ],
        out_specs=pl.BlockSpec((_BLK, d), lambda i: (i, 0)),
        out_shape=jax.ShapeDtypeStruct((npad, d), jnp.float32),
    )


def _tc_layer_mid(npad, d, n):
    grid = npad // _BLK

    def body(s_ref, hp_ref, degp_ref, b_ref, w_ref, out_ref):
        i = pl.program_id(0)
        deg = degp_ref[0] + degp_ref[1] + 1.0
        dinv = lax.rsqrt(deg)[:, None]
        tot = s_ref[0] + s_ref[1] + hp_ref[...]
        h1 = jnp.maximum(tot * dinv + b_ref[...], 0.0)
        out = jnp.dot(h1, w_ref[...], preferred_element_type=jnp.float32) * dinv
        rid = i * _BLK + lax.broadcasted_iota(jnp.int32, (_BLK, 1), 0)
        out_ref[...] = jnp.where(rid < n, out, 0.0)

    return pl.pallas_call(
        body,
        grid=(grid,),
        in_specs=[
            pl.BlockSpec((_NC, _BLK, d), lambda i: (0, i, 0)),
            pl.BlockSpec((_BLK, d), lambda i: (i, 0)),
            pl.BlockSpec((_NC, _BLK), lambda i: (0, i)),
            pl.BlockSpec((1, d), lambda i: (0, 0)),
            pl.BlockSpec((d, d), lambda i: (0, 0)),
        ],
        out_specs=pl.BlockSpec((_BLK, d), lambda i: (i, 0)),
        out_shape=jax.ShapeDtypeStruct((npad, d), jnp.float32),
    )


def _tc_layer_out(npad, d):
    grid = npad // _BLK

    def body(s_ref, hp_ref, degp_ref, b_ref, out_ref):
        deg = degp_ref[0] + degp_ref[1] + 1.0
        dinv = lax.rsqrt(deg)[:, None]
        tot = s_ref[0] + s_ref[1] + hp_ref[...]
        out_ref[...] = tot * dinv + b_ref[...]

    return pl.pallas_call(
        body,
        grid=(grid,),
        in_specs=[
            pl.BlockSpec((_NC, _BLK, d), lambda i: (0, i, 0)),
            pl.BlockSpec((_BLK, d), lambda i: (i, 0)),
            pl.BlockSpec((_NC, _BLK), lambda i: (0, i)),
            pl.BlockSpec((1, d), lambda i: (0, 0)),
        ],
        out_specs=pl.BlockSpec((_BLK, d), lambda i: (i, 0)),
        out_shape=jax.ShapeDtypeStruct((npad, d), jnp.float32),
    )


def _tc_pool_fc(npad, d, c):
    grid = npad // _BLK

    def body(h_ref, batch_ref, wfc_ref, bfc_ref,
             out_ref, pooled_ref, counts_ref):
        i = pl.program_id(0)

        @pl.when(i == 0)
        def _():
            pooled_ref[...] = jnp.zeros_like(pooled_ref)
            counts_ref[...] = jnp.zeros_like(counts_ref)
            out_ref[...] = jnp.zeros_like(out_ref)

        bvals = batch_ref[0]
        seg = lax.broadcasted_iota(jnp.int32, (_NSEG, _BLK), 0)
        onehot = jnp.where(seg == bvals, 1.0, 0.0)
        pooled_ref[...] += jnp.dot(onehot, h_ref[...],
                                   preferred_element_type=jnp.float32)
        counts_ref[...] += jnp.sum(onehot, axis=1, keepdims=True)

        @pl.when(i == grid - 1)
        def _():
            pooled = pooled_ref[...] / jnp.maximum(counts_ref[...], 1.0)
            out_ref[...] = (jnp.dot(pooled, wfc_ref[...],
                                    preferred_element_type=jnp.float32)
                            + bfc_ref[...])

    return pl.pallas_call(
        body,
        grid=(grid,),
        in_specs=[
            pl.BlockSpec((_BLK, d), lambda i: (i, 0)),
            pl.BlockSpec((1, 1, _BLK), lambda i: (i, 0, 0)),
            pl.BlockSpec((d, c), lambda i: (0, 0)),
            pl.BlockSpec((1, c), lambda i: (0, 0)),
        ],
        out_specs=[
            pl.BlockSpec((_NSEG, c), lambda i: (0, 0)),
            pl.BlockSpec((_NSEG, d), lambda i: (0, 0)),
            pl.BlockSpec((_NSEG, 1), lambda i: (0, 0)),
        ],
        out_shape=[
            jax.ShapeDtypeStruct((_NSEG, c), jnp.float32),
            jax.ShapeDtypeStruct((_NSEG, d), jnp.float32),
            jax.ShapeDtypeStruct((_NSEG, 1), jnp.float32),
        ],
    )


def kernel(x, edge_index, batch, W1, b1, W2, b2, Wfc, bfc):
    n, d = x.shape
    e = edge_index.shape[1]
    c = Wfc.shape[1]
    npad = n + _PAD_ROWS

    cw = -(-e // (_NW * _CHUNK))
    cw = -(-cw // _SEG) * _SEG
    epad = _NW * cw * _CHUNK
    dummy = n + (jnp.arange(epad - e, dtype=jnp.int32) % _PAD_ROWS)
    srcp = jnp.concatenate([edge_index[0], dummy]).reshape(_NW, cw, _CHUNK)
    dstp = jnp.concatenate([edge_index[1], dummy]).reshape(_NW, cw, _CHUNK)
    xp = jnp.concatenate([x, jnp.zeros((_PAD_ROWS, d), x.dtype)])

    deg_k = _build_degree_kernel(npad, cw)
    prop_k = _build_propagate_kernel(npad, d, cw)

    degp = deg_k(dstp).reshape(_NC, npad)

    hp1 = _tc_scale_in(npad, d)(xp, W1, degp)
    s1 = prop_k(hp1, srcp, dstp).reshape(_NC, npad, d)
    hp2 = _tc_layer_mid(npad, d, n)(s1, hp1, degp, b1.reshape(1, d), W2)
    s2 = prop_k(hp2, srcp, dstp).reshape(_NC, npad, d)
    h2 = _tc_layer_out(npad, d)(s2, hp2, degp, b2.reshape(1, d))

    batchp = jnp.concatenate(
        [batch, jnp.full((_PAD_ROWS,), _NSEG, batch.dtype)]
    ).reshape(npad // _BLK, 1, _BLK)
    out, _, _ = _tc_pool_fc(npad, d, c)(h2, batchp, Wfc, bfc.reshape(1, c))
    return out

# --- scband reference (transcript-rebuilt; emitter-appended) ---
"""Pipeline reference for scband-net-for-classification2-61357902791129 (READ-ONLY COPY).

The authoritative reference and input builder live on the scoring server;
editing this copy changes nothing except your own understanding.
"""

import jax, jax.numpy as jnp
import numpy as np

N = 10000
E = 320000
D = 128
N1 = 128
N2 = 128
C = 10
B = 64


def setup_inputs(seed: int = 0) -> dict:
    key = jax.random.key(seed)
    k1, k2, k3, k4, k5, k6 = jax.random.split(key, 6)
    x = jax.random.normal(k1, (N, D), dtype=jnp.float32)
    edge_index = jax.random.randint(k2, (2, E), 0, N, dtype=jnp.int32)
    batch = jnp.sort(jax.random.randint(k3, (N,), 0, B, dtype=jnp.int32))
    W1 = jax.random.normal(k4, (D, N1), dtype=jnp.float32) * 0.05
    b1 = jnp.zeros((N1,), dtype=jnp.float32)
    W2 = jax.random.normal(k5, (N1, N2), dtype=jnp.float32) * 0.05
    b2 = jnp.zeros((N2,), dtype=jnp.float32)
    Wfc = jax.random.normal(k6, (N2, C), dtype=jnp.float32) * 0.05
    bfc = jnp.zeros((C,), dtype=jnp.float32)
    return {"x": x, "edge_index": edge_index, "batch": batch,
            "W1": W1, "b1": b1, "W2": W2, "b2": b2, "Wfc": Wfc, "bfc": bfc}


def _gcn_norm(edge_index, num_nodes, dtype):
    # add self-loops and compute symmetric normalization (GCNConv default)
    loop = jnp.arange(num_nodes, dtype=edge_index.dtype)
    src = jnp.concatenate([edge_index[0], loop])
    dst = jnp.concatenate([edge_index[1], loop])
    deg = jax.ops.segment_sum(jnp.ones_like(dst, dtype=dtype), dst, num_segments=num_nodes)
    dinv = jnp.where(deg > 0, 1.0 / jnp.sqrt(deg), 0.0)
    norm = dinv[src] * dinv[dst]
    return src, dst, norm


def _gcn_conv(x, src, dst, norm, W, b, num_nodes):
    h = x @ W
    msg = h[src] * norm[:, None]
    out = jax.ops.segment_sum(msg, dst, num_segments=num_nodes)
    return out + b


def reference(x, edge_index, batch, W1, b1, W2, b2, Wfc, bfc):
    src, dst, norm = _gcn_norm(edge_index, N, x.dtype)
    h = _gcn_conv(x, src, dst, norm, W1, b1, N)
    h = jax.nn.relu(h)
    h = _gcn_conv(h, src, dst, norm, W2, b2, N)
    # global mean pool over graphs in the batch
    counts = jax.ops.segment_sum(jnp.ones((N,), dtype=h.dtype), batch, num_segments=B)
    pooled = jax.ops.segment_sum(h, batch, num_segments=B)
    pooled = pooled / jnp.clip(counts, 1.0)[:, None]
    # dropout is identity in eval mode
    out = pooled @ Wfc + bfc
    return out

if __name__ == "__main__":
    import jax
    _d = setup_inputs()
    print(jax.jit(kernel)(*tuple(_d.values())))

</pallas_src>

<mosaic_0001>
#map = affine_map<(d0, d1) -> (0, 0, 0)>
module attributes {stable_mosaic.version = 14 : i64} {
  func.func @deg_kernel(%arg0: i32, %arg1: i32, %arg2: memref<32x80x128xi32, #tpu.memory_space<hbm>>, %arg3: memref<2x16x640xf32, #tpu.memory_space<hbm>>, %arg4: memref<80x128xi32, #tpu.memory_space<vmem>>, %arg5: memref<128xf32, #tpu.memory_space<vmem>>, %arg6: memref<640xf32, #tpu.memory_space<vmem>>, %arg7: memref<10240xf32, #tpu.memory_space<vmem_shared>>) attributes {dimension_semantics = [#tpu.dimension_semantics<core_parallel>, #tpu.dimension_semantics<subcore_parallel>], iteration_bounds = array<i64: 2, 16>, scalar_prefetch = 0 : i64, scratch_operands = 4 : i64, tpu.core_type = #tpu.core_type<sc_vector_subcore>, window_params = [{transform_indices = #map}, {transform_indices = #map}]} {
    %mul3A = arith.constant 2 : i32
    %mul3A_0 = arith.muli %arg1, %mul3A : i32
    %add3A = arith.addi %mul3A_0, %arg0 : i32
    %mul3A_1 = arith.constant 640 : i32
    %mul3A_2 = arith.muli %arg1, %mul3A_1 : i32
    %scan3A = arith.constant 0 : i32
    %scan3A_3 = arith.constant 0 : i32
    %scan3A_4 = arith.constant 40 : i32
    %scan3A_5 = arith.addi %scan3A_3, %scan3A_4 : i32
    %scan3A_6 = arith.constant 1 : i32
    scf.for %scan3A_21 = %scan3A_3 to %scan3A_5 step %scan3A_6  : i32 {
      %broadcast_in_dim3A = arith.constant 0.000000e+00 : f32
      %broadcast_in_dim3A_22 = vector.broadcast %broadcast_in_dim3A : f32 to vector<16xf32>
      %mul3A_23 = arith.constant 16 : i32
      %mul3A_24 = arith.muli %scan3A_21, %mul3A_23 : i32
      %swap3A = arith.index_cast %mul3A_24 : i32 to index
      %swap3A_25 = tpu.vector_load %arg6[%swap3A] {strides = array<i32>} : memref<640xf32, #tpu.memory_space<vmem>>, vector<16xf32>,
      %swap3A_26 = vector.shape_cast %swap3A_25 : vector<16xf32> to vector<16xf32>
      %swap3A_27 = vector.shape_cast %broadcast_in_dim3A_22 : vector<16xf32> to vector<16xf32>
      tpu.vector_store %arg6[%swap3A], %swap3A_27 {strides = array<i32>} : memref<640xf32, #tpu.memory_space<vmem>>, vector<16xf32>,
    }
    %scan3A_7 = arith.constant 40 : i32
    %scan3A_8 = arith.constant 0 : i32
    %scan3A_9 = arith.constant 0 : i32
    %scan3A_10 = arith.constant 8 : i32
    %scan3A_11 = arith.addi %scan3A_9, %scan3A_10 : i32
    %scan3A_12 = arith.constant 1 : i32
    scf.for %scan3A_21 = %scan3A_9 to %scan3A_11 step %scan3A_12  : i32 {
      %broadcast_in_dim3A = arith.constant 1.000000e+00 : f32
      %broadcast_in_dim3A_22 = vector.broadcast %broadcast_in_dim3A : f32 to vector<16xf32>
      %mul3A_23 = arith.constant 16 : i32
      %mul3A_24 = arith.muli %scan3A_21, %mul3A_23 : i32
      %swap3A = arith.index_cast %mul3A_24 : i32 to index
      %swap3A_25 = tpu.vector_load %arg5[%swap3A] {strides = array<i32>} : memref<128xf32, #tpu.memory_space<vmem>>, vector<16xf32>,
      %swap3A_26 = vector.shape_cast %swap3A_25 : vector<16xf32> to vector<16xf32>
      %swap3A_27 = vector.shape_cast %broadcast_in_dim3A_22 : vector<16xf32> to vector<16xf32>
      tpu.vector_store %arg5[%swap3A], %swap3A_27 {strides = array<i32>} : memref<128xf32, #tpu.memory_space<vmem>>, vector<16xf32>,
    }
    %scan3A_13 = arith.constant 8 : i32
    "tpu.region"() ({
      %run_scoped3A = tpu.sem_alloc : memref<!tpu.dma_semaphore, #tpu.memory_space<semaphore_mem>>
      %dma_start3A = tpu.memref_slice %arg7[%mul3A_2] : memref<10240xf32, #tpu.memory_space<vmem_shared>> -> memref<640xf32, #tpu.memory_space<vmem_shared>>
      %dma_start3A_21 = tpu.memref_slice %arg7[%mul3A_2] : memref<10240xf32, #tpu.memory_space<vmem_shared>> -> memref<640xf32, #tpu.memory_space<vmem_shared>>
      tpu.enqueue_dma source(%arg6 : memref<640xf32, #tpu.memory_space<vmem>>) target(%dma_start3A_21 : memref<640xf32, #tpu.memory_space<vmem_shared>>) target_semaphore(%run_scoped3A : memref<!tpu.dma_semaphore, #tpu.memory_space<semaphore_mem>>)
      %dma_wait3A = tpu.memref_slice %arg7[%mul3A_2] : memref<10240xf32, #tpu.memory_space<vmem_shared>> -> memref<640xf32, #tpu.memory_space<vmem_shared>>
      %dma_wait3A_22 = tpu.memref_slice %arg7[%mul3A_2] : memref<10240xf32, #tpu.memory_space<vmem_shared>> -> memref<640xf32, #tpu.memory_space<vmem_shared>>
      tpu.wait_dma2 semaphore(%run_scoped3A : memref<!tpu.dma_semaphore, #tpu.memory_space<semaphore_mem>>) src(%arg6 : memref<640xf32, #tpu.memory_space<vmem>>) dst(%dma_wait3A_22 : memref<640xf32, #tpu.memory_space<vmem_shared>>)
      tpu.yield
    }) : () -> ()
    "tpu.region"() ({
      %run_scoped3A = tpu.sem_alloc : memref<!tpu.dma_semaphore, #tpu.memory_space<semaphore_mem>>
      %dma_start3A = arith.constant 0 : i32
      %dma_start3A_21 = arith.constant 0 : i32
      %dma_start3A_22 = tpu.memref_slice %arg2[%add3A, %dma_start3A, %dma_start3A_21] : memref<32x80x128xi32, #tpu.memory_space<hbm>> -> memref<1x80x128xi32, #tpu.memory_space<hbm>>
      %dma_start3A_23 = tpu.memref_squeeze %dma_start3A_22 : memref<1x80x128xi32, #tpu.memory_space<hbm>> -> memref<80x128xi32, #tpu.memory_space<hbm>>
      %dma_start3A_24 = arith.constant 0 : i32
      %dma_start3A_25 = arith.constant 0 : i32
      %dma_start3A_26 = tpu.memref_slice %arg2[%add3A, %dma_start3A_24, %dma_start3A_25] : memref<32x80x128xi32, #tpu.memory_space<hbm>> -> memref<1x80x128xi32, #tpu.memory_space<hbm>>
      %dma_start3A_27 = tpu.memref_squeeze %dma_start3A_26 : memref<1x80x128xi32, #tpu.memory_space<hbm>> -> memref<80x128xi32, #tpu.memory_space<hbm>>
      tpu.enqueue_dma source(%dma_start3A_27 : memref<80x128xi32, #tpu.memory_space<hbm>>) target(%arg4 : memref<80x128xi32, #tpu.memory_space<vmem>>) target_semaphore(%run_scoped3A : memref<!tpu.dma_semaphore, #tpu.memory_space<semaphore_mem>>)
      %dma_wait3A = arith.constant 0 : i32
      %dma_wait3A_28 = arith.constant 0 : i32
      %dma_wait3A_29 = tpu.memref_slice %arg2[%add3A, %dma_wait3A, %dma_wait3A_28] : memref<32x80x128xi32, #tpu.memory_space<hbm>> -> memref<1x80x128xi32, #tpu.memory_space<hbm>>
      %dma_wait3A_30 = tpu.memref_squeeze %dma_wait3A_29 : memref<1x80x128xi32, #tpu.memory_space<hbm>> -> memref<80x128xi32, #tpu.memory_space<hbm>>
      %dma_wait3A_31 = arith.constant 0 : i32
      %dma_wait3A_32 = arith.constant 0 : i32
      %dma_wait3A_33 = tpu.memref_slice %arg2[%add3A, %dma_wait3A_31, %dma_wait3A_32] : memref<32x80x128xi32, #tpu.memory_space<hbm>> -> memref<1x80x128xi32, #tpu.memory_space<hbm>>
      %dma_wait3A_34 = tpu.memref_squeeze %dma_wait3A_33 : memref<1x80x128xi32, #tpu.memory_space<hbm>> -> memref<80x128xi32, #tpu.memory_space<hbm>>
      tpu.wait_dma2 semaphore(%run_scoped3A : memref<!tpu.dma_semaphore, #tpu.memory_space<semaphore_mem>>) src(%dma_wait3A_34 : memref<80x128xi32, #tpu.memory_space<hbm>>) dst(%arg4 : memref<80x128xi32, #tpu.memory_space<vmem>>)
      tpu.yield
    }) : () -> ()
    %barrier3A = arith.constant 0 : index
    tpu.barrier barrier_id(%barrier3A)
    %scan3A_14 = arith.constant 0 : i32
    %scan3A_15 = arith.constant 0 : i32
    %scan3A_16 = arith.constant 80 : i32
    %scan3A_17 = arith.addi %scan3A_15, %scan3A_16 : i32
    %scan3A_18 = arith.constant 1 : i32
    scf.for %scan3A_21 = %scan3A_15 to %scan3A_17 step %scan3A_18  : i32 {
      "tpu.region"() ({
        %run_scoped3A = tpu.sem_alloc : memref<!tpu.dma_semaphore, #tpu.memory_space<semaphore_mem>>
        %dma_start3A = arith.constant 0 : i32
        %dma_start3A_22 = tpu.memref_slice %arg4[%scan3A_21, %dma_start3A] : memref<80x128xi32, #tpu.memory_space<vmem>> -> memref<1x128xi32, #tpu.memory_space<vmem>>
        %dma_start3A_23 = tpu.memref_squeeze %dma_start3A_22 : memref<1x128xi32, #tpu.memory_space<vmem>> -> memref<128xi32, #tpu.memory_space<vmem>>
        %dma_start3A_24 = arith.constant 0 : i32
        %dma_start3A_25 = tpu.memref_slice %arg7[%dma_start3A_24] : memref<10240xf32, #tpu.memory_space<vmem_shared>> -> memref<10240xf32, #tpu.memory_space<vmem_shared>>
        tpu.enqueue_indirect_dma source(%arg5 : memref<128xf32, #tpu.memory_space<vmem>>) target(%dma_start3A_25 : memref<10240xf32, #tpu.memory_space<vmem_shared>>) offsets(%dma_start3A_23 : memref<128xi32, #tpu.memory_space<vmem>>) semaphore(%run_scoped3A : memref<!tpu.dma_semaphore, #tpu.memory_space<semaphore_mem>>) {add = true}
        %dma_wait3A = arith.constant 0 : i32
        %dma_wait3A_26 = tpu.memref_slice %arg4[%scan3A_21, %dma_wait3A] : memref<80x128xi32, #tpu.memory_space<vmem>> -> memref<1x128xi32, #tpu.memory_space<vmem>>
        %dma_wait3A_27 = tpu.memref_squeeze %dma_wait3A_26 : memref<1x128xi32, #tpu.memory_space<vmem>> -> memref<128xi32, #tpu.memory_space<vmem>>
        %dma_wait3A_28 = arith.constant 0 : i32
        %dma_wait3A_29 = tpu.memref_slice %arg7[%dma_wait3A_28] : memref<10240xf32, #tpu.memory_space<vmem_shared>> -> memref<10240xf32, #tpu.memory_space<vmem_shared>>
        tpu.wait_indirect_dma semaphore(%run_scoped3A : memref<!tpu.dma_semaphore, #tpu.memory_space<semaphore_mem>>) src(%arg5 : memref<128xf32, #tpu.memory_space<vmem>>) dst(%dma_wait3A_29 : memref<10240xf32, #tpu.memory_space<vmem_shared>>)
        tpu.yield
      }) : () -> ()
    }
    %scan3A_19 = arith.constant 80 : i32
    %barrier3A_20 = arith.constant 0 : index
    tpu.barrier barrier_id(%barrier3A_20)
    "tpu.region"() ({
      %run_scoped3A = tpu.sem_alloc : memref<!tpu.dma_semaphore, #tpu.memory_space<semaphore_mem>>
      %dma_start3A = arith.constant 0 : i32
      %dma_start3A_21 = tpu.memref_slice %arg3[%arg0, %arg1, %dma_start3A] : memref<2x16x640xf32, #tpu.memory_space<hbm>> -> memref<1x1x640xf32, #tpu.memory_space<hbm>>
      %dma_start3A_22 = tpu.memref_squeeze %dma_start3A_21 : memref<1x1x640xf32, #tpu.memory_space<hbm>> -> memref<640xf32, #tpu.memory_space<hbm>>
      %dma_start3A_23 = tpu.memref_slice %arg7[%mul3A_2] : memref<10240xf32, #tpu.memory_space<vmem_shared>> -> memref<640xf32, #tpu.memory_space<vmem_shared>>
      tpu.enqueue_dma source(%dma_start3A_23 : memref<640xf32, #tpu.memory_space<vmem_shared>>) target(%dma_start3A_22 : memref<640xf32, #tpu.memory_space<hbm>>) target_semaphore(%run_scoped3A : memref<!tpu.dma_semaphore, #tpu.memory_space<semaphore_mem>>)
      %dma_wait3A = arith.constant 0 : i32
      %dma_wait3A_24 = tpu.memref_slice %arg3[%arg0, %arg1, %dma_wait3A] : memref<2x16x640xf32, #tpu.memory_space<hbm>> -> memref<1x1x640xf32, #tpu.memory_space<hbm>>
      %dma_wait3A_25 = tpu.memref_squeeze %dma_wait3A_24 : memref<1x1x640xf32, #tpu.memory_space<hbm>> -> memref<640xf32, #tpu.memory_space<hbm>>
      %dma_wait3A_26 = tpu.memref_slice %arg7[%mul3A_2] : memref<10240xf32, #tpu.memory_space<vmem_shared>> -> memref<640xf32, #tpu.memory_space<vmem_shared>>
      tpu.wait_dma2 semaphore(%run_scoped3A : memref<!tpu.dma_semaphore, #tpu.memory_space<semaphore_mem>>) src(%dma_wait3A_26 : memref<640xf32, #tpu.memory_space<vmem_shared>>) dst(%dma_wait3A_25 : memref<640xf32, #tpu.memory_space<hbm>>)
      tpu.yield
    }) : () -> ()
    return
  }
}

#map = affine_map<(d0, d1) -> (0, 0)>
#map1 = affine_map<(d0, d1) -> (0, 0, 0)>
#map2 = affine_map<(d0, d1) -> (0, 0, 0, 0)>
module attributes {stable_mosaic.version = 14 : i64} {
  func.func @prop_kernel(%arg0: i32, %arg1: i32, %arg2: memref<10240x128xf32, #tpu.memory_space<hbm>>, %arg3: memref<32x80x128xi32, #tpu.memory_space<hbm>>, %arg4: memref<32x80x128xi32, #tpu.memory_space<hbm>>, %arg5: memref<2x16x640x128xf32, #tpu.memory_space<hbm>>, %arg6: memref<16x128xi32, #tpu.memory_space<vmem>>, %arg7: memref<16x128xi32, #tpu.memory_space<vmem>>, %arg8: memref<2x128x128xf32, #tpu.memory_space<vmem>>, %arg9: memref<10240x128xf32, #tpu.memory_space<vmem_shared>>, %arg10: memref<!tpu.dma_semaphore, #tpu.memory_space<semaphore_mem>>, %arg11: memref<!tpu.dma_semaphore, #tpu.memory_space<semaphore_mem>>) attributes {dimension_semantics = [#tpu.dimension_semantics<core_parallel>, #tpu.dimension_semantics<subcore_parallel>], iteration_bounds = array<i64: 2, 16>, scalar_prefetch = 0 : i64, scratch_operands = 6 : i64, tpu.core_type = #tpu.core_type<sc_vector_subcore>, window_params = [{transform_indices = #map}, {transform_indices = #map1}, {transform_indices = #map1}, {transform_indices = #map2}]} {
    %mul3A = arith.constant 2 : i32
    %mul3A_0 = arith.muli %arg1, %mul3A : i32
    %add3A = arith.addi %mul3A_0, %arg0 : i32
    %mul3A_1 = arith.constant 640 : i32
    %mul3A_2 = arith.muli %arg1, %mul3A_1 : i32
    %scan3A = arith.constant 0 : i32
    %scan3A_3 = arith.constant 0 : i32
    %scan3A_4 = arith.constant 128 : i32
    %scan3A_5 = arith.addi %scan3A_3, %scan3A_4 : i32
    %scan3A_6 = arith.constant 1 : i32
    scf.for %scan3A_29 = %scan3A_3 to %scan3A_5 step %scan3A_6  : i32 {
      %broadcast_in_dim3A = arith.constant 0.000000e+00 : f32
      %broadcast_in_dim3A_30 = vector.broadcast %broadcast_in_dim3A : f32 to vector<16xf32>
      %swap3A = arith.constant 0 : i32
      %swap3A_31 = arith.index_cast %swap3A : i32 to index
      %swap3A_32 = arith.index_cast %scan3A_29 : i32 to index
      %swap3A_33 = arith.constant 0 : index
      %swap3A_34 = tpu.vector_load %arg8[%swap3A_31, %swap3A_32, %swap3A_33] {strides = array<i32>} : memref<2x128x128xf32, #tpu.memory_space<vmem>>, vector<1x1x16xf32>,
      %swap3A_35 = vector.shape_cast %swap3A_34 : vector<1x1x16xf32> to vector<16xf32>
      %swap3A_36 = vector.shape_cast %broadcast_in_dim3A_30 : vector<16xf32> to vector<1x1x16xf32>
      tpu.vector_store %arg8[%swap3A_31, %swap3A_32, %swap3A_33], %swap3A_36 {strides = array<i32>} : memref<2x128x128xf32, #tpu.memory_space<vmem>>, vector<1x1x16xf32>,
      %broadcast_in_dim3A_37 = arith.constant 0.000000e+00 : f32
      %broadcast_in_dim3A_38 = vector.broadcast %broadcast_in_dim3A_37 : f32 to vector<16xf32>
      %swap3A_39 = arith.constant 0 : i32
      %swap3A_40 = arith.index_cast %swap3A_39 : i32 to index
      %swap3A_41 = arith.index_cast %scan3A_29 : i32 to index
      %swap3A_42 = arith.constant 16 : index
      %swap3A_43 = tpu.vector_load %arg8[%swap3A_40, %swap3A_41, %swap3A_42] {strides = array<i32>} : memref<2x128x128xf32, #tpu.memory_space<vmem>>, vector<1x1x16xf32>,
      %swap3A_44 = vector.shape_cast %swap3A_43 : vector<1x1x16xf32> to vector<16xf32>
      %swap3A_45 = vector.shape_cast %broadcast_in_dim3A_38 : vector<16xf32> to vector<1x1x16xf32>
      tpu.vector_store %arg8[%swap3A_40, %swap3A_41, %swap3A_42], %swap3A_45 {strides = array<i32>} : memref<2x128x128xf32, #tpu.memory_space<vmem>>, vector<1x1x16xf32>,
      %broadcast_in_dim3A_46 = arith.constant 0.000000e+00 : f32
      %broadcast_in_dim3A_47 = vector.broadcast %broadcast_in_dim3A_46 : f32 to vector<16xf32>
      %swap3A_48 = arith.constant 0 : i32
      %swap3A_49 = arith.index_cast %swap3A_48 : i32 to index
      %swap3A_50 = arith.index_cast %scan3A_29 : i32 to index
      %swap3A_51 = arith.constant 32 : index
      %swap3A_52 = tpu.vector_load %arg8[%swap3A_49, %swap3A_50, %swap3A_51] {strides = array<i32>} : memref<2x128x128xf32, #tpu.memory_space<vmem>>, vector<1x1x16xf32>,
      %swap3A_53 = vector.shape_cast %swap3A_52 : vector<1x1x16xf32> to vector<16xf32>
      %swap3A_54 = vector.shape_cast %broadcast_in_dim3A_47 : vector<16xf32> to vector<1x1x16xf32>
      tpu.vector_store %arg8[%swap3A_49, %swap3A_50, %swap3A_51], %swap3A_54 {strides = array<i32>} : memref<2x128x128xf32, #tpu.memory_space<vmem>>, vector<1x1x16xf32>,
      %broadcast_in_dim3A_55 = arith.constant 0.000000e+00 : f32
      %broadcast_in_dim3A_56 = vector.broadcast %broadcast_in_dim3A_55 : f32 to vector<16xf32>
      %swap3A_57 = arith.constant 0 : i32
      %swap3A_58 = arith.index_cast %swap3A_57 : i32 to index
      %swap3A_59 = arith.index_cast %scan3A_29 : i32 to index
      %swap3A_60 = arith.constant 48 : index
      %swap3A_61 = tpu.vector_load %arg8[%swap3A_58, %swap3A_59, %swap3A_60] {strides = array<i32>} : memref<2x128x128xf32, #tpu.memory_space<vmem>>, vector<1x1x16xf32>,
      %swap3A_62 = vector.shape_cast %swap3A_61 : vector<1x1x16xf32> to vector<16xf32>
      %swap3A_63 = vector.shape_cast %broadcast_in_dim3A_56 : vector<16xf32> to vector<1x1x16xf32>
      tpu.vector_store %arg8[%swap3A_58, %swap3A_59, %swap3A_60], %swap3A_63 {strides = array<i32>} : memref<2x128x128xf32, #tpu.memory_space<vmem>>, vector<1x1x16xf32>,
      %broadcast_in_dim3A_64 = arith.constant 0.000000e+00 : f32
      %broadcast_in_dim3A_65 = vector.broadcast %broadcast_in_dim3A_64 : f32 to vector<16xf32>
      %swap3A_66 = arith.constant 0 : i32
      %swap3A_67 = arith.index_cast %swap3A_66 : i32 to index
      %swap3A_68 = arith.index_cast %scan3A_29 : i32 to index
      %swap3A_69 = arith.constant 64 : index
      %swap3A_70 = tpu.vector_load %arg8[%swap3A_67, %swap3A_68, %swap3A_69] {strides = array<i32>} : memref<2x128x128xf32, #tpu.memory_space<vmem>>, vector<1x1x16xf32>,
      %swap3A_71 = vector.shape_cast %swap3A_70 : vector<1x1x16xf32> to vector<16xf32>
      %swap3A_72 = vector.shape_cast %broadcast_in_dim3A_65 : vector<16xf32> to vector<1x1x16xf32>
      tpu.vector_store %arg8[%swap3A_67, %swap3A_68, %swap3A_69], %swap3A_72 {strides = array<i32>} : memref<2x128x128xf32, #tpu.memory_space<vmem>>, vector<1x1x16xf32>,
      %broadcast_in_dim3A_73 = arith.constant 0.000000e+00 : f32
      %broadcast_in_dim3A_74 = vector.broadcast %broadcast_in_dim3A_73 : f32 to vector<16xf32>
      %swap3A_75 = arith.constant 0 : i32
      %swap3A_76 = arith.index_cast %swap3A_75 : i32 to index
      %swap3A_77 = arith.index_cast %scan3A_29 : i32 to index
      %swap3A_78 = arith.constant 80 : index
      %swap3A_79 = tpu.vector_load %arg8[%swap3A_76, %swap3A_77, %swap3A_78] {strides = array<i32>} : memref<2x128x128xf32, #tpu.memory_space<vmem>>, vector<1x1x16xf32>,
      %swap3A_80 = vector.shape_cast %swap3A_79 : vector<1x1x16xf32> to vector<16xf32>
      %swap3A_81 = vector.shape_cast %broadcast_in_dim3A_74 : vector<16xf32> to vector<1x1x16xf32>
      tpu.vector_store %arg8[%swap3A_76, %swap3A_77, %swap3A_78], %swap3A_81 {strides = array<i32>} : memref<2x128x128xf32, #tpu.memory_space<vmem>>, vector<1x1x16xf32>,
      %broadcast_in_dim3A_82 = arith.constant 0.000000e+00 : f32
      %broadcast_in_dim3A_83 = vector.broadcast %broadcast_in_dim3A_82 : f32 to vector<16xf32>
      %swap3A_84 = arith.constant 0 : i32
      %swap3A_85 = arith.index_cast %swap3A_84 : i32 to index
      %swap3A_86 = arith.index_cast %scan3A_29 : i32 to index
      %swap3A_87 = arith.constant 96 : index
      %swap3A_88 = tpu.vector_load %arg8[%swap3A_85, %swap3A_86, %swap3A_87] {strides = array<i32>} : memref<2x128x128xf32, #tpu.memory_space<vmem>>, vector<1x1x16xf32>,
      %swap3A_89 = vector.shape_cast %swap3A_88 : vector<1x1x16xf32> to vector<16xf32>
      %swap3A_90 = vector.shape_cast %broadcast_in_dim3A_83 : vector<16xf32> to vector<1x1x16xf32>
      tpu.vector_store %arg8[%swap3A_85, %swap3A_86, %swap3A_87], %swap3A_90 {strides = array<i32>} : memref<2x128x128xf32, #tpu.memory_space<vmem>>, vector<1x1x16xf32>,
      %broadcast_in_dim3A_91 = arith.constant 0.000000e+00 : f32
      %broadcast_in_dim3A_92 = vector.broadcast %broadcast_in_dim3A_91 : f32 to vector<16xf32>
      %swap3A_93 = arith.constant 0 : i32
      %swap3A_94 = arith.index_cast %swap3A_93 : i32 to index
      %swap3A_95 = arith.index_cast %scan3A_29 : i32 to index
      %swap3A_96 = arith.constant 112 : index
      %swap3A_97 = tpu.vector_load %arg8[%swap3A_94, %swap3A_95, %swap3A_96] {strides = array<i32>} : memref<2x128x128xf32, #tpu.memory_space<vmem>>, vector<1x1x16xf32>,
      %swap3A_98 = vector.shape_cast %swap3A_97 : vector<1x1x16xf32> to vector<16xf32>
      %swap3A_99 = vector.shape_cast %broadcast_in_dim3A_92 : vector<16xf32> to vector<1x1x16xf32>
      tpu.vector_store %arg8[%swap3A_94, %swap3A_95, %swap3A_96], %swap3A_99 {strides = array<i32>} : memref<2x128x128xf32, #tpu.memory_space<vmem>>, vector<1x1x16xf32>,
    }
    %scan3A_7 = arith.constant 128 : i32
    %add3A_8 = arith.constant 0 : i32
    %add3A_9 = arith.addi %mul3A_2, %add3A_8 : i32
    %run_scoped3A = arith.constant 0 : i32
    "tpu.region"() ({
      %run_scoped3A_29 = tpu.sem_alloc : memref<!tpu.dma_semaphore, #tpu.memory_space<semaphore_mem>>
      %dma_start3A = arith.constant 0 : i32
      %dma_start3A_30 = arith.constant 0 : i32
      %dma_start3A_31 = tpu.memref_slice %arg8[%run_scoped3A, %dma_start3A, %dma_start3A_30] : memref<2x128x128xf32, #tpu.memory_space<vmem>> -> memref<1x128x128xf32, #tpu.memory_space<vmem>>
      %dma_start3A_32 = tpu.memref_squeeze %dma_start3A_31 : memref<1x128x128xf32, #tpu.memory_space<vmem>> -> memref<128x128xf32, #tpu.memory_space<vmem>>
      %dma_start3A_33 = arith.constant 0 : i32
      %dma_start3A_34 = tpu.memref_slice %arg9[%add3A_9, %dma_start3A_33] : memref<10240x128xf32, #tpu.memory_space<vmem_shared>> -> memref<128x128xf32, #tpu.memory_space<vmem_shared>>
      %dma_start3A_35 = arith.constant 0 : i32
      %dma_start3A_36 = tpu.memref_slice %arg9[%add3A_9, %dma_start3A_35] : memref<10240x128xf32, #tpu.memory_space<vmem_shared>> -> memref<128x128xf32, #tpu.memory_space<vmem_shared>>
      %dma_start3A_37 = arith.constant 0 : i32
      %dma_start3A_38 = arith.constant 0 : i32
      %dma_start3A_39 = tpu.memref_slice %arg8[%run_scoped3A, %dma_start3A_37, %dma_start3A_38] : memref<2x128x128xf32, #tpu.memory_space<vmem>> -> memref<1x128x128xf32, #tpu.memory_space<vmem>>
      %dma_start3A_40 = tpu.memref_squeeze %dma_start3A_39 : memref<1x128x128xf32, #tpu.memory_space<vmem>> -> memref<128x128xf32, #tpu.memory_space<vmem>>
      tpu.enqueue_dma source(%dma_start3A_40 : memref<128x128xf32, #tpu.memory_space<vmem>>) target(%dma_start3A_36 : memref<128x128xf32, #tpu.memory_space<vmem_shared>>) target_semaphore(%run_scoped3A_29 : memref<!tpu.dma_semaphore, #tpu.memory_space<semaphore_mem>>)
      %dma_wait3A = arith.constant 0 : i32
      %dma_wait3A_41 = arith.constant 0 : i32
      %dma_wait3A_42 = tpu.memref_slice %arg8[%run_scoped3A, %dma_wait3A, %dma_wait3A_41] : memref<2x128x128xf32, #tpu.memory_space<vmem>> -> memref<1x128x128xf32, #tpu.memory_space<vmem>>
      %dma_wait3A_43 = tpu.memref_squeeze %dma_wait3A_42 : memref<1x128x128xf32, #tpu.memory_space<vmem>> -> memref<128x128xf32, #tpu.memory_space<vmem>>
      %dma_wait3A_44 = arith.constant 0 : i32
      %dma_wait3A_45 = tpu.memref_slice %arg9[%add3A_9, %dma_wait3A_44] : memref<10240x128xf32, #tpu.memory_space<vmem_shared>> -> memref<128x128xf32, #tpu.memory_space<vmem_shared>>
      %dma_wait3A_46 = arith.constant 0 : i32
      %dma_wait3A_47 = tpu.memref_slice %arg9[%add3A_9, %dma_wait3A_46] : memref<10240x128xf32, #tpu.memory_space<vmem_shared>> -> memref<128x128xf32, #tpu.memory_space<vmem_shared>>
      %dma_wait3A_48 = arith.constant 0 : i32
      %dma_wait3A_49 = arith.constant 0 : i32
      %dma_wait3A_50 = tpu.memref_slice %arg8[%run_scoped3A, %dma_wait3A_48, %dma_wait3A_49] : memref<2x128x128xf32, #tpu.memory_space<vmem>> -> memref<1x128x128xf32, #tpu.memory_space<vmem>>
      %dma_wait3A_51 = tpu.memref_squeeze %dma_wait3A_50 : memref<1x128x128xf32, #tpu.memory_space<vmem>> -> memref<128x128xf32, #tpu.memory_space<vmem>>
      tpu.wait_dma2 semaphore(%run_scoped3A_29 : memref<!tpu.dma_semaphore, #tpu.memory_space<semaphore_mem>>) src(%dma_wait3A_51 : memref<128x128xf32, #tpu.memory_space<vmem>>) dst(%dma_wait3A_47 : memref<128x128xf32, #tpu.memory_space<vmem_shared>>)
      tpu.yield
    }) : () -> ()
    %add3A_10 = arith.constant 128 : i32
    %add3A_11 = arith.addi %mul3A_2, %add3A_10 : i32
    %run_scoped3A_12 = arith.constant 0 : i32
    "tpu.region"() ({
      %run_scoped3A_29 = tpu.sem_alloc : memref<!tpu.dma_semaphore, #tpu.memory_space<semaphore_mem>>
      %dma_start3A = arith.constant 0 : i32
      %dma_start3A_30 = arith.constant 0 : i32
      %dma_start3A_31 = tpu.memref_slice %arg8[%run_scoped3A_12, %dma_start3A, %dma_start3A_30] : memref<2x128x128xf32, #tpu.memory_space<vmem>> -> memref<1x128x128xf32, #tpu.memory_space<vmem>>
      %dma_start3A_32 = tpu.memref_squeeze %dma_start3A_31 : memref<1x128x128xf32, #tpu.memory_space<vmem>> -> memref<128x128xf32, #tpu.memory_space<vmem>>
      %dma_start3A_33 = arith.constant 0 : i32
      %dma_start3A_34 = tpu.memref_slice %arg9[%add3A_11, %dma_start3A_33] : memref<10240x128xf32, #tpu.memory_space<vmem_shared>> -> memref<128x128xf32, #tpu.memory_space<vmem_shared>>
      %dma_start3A_35 = arith.constant 0 : i32
      %dma_start3A_36 = tpu.memref_slice %arg9[%add3A_11, %dma_start3A_35] : memref<10240x128xf32, #tpu.memory_space<vmem_shared>> -> memref<128x128xf32, #tpu.memory_space<vmem_shared>>
      %dma_start3A_37 = arith.constant 0 : i32
      %dma_start3A_38 = arith.constant 0 : i32
      %dma_start3A_39 = tpu.memref_slice %arg8[%run_scoped3A_12, %dma_start3A_37, %dma_start3A_38] : memref<2x128x128xf32, #tpu.memory_space<vmem>> -> memref<1x128x128xf32, #tpu.memory_space<vmem>>
      %dma_start3A_40 = tpu.memref_squeeze %dma_start3A_39 : memref<1x128x128xf32, #tpu.memory_space<vmem>> -> memref<128x128xf32, #tpu.memory_space<vmem>>
      tpu.enqueue_dma source(%dma_start3A_40 : memref<128x128xf32, #tpu.memory_space<vmem>>) target(%dma_start3A_36 : memref<128x128xf32, #tpu.memory_space<vmem_shared>>) target_semaphore(%run_scoped3A_29 : memref<!tpu.dma_semaphore, #tpu.memory_space<semaphore_mem>>)
      %dma_wait3A = arith.constant 0 : i32
      %dma_wait3A_41 = arith.constant 0 : i32
      %dma_wait3A_42 = tpu.memref_slice %arg8[%run_scoped3A_12, %dma_wait3A, %dma_wait3A_41] : memref<2x128x128xf32, #tpu.memory_space<vmem>> -> memref<1x128x128xf32, #tpu.memory_space<vmem>>
      %dma_wait3A_43 = tpu.memref_squeeze %dma_wait3A_42 : memref<1x128x128xf32, #tpu.memory_space<vmem>> -> memref<128x128xf32, #tpu.memory_space<vmem>>
      %dma_wait3A_44 = arith.constant 0 : i32
      %dma_wait3A_45 = tpu.memref_slice %arg9[%add3A_11, %dma_wait3A_44] : memref<10240x128xf32, #tpu.memory_space<vmem_shared>> -> memref<128x128xf32, #tpu.memory_space<vmem_shared>>
      %dma_wait3A_46 = arith.constant 0 : i32
      %dma_wait3A_47 = tpu.memref_slice %arg9[%add3A_11, %dma_wait3A_46] : memref<10240x128xf32, #tpu.memory_space<vmem_shared>> -> memref<128x128xf32, #tpu.memory_space<vmem_shared>>
      %dma_wait3A_48 = arith.constant 0 : i32
      %dma_wait3A_49 = arith.constant 0 : i32
      %dma_wait3A_50 = tpu.memref_slice %arg8[%run_scoped3A_12, %dma_wait3A_48, %dma_wait3A_49] : memref<2x128x128xf32, #tpu.memory_space<vmem>> -> memref<1x128x128xf32, #tpu.memory_space<vmem>>
      %dma_wait3A_51 = tpu.memref_squeeze %dma_wait3A_50 : memref<1x128x128xf32, #tpu.memory_space<vmem>> -> memref<128x128xf32, #tpu.memory_space<vmem>>
      tpu.wait_dma2 semaphore(%run_scoped3A_29 : memref<!tpu.dma_semaphore, #tpu.memory_space<semaphore_mem>>) src(%dma_wait3A_51 : memref<128x128xf32, #tpu.memory_space<vmem>>) dst(%dma_wait3A_47 : memref<128x128xf32, #tpu.memory_space<vmem_shared>>)
      tpu.yield
    }) : () -> ()
    %add3A_13 = arith.constant 256 : i32
    %add3A_14 = arith.addi %mul3A_2, %add3A_13 : i32
    %run_scoped3A_15 = arith.constant 0 : i32
    "tpu.region"() ({
      %run_scoped3A_29 = tpu.sem_alloc : memref<!tpu.dma_semaphore, #tpu.memory_space<semaphore_mem>>
      %dma_start3A = arith.constant 0 : i32
      %dma_start3A_30 = arith.constant 0 : i32
      %dma_start3A_31 = tpu.memref_slice %arg8[%run_scoped3A_15, %dma_start3A, %dma_start3A_30] : memref<2x128x128xf32, #tpu.memory_space<vmem>> -> memref<1x128x128xf32, #tpu.memory_space<vmem>>
      %dma_start3A_32 = tpu.memref_squeeze %dma_start3A_31 : memref<1x128x128xf32, #tpu.memory_space<vmem>> -> memref<128x128xf32, #tpu.memory_space<vmem>>
      %dma_start3A_33 = arith.constant 0 : i32
      %dma_start3A_34 = tpu.memref_slice %arg9[%add3A_14, %dma_start3A_33] : memref<10240x128xf32, #tpu.memory_space<vmem_shared>> -> memref<128x128xf32, #tpu.memory_space<vmem_shared>>
      %dma_start3A_35 = arith.constant 0 : i32
      %dma_start3A_36 = tpu.memref_slice %arg9[%add3A_14, %dma_start3A_35] : memref<10240x128xf32, #tpu.memory_space<vmem_shared>> -> memref<128x128xf32, #tpu.memory_space<vmem_shared>>
      %dma_start3A_37 = arith.constant 0 : i32
      %dma_start3A_38 = arith.constant 0 : i32
      %dma_start3A_39 = tpu.memref_slice %arg8[%run_scoped3A_15, %dma_start3A_37, %dma_start3A_38] : memref<2x128x128xf32, #tpu.memory_space<vmem>> -> memref<1x128x128xf32, #tpu.memory_space<vmem>>
      %dma_start3A_40 = tpu.memref_squeeze %dma_start3A_39 : memref<1x128x128xf32, #tpu.memory_space<vmem>> -> memref<128x128xf32, #tpu.memory_space<vmem>>
      tpu.enqueue_dma source(%dma_start3A_40 : memref<128x128xf32, #tpu.memory_space<vmem>>) target(%dma_start3A_36 : memref<128x128xf32, #tpu.memory_space<vmem_shared>>) target_semaphore(%run_scoped3A_29 : memref<!tpu.dma_semaphore, #tpu.memory_space<semaphore_mem>>)
      %dma_wait3A = arith.constant 0 : i32
      %dma_wait3A_41 = arith.constant 0 : i32
      %dma_wait3A_42 = tpu.memref_slice %arg8[%run_scoped3A_15, %dma_wait3A, %dma_wait3A_41] : memref<2x128x128xf32, #tpu.memory_space<vmem>> -> memref<1x128x128xf32, #tpu.memory_space<vmem>>
      %dma_wait3A_43 = tpu.memref_squeeze %dma_wait3A_42 : memref<1x128x128xf32, #tpu.memory_space<vmem>> -> memref<128x128xf32, #tpu.memory_space<vmem>>
      %dma_wait3A_44 = arith.constant 0 : i32
      %dma_wait3A_45 = tpu.memref_slice %arg9[%add3A_14, %dma_wait3A_44] : memref<10240x128xf32, #tpu.memory_space<vmem_shared>> -> memref<128x128xf32, #tpu.memory_space<vmem_shared>>
      %dma_wait3A_46 = arith.constant 0 : i32
      %dma_wait3A_47 = tpu.memref_slice %arg9[%add3A_14, %dma_wait3A_46] : memref<10240x128xf32, #tpu.memory_space<vmem_shared>> -> memref<128x128xf32, #tpu.memory_space<vmem_shared>>
      %dma_wait3A_48 = arith.constant 0 : i32
      %dma_wait3A_49 = arith.constant 0 : i32
      %dma_wait3A_50 = tpu.memref_slice %arg8[%run_scoped3A_15, %dma_wait3A_48, %dma_wait3A_49] : memref<2x128x128xf32, #tpu.memory_space<vmem>> -> memref<1x128x128xf32, #tpu.memory_space<vmem>>
      %dma_wait3A_51 = tpu.memref_squeeze %dma_wait3A_50 : memref<1x128x128xf32, #tpu.memory_space<vmem>> -> memref<128x128xf32, #tpu.memory_space<vmem>>
      tpu.wait_dma2 semaphore(%run_scoped3A_29 : memref<!tpu.dma_semaphore, #tpu.memory_space<semaphore_mem>>) src(%dma_wait3A_51 : memref<128x128xf32, #tpu.memory_space<vmem>>) dst(%dma_wait3A_47 : memref<128x128xf32, #tpu.memory_space<vmem_shared>>)
      tpu.yield
    }) : () -> ()
    %add3A_16 = arith.constant 384 : i32
    %add3A_17 = arith.addi %mul3A_2, %add3A_16 : i32
    %run_scoped3A_18 = arith.constant 0 : i32
    "tpu.region"() ({
      %run_scoped3A_29 = tpu.sem_alloc : memref<!tpu.dma_semaphore, #tpu.memory_space<semaphore_mem>>
      %dma_start3A = arith.constant 0 : i32
      %dma_start3A_30 = arith.constant 0 : i32
      %dma_start3A_31 = tpu.memref_slice %arg8[%run_scoped3A_18, %dma_start3A, %dma_start3A_30] : memref<2x128x128xf32, #tpu.memory_space<vmem>> -> memref<1x128x128xf32, #tpu.memory_space<vmem>>
      %dma_start3A_32 = tpu.memref_squeeze %dma_start3A_31 : memref<1x128x128xf32, #tpu.memory_space<vmem>> -> memref<128x128xf32, #tpu.memory_space<vmem>>
      %dma_start3A_33 = arith.constant 0 : i32
      %dma_start3A_34 = tpu.memref_slice %arg9[%add3A_17, %dma_start3A_33] : memref<10240x128xf32, #tpu.memory_space<vmem_shared>> -> memref<128x128xf32, #tpu.memory_space<vmem_shared>>
      %dma_start3A_35 = arith.constant 0 : i32
      %dma_start3A_36 = tpu.memref_slice %arg9[%add3A_17, %dma_start3A_35] : memref<10240x128xf32, #tpu.memory_space<vmem_shared>> -> memref<128x128xf32, #tpu.memory_space<vmem_shared>>
      %dma_start3A_37 = arith.constant 0 : i32
      %dma_start3A_38 = arith.constant 0 : i32
      %dma_start3A_39 = tpu.memref_slice %arg8[%run_scoped3A_18, %dma_start3A_37, %dma_start3A_38] : memref<2x128x128xf32, #tpu.memory_space<vmem>> -> memref<1x128x128xf32, #tpu.memory_space<vmem>>
      %dma_start3A_40 = tpu.memref_squeeze %dma_start3A_39 : memref<1x128x128xf32, #tpu.memory_space<vmem>> -> memref<128x128xf32, #tpu.memory_space<vmem>>
      tpu.enqueue_dma source(%dma_start3A_40 : memref<128x128xf32, #tpu.memory_space<vmem>>) target(%dma_start3A_36 : memref<128x128xf32, #tpu.memory_space<vmem_shared>>) target_semaphore(%run_scoped3A_29 : memref<!tpu.dma_semaphore, #tpu.memory_space<semaphore_mem>>)
      %dma_wait3A = arith.constant 0 : i32
      %dma_wait3A_41 = arith.constant 0 : i32
      %dma_wait3A_42 = tpu.memref_slice %arg8[%run_scoped3A_18, %dma_wait3A, %dma_wait3A_41] : memref<2x128x128xf32, #tpu.memory_space<vmem>> -> memref<1x128x128xf32, #tpu.memory_space<vmem>>
      %dma_wait3A_43 = tpu.memref_squeeze %dma_wait3A_42 : memref<1x128x128xf32, #tpu.memory_space<vmem>> -> memref<128x128xf32, #tpu.memory_space<vmem>>
      %dma_wait3A_44 = arith.constant 0 : i32
      %dma_wait3A_45 = tpu.memref_slice %arg9[%add3A_17, %dma_wait3A_44] : memref<10240x128xf32, #tpu.memory_space<vmem_shared>> -> memref<128x128xf32, #tpu.memory_space<vmem_shared>>
      %dma_wait3A_46 = arith.constant 0 : i32
      %dma_wait3A_47 = tpu.memref_slice %arg9[%add3A_17, %dma_wait3A_46] : memref<10240x128xf32, #tpu.memory_space<vmem_shared>> -> memref<128x128xf32, #tpu.memory_space<vmem_shared>>
      %dma_wait3A_48 = arith.constant 0 : i32
      %dma_wait3A_49 = arith.constant 0 : i32
      %dma_wait3A_50 = tpu.memref_slice %arg8[%run_scoped3A_18, %dma_wait3A_48, %dma_wait3A_49] : memref<2x128x128xf32, #tpu.memory_space<vmem>> -> memref<1x128x128xf32, #tpu.memory_space<vmem>>
      %dma_wait3A_51 = tpu.memref_squeeze %dma_wait3A_50 : memref<1x128x128xf32, #tpu.memory_space<vmem>> -> memref<128x128xf32, #tpu.memory_space<vmem>>
      tpu.wait_dma2 semaphore(%run_scoped3A_29 : memref<!tpu.dma_semaphore, #tpu.memory_space<semaphore_mem>>) src(%dma_wait3A_51 : memref<128x128xf32, #tpu.memory_space<vmem>>) dst(%dma_wait3A_47 : memref<128x128xf32, #tpu.memory_space<vmem_shared>>)
      tpu.yield
    }) : () -> ()
    %add3A_19 = arith.constant 512 : i32
    %add3A_20 = arith.addi %mul3A_2, %add3A_19 : i32
    %run_scoped3A_21 = arith.constant 0 : i32
    "tpu.region"() ({
      %run_scoped3A_29 = tpu.sem_alloc : memref<!tpu.dma_semaphore, #tpu.memory_space<semaphore_mem>>
      %dma_start3A = arith.constant 0 : i32
      %dma_start3A_30 = arith.constant 0 : i32
      %dma_start3A_31 = tpu.memref_slice %arg8[%run_scoped3A_21, %dma_start3A, %dma_start3A_30] : memref<2x128x128xf32, #tpu.memory_space<vmem>> -> memref<1x128x128xf32, #tpu.memory_space<vmem>>
      %dma_start3A_32 = tpu.memref_squeeze %dma_start3A_31 : memref<1x128x128xf32, #tpu.memory_space<vmem>> -> memref<128x128xf32, #tpu.memory_space<vmem>>
      %dma_start3A_33 = arith.constant 0 : i32
      %dma_start3A_34 = tpu.memref_slice %arg9[%add3A_20, %dma_start3A_33] : memref<10240x128xf32, #tpu.memory_space<vmem_shared>> -> memref<128x128xf32, #tpu.memory_space<vmem_shared>>
      %dma_start3A_35 = arith.constant 0 : i32
      %dma_start3A_36 = tpu.memref_slice %arg9[%add3A_20, %dma_start3A_35] : memref<10240x128xf32, #tpu.memory_space<vmem_shared>> -> memref<128x128xf32, #tpu.memory_space<vmem_shared>>
      %dma_start3A_37 = arith.constant 0 : i32
      %dma_start3A_38 = arith.constant 0 : i32
      %dma_start3A_39 = tpu.memref_slice %arg8[%run_scoped3A_21, %dma_start3A_37, %dma_start3A_38] : memref<2x128x128xf32, #tpu.memory_space<vmem>> -> memref<1x128x128xf32, #tpu.memory_space<vmem>>
      %dma_start3A_40 = tpu.memref_squeeze %dma_start3A_39 : memref<1x128x128xf32, #tpu.memory_space<vmem>> -> memref<128x128xf32, #tpu.memory_space<vmem>>
      tpu.enqueue_dma source(%dma_start3A_40 : memref<128x128xf32, #tpu.memory_space<vmem>>) target(%dma_start3A_36 : memref<128x128xf32, #tpu.memory_space<vmem_shared>>) target_semaphore(%run_scoped3A_29 : memref<!tpu.dma_semaphore, #tpu.memory_space<semaphore_mem>>)
      %dma_wait3A = arith.constant 0 : i32
      %dma_wait3A_41 = arith.constant 0 : i32
      %dma_wait3A_42 = tpu.memref_slice %arg8[%run_scoped3A_21, %dma_wait3A, %dma_wait3A_41] : memref<2x128x128xf32, #tpu.memory_space<vmem>> -> memref<1x128x128xf32, #tpu.memory_space<vmem>>
      %dma_wait3A_43 = tpu.memref_squeeze %dma_wait3A_42 : memref<1x128x128xf32, #tpu.memory_space<vmem>> -> memref<128x128xf32, #tpu.memory_space<vmem>>
      %dma_wait3A_44 = arith.constant 0 : i32
      %dma_wait3A_45 = tpu.memref_slice %arg9[%add3A_20, %dma_wait3A_44] : memref<10240x128xf32, #tpu.memory_space<vmem_shared>> -> memref<128x128xf32, #tpu.memory_space<vmem_shared>>
      %dma_wait3A_46 = arith.constant 0 : i32
      %dma_wait3A_47 = tpu.memref_slice %arg9[%add3A_20, %dma_wait3A_46] : memref<10240x128xf32, #tpu.memory_space<vmem_shared>> -> memref<128x128xf32, #tpu.memory_space<vmem_shared>>
      %dma_wait3A_48 = arith.constant 0 : i32
      %dma_wait3A_49 = arith.constant 0 : i32
      %dma_wait3A_50 = tpu.memref_slice %arg8[%run_scoped3A_21, %dma_wait3A_48, %dma_wait3A_49] : memref<2x128x128xf32, #tpu.memory_space<vmem>> -> memref<1x128x128xf32, #tpu.memory_space<vmem>>
      %dma_wait3A_51 = tpu.memref_squeeze %dma_wait3A_50 : memref<1x128x128xf32, #tpu.memory_space<vmem>> -> memref<128x128xf32, #tpu.memory_space<vmem>>
      tpu.wait_dma2 semaphore(%run_scoped3A_29 : memref<!tpu.dma_semaphore, #tpu.memory_space<semaphore_mem>>) src(%dma_wait3A_51 : memref<128x128xf32, #tpu.memory_space<vmem>>) dst(%dma_wait3A_47 : memref<128x128xf32, #tpu.memory_space<vmem_shared>>)
      tpu.yield
    }) : () -> ()
    %barrier3A = arith.constant 0 : index
    tpu.barrier barrier_id(%barrier3A)
    %scan3A_22 = arith.constant 0 : i32
    %scan3A_23 = arith.constant 0 : i32
    %scan3A_24 = arith.constant 5 : i32
    %scan3A_25 = arith.addi %scan3A_23, %scan3A_24 : i32
    %scan3A_26 = arith.constant 1 : i32
    scf.for %scan3A_29 = %scan3A_23 to %scan3A_25 step %scan3A_26  : i32 {
      %mul3A_30 = arith.constant 16 : i32
      %mul3A_31 = arith.muli %scan3A_29, %mul3A_30 : i32
      "tpu.region"() ({
        %run_scoped3A_51 = tpu.sem_alloc : memref<!tpu.dma_semaphore, #tpu.memory_space<semaphore_mem>>
        %dma_start3A_52 = arith.constant 0 : i32
        %dma_start3A_53 = tpu.memref_slice %arg3[%add3A, %mul3A_31, %dma_start3A_52] : memref<32x80x128xi32, #tpu.memory_space<hbm>> -> memref<1x16x128xi32, #tpu.memory_space<hbm>>
        %dma_start3A_54 = tpu.memref_squeeze %dma_start3A_53 : memref<1x16x128xi32, #tpu.memory_space<hbm>> -> memref<16x128xi32, #tpu.memory_space<hbm>>
        %dma_start3A_55 = arith.constant 0 : i32
        %dma_start3A_56 = tpu.memref_slice %arg3[%add3A, %mul3A_31, %dma_start3A_55] : memref<32x80x128xi32, #tpu.memory_space<hbm>> -> memref<1x16x128xi32, #tpu.memory_space<hbm>>
        %dma_start3A_57 = tpu.memref_squeeze %dma_start3A_56 : memref<1x16x128xi32, #tpu.memory_space<hbm>> -> memref<16x128xi32, #tpu.memory_space<hbm>>
        tpu.enqueue_dma source(%dma_start3A_57 : memref<16x128xi32, #tpu.memory_space<hbm>>) target(%arg6 : memref<16x128xi32, #tpu.memory_space<vmem>>) target_semaphore(%run_scoped3A_51 : memref<!tpu.dma_semaphore, #tpu.memory_space<semaphore_mem>>)
        %dma_wait3A = arith.constant 0 : i32
        %dma_wait3A_58 = tpu.memref_slice %arg3[%add3A, %mul3A_31, %dma_wait3A] : memref<32x80x128xi32, #tpu.memory_space<hbm>> -> memref<1x16x128xi32, #tpu.memory_space<hbm>>
        %dma_wait3A_59 = tpu.memref_squeeze %dma_wait3A_58 : memref<1x16x128xi32, #tpu.memory_space<hbm>> -> memref<16x128xi32, #tpu.memory_space<hbm>>
        %dma_wait3A_60 = arith.constant 0 : i32
        %dma_wait3A_61 = tpu.memref_slice %arg3[%add3A, %mul3A_31, %dma_wait3A_60] : memref<32x80x128xi32, #tpu.memory_space<hbm>> -> memref<1x16x128xi32, #tpu.memory_space<hbm>>
        %dma_wait3A_62 = tpu.memref_squeeze %dma_wait3A_61 : memref<1x16x128xi32, #tpu.memory_space<hbm>> -> memref<16x128xi32, #tpu.memory_space<hbm>>
        tpu.wait_dma2 semaphore(%run_scoped3A_51 : memref<!tpu.dma_semaphore, #tpu.memory_space<semaphore_mem>>) src(%dma_wait3A_62 : memref<16x128xi32, #tpu.memory_space<hbm>>) dst(%arg6 : memref<16x128xi32, #tpu.memory_space<vmem>>)
        tpu.yield
      }) : () -> ()
      %mul3A_32 = arith.constant 16 : i32
      %mul3A_33 = arith.muli %scan3A_29, %mul3A_32 : i32
      "tpu.region"() ({
        %run_scoped3A_51 = tpu.sem_alloc : memref<!tpu.dma_semaphore, #tpu.memory_space<semaphore_mem>>
        %dma_start3A_52 = arith.constant 0 : i32
        %dma_start3A_53 = tpu.memref_slice %arg4[%add3A, %mul3A_33, %dma_start3A_52] : memref<32x80x128xi32, #tpu.memory_space<hbm>> -> memref<1x16x128xi32, #tpu.memory_space<hbm>>
        %dma_start3A_54 = tpu.memref_squeeze %dma_start3A_53 : memref<1x16x128xi32, #tpu.memory_space<hbm>> -> memref<16x128xi32, #tpu.memory_space<hbm>>
        %dma_start3A_55 = arith.constant 0 : i32
        %dma_start3A_56 = tpu.memref_slice %arg4[%add3A, %mul3A_33, %dma_start3A_55] : memref<32x80x128xi32, #tpu.memory_space<hbm>> -> memref<1x16x128xi32, #tpu.memory_space<hbm>>
        %dma_start3A_57 = tpu.memref_squeeze %dma_start3A_56 : memref<1x16x128xi32, #tpu.memory_space<hbm>> -> memref<16x128xi32, #tpu.memory_space<hbm>>
        tpu.enqueue_dma source(%dma_start3A_57 : memref<16x128xi32, #tpu.memory_space<hbm>>) target(%arg7 : memref<16x128xi32, #tpu.memory_space<vmem>>) target_semaphore(%run_scoped3A_51 : memref<!tpu.dma_semaphore, #tpu.memory_space<semaphore_mem>>)
        %dma_wait3A = arith.constant 0 : i32
        %dma_wait3A_58 = tpu.memref_slice %arg4[%add3A, %mul3A_33, %dma_wait3A] : memref<32x80x128xi32, #tpu.memory_space<hbm>> -> memref<1x16x128xi32, #tpu.memory_space<hbm>>
        %dma_wait3A_59 = tpu.memref_squeeze %dma_wait3A_58 : memref<1x16x128xi32, #tpu.memory_space<hbm>> -> memref<16x128xi32, #tpu.memory_space<hbm>>
        %dma_wait3A_60 = arith.constant 0 : i32
        %dma_wait3A_61 = tpu.memref_slice %arg4[%add3A, %mul3A_33, %dma_wait3A_60] : memref<32x80x128xi32, #tpu.memory_space<hbm>> -> memref<1x16x128xi32, #tpu.memory_space<hbm>>
        %dma_wait3A_62 = tpu.memref_squeeze %dma_wait3A_61 : memref<1x16x128xi32, #tpu.memory_space<hbm>> -> memref<16x128xi32, #tpu.memory_space<hbm>>
        tpu.wait_dma2 semaphore(%run_scoped3A_51 : memref<!tpu.dma_semaphore, #tpu.memory_space<semaphore_mem>>) src(%dma_wait3A_62 : memref<16x128xi32, #tpu.memory_space<hbm>>) dst(%arg7 : memref<16x128xi32, #tpu.memory_space<vmem>>)
        tpu.yield
      }) : () -> ()
      %dma_start3A = arith.constant 0 : i32
      %dma_start3A_34 = arith.constant 0 : i32
      %dma_start3A_35 = arith.constant 0 : i32
      %dma_start3A_36 = arith.constant 0 : i32
      %dma_start3A_37 = tpu.memref_slice %arg8[%dma_start3A_34, %dma_start3A_35, %dma_start3A_36] : memref<2x128x128xf32, #tpu.memory_space<vmem>> -> memref<1x128x128xf32, #tpu.memory_space<vmem>>
      %dma_start3A_38 = tpu.memref_squeeze %dma_start3A_37 : memref<1x128x128xf32, #tpu.memory_space<vmem>> -> memref<128x128xf32, #tpu.memory_space<vmem>>
      %dma_start3A_39 = arith.constant 0 : i32
      %dma_start3A_40 = tpu.memref_slice %arg6[%dma_start3A, %dma_start3A_39] : memref<16x128xi32, #tpu.memory_space<vmem>> -> memref<1x128xi32, #tpu.memory_space<vmem>>
      %dma_start3A_41 = tpu.memref_squeeze %dma_start3A_40 : memref<1x128xi32, #tpu.memory_space<vmem>> -> memref<128xi32, #tpu.memory_space<vmem>>
      %dma_start3A_42 = arith.constant 0 : i32
      %dma_start3A_43 = arith.constant 0 : i32
      %dma_start3A_44 = tpu.memref_slice %arg2[%dma_start3A_42, %dma_start3A_43] : memref<10240x128xf32, #tpu.memory_space<hbm>> -> memref<10240x128xf32, #tpu.memory_space<hbm>>
      tpu.enqueue_indirect_dma source(%dma_start3A_44 : memref<10240x128xf32, #tpu.memory_space<hbm>>) target(%dma_start3A_38 : memref<128x128xf32, #tpu.memory_space<vmem>>) offsets(%dma_start3A_41 : memref<128xi32, #tpu.memory_space<vmem>>) semaphore(%arg10 : memref<!tpu.dma_semaphore, #tpu.memory_space<semaphore_mem>>)
      %scan3A_45 = arith.constant 0 : i32
      %scan3A_46 = arith.constant 0 : i32
      %scan3A_47 = arith.constant 8 : i32
      %scan3A_48 = arith.addi %scan3A_46, %scan3A_47 : i32
      %scan3A_49 = arith.constant 1 : i32
      scf.for %scan3A_51 = %scan3A_46 to %scan3A_48 step %scan3A_49  : i32 {
        %mul3A_52 = arith.constant 2 : i32
        %mul3A_53 = arith.muli %mul3A_52, %scan3A_51 : i32
        %dma_wait3A = arith.constant 0 : i32
        %dma_wait3A_54 = arith.constant 0 : i32
        %dma_wait3A_55 = arith.constant 0 : i32
        %dma_wait3A_56 = tpu.memref_slice %arg8[%dma_wait3A, %dma_wait3A_54, %dma_wait3A_55] : memref<2x128x128xf32, #tpu.memory_space<vmem>> -> memref<1x128x128xf32, #tpu.memory_space<vmem>>
        %dma_wait3A_57 = tpu.memref_squeeze %dma_wait3A_56 : memref<1x128x128xf32, #tpu.memory_space<vmem>> -> memref<128x128xf32, #tpu.memory_space<vmem>>
        %dma_wait3A_58 = arith.constant 0 : i32
        %dma_wait3A_59 = tpu.memref_slice %arg6[%mul3A_53, %dma_wait3A_58] : memref<16x128xi32, #tpu.memory_space<vmem>> -> memref<1x128xi32, #tpu.memory_space<vmem>>
        %dma_wait3A_60 = tpu.memref_squeeze %dma_wait3A_59 : memref<1x128xi32, #tpu.memory_space<vmem>> -> memref<128xi32, #tpu.memory_space<vmem>>
        %dma_wait3A_61 = arith.constant 0 : i32
        %dma_wait3A_62 = arith.constant 0 : i32
        %dma_wait3A_63 = tpu.memref_slice %arg2[%dma_wait3A_61, %dma_wait3A_62] : memref<10240x128xf32, #tpu.memory_space<hbm>> -> memref<10240x128xf32, #tpu.memory_space<hbm>>
        tpu.wait_indirect_dma semaphore(%arg10 : memref<!tpu.dma_semaphore, #tpu.memory_space<semaphore_mem>>) src(%dma_wait3A_63 : memref<10240x128xf32, #tpu.memory_space<hbm>>) dst(%dma_wait3A_57 : memref<128x128xf32, #tpu.memory_space<vmem>>)
        %add3A_64 = arith.constant 1 : i32
        %add3A_65 = arith.addi %mul3A_53, %add3A_64 : i32
        %dma_start3A_66 = arith.constant 1 : i32
        %dma_start3A_67 = arith.constant 0 : i32
        %dma_start3A_68 = arith.constant 0 : i32
        %dma_start3A_69 = tpu.memref_slice %arg8[%dma_start3A_66, %dma_start3A_67, %dma_start3A_68] : memref<2x128x128xf32, #tpu.memory_space<vmem>> -> memref<1x128x128xf32, #tpu.memory_space<vmem>>
        %dma_start3A_70 = tpu.memref_squeeze %dma_start3A_69 : memref<1x128x128xf32, #tpu.memory_space<vmem>> -> memref<128x128xf32, #tpu.memory_space<vmem>>
        %dma_start3A_71 = arith.constant 0 : i32
        %dma_start3A_72 = tpu.memref_slice %arg6[%add3A_65, %dma_start3A_71] : memref<16x128xi32, #tpu.memory_space<vmem>> -> memref<1x128xi32, #tpu.memory_space<vmem>>
        %dma_start3A_73 = tpu.memref_squeeze %dma_start3A_72 : memref<1x128xi32, #tpu.memory_space<vmem>> -> memref<128xi32, #tpu.memory_space<vmem>>
        %dma_start3A_74 = arith.constant 0 : i32
        %dma_start3A_75 = arith.constant 0 : i32
        %dma_start3A_76 = tpu.memref_slice %arg2[%dma_start3A_74, %dma_start3A_75] : memref<10240x128xf32, #tpu.memory_space<hbm>> -> memref<10240x128xf32, #tpu.memory_space<hbm>>
        tpu.enqueue_indirect_dma source(%dma_start3A_76 : memref<10240x128xf32, #tpu.memory_space<hbm>>) target(%dma_start3A_70 : memref<128x128xf32, #tpu.memory_space<vmem>>) offsets(%dma_start3A_73 : memref<128xi32, #tpu.memory_space<vmem>>) semaphore(%arg11 : memref<!tpu.dma_semaphore, #tpu.memory_space<semaphore_mem>>)
        %run_scoped3A_77 = arith.constant 0 : i32
        "tpu.region"() ({
          %run_scoped3A_98 = tpu.sem_alloc : memref<!tpu.dma_semaphore, #tpu.memory_space<semaphore_mem>>
          %dma_start3A_99 = arith.constant 0 : i32
          %dma_start3A_100 = arith.constant 0 : i32
          %dma_start3A_101 = tpu.memref_slice %arg8[%run_scoped3A_77, %dma_start3A_99, %dma_start3A_100] : memref<2x128x128xf32, #tpu.memory_space<vmem>> -> memref<1x128x128xf32, #tpu.memory_space<vmem>>
          %dma_start3A_102 = tpu.memref_squeeze %dma_start3A_101 : memref<1x128x128xf32, #tpu.memory_space<vmem>> -> memref<128x128xf32, #tpu.memory_space<vmem>>
          %dma_start3A_103 = arith.constant 0 : i32
          %dma_start3A_104 = tpu.memref_slice %arg7[%mul3A_53, %dma_start3A_103] : memref<16x128xi32, #tpu.memory_space<vmem>> -> memref<1x128xi32, #tpu.memory_space<vmem>>
          %dma_start3A_105 = tpu.memref_squeeze %dma_start3A_104 : memref<1x128xi32, #tpu.memory_space<vmem>> -> memref<128xi32, #tpu.memory_space<vmem>>
          %dma_start3A_106 = arith.constant 0 : i32
          %dma_start3A_107 = arith.constant 0 : i32
          %dma_start3A_108 = tpu.memref_slice %arg9[%dma_start3A_106, %dma_start3A_107] : memref<10240x128xf32, #tpu.memory_space<vmem_shared>> -> memref<10240x128xf32, #tpu.memory_space<vmem_shared>>
          tpu.enqueue_indirect_dma source(%dma_start3A_102 : memref<128x128xf32, #tpu.memory_space<vmem>>) target(%dma_start3A_108 : memref<10240x128xf32, #tpu.memory_space<vmem_shared>>) offsets(%dma_start3A_105 : memref<128xi32, #tpu.memory_space<vmem>>) semaphore(%run_scoped3A_98 : memref<!tpu.dma_semaphore, #tpu.memory_space<semaphore_mem>>) {add = true}
          %dma_wait3A_109 = arith.constant 0 : i32
          %dma_wait3A_110 = arith.constant 0 : i32
          %dma_wait3A_111 = tpu.memref_slice %arg8[%run_scoped3A_77, %dma_wait3A_109, %dma_wait3A_110] : memref<2x128x128xf32, #tpu.memory_space<vmem>> -> memref<1x128x128xf32, #tpu.memory_space<vmem>>
          %dma_wait3A_112 = tpu.memref_squeeze %dma_wait3A_111 : memref<1x128x128xf32, #tpu.memory_space<vmem>> -> memref<128x128xf32, #tpu.memory_space<vmem>>
          %dma_wait3A_113 = arith.constant 0 : i32
          %dma_wait3A_114 = tpu.memref_slice %arg7[%mul3A_53, %dma_wait3A_113] : memref<16x128xi32, #tpu.memory_space<vmem>> -> memref<1x128xi32, #tpu.memory_space<vmem>>
          %dma_wait3A_115 = tpu.memref_squeeze %dma_wait3A_114 : memref<1x128xi32, #tpu.memory_space<vmem>> -> memref<128xi32, #tpu.memory_space<vmem>>
          %dma_wait3A_116 = arith.constant 0 : i32
          %dma_wait3A_117 = arith.constant 0 : i32
          %dma_wait3A_118 = tpu.memref_slice %arg9[%dma_wait3A_116, %dma_wait3A_117] : memref<10240x128xf32, #tpu.memory_space<vmem_shared>> -> memref<10240x128xf32, #tpu.memory_space<vmem_shared>>
          tpu.wait_indirect_dma semaphore(%run_scoped3A_98 : memref<!tpu.dma_semaphore, #tpu.memory_space<semaphore_mem>>) src(%dma_wait3A_112 : memref<128x128xf32, #tpu.memory_space<vmem>>) dst(%dma_wait3A_118 : memref<10240x128xf32, #tpu.memory_space<vmem_shared>>)
          tpu.yield
        }) : () -> ()
        %add3A_78 = arith.constant 1 : i32
        %add3A_79 = arith.addi %mul3A_53, %add3A_78 : i32
        %dma_wait3A_80 = arith.constant 1 : i32
        %dma_wait3A_81 = arith.constant 0 : i32
        %dma_wait3A_82 = arith.constant 0 : i32
        %dma_wait3A_83 = tpu.memref_slice %arg8[%dma_wait3A_80, %dma_wait3A_81, %dma_wait3A_82] : memref<2x128x128xf32, #tpu.memory_space<vmem>> -> memref<1x128x128xf32, #tpu.memory_space<vmem>>
        %dma_wait3A_84 = tpu.memref_squeeze %dma_wait3A_83 : memref<1x128x128xf32, #tpu.memory_space<vmem>> -> memref<128x128xf32, #tpu.memory_space<vmem>>
        %dma_wait3A_85 = arith.constant 0 : i32
        %dma_wait3A_86 = tpu.memref_slice %arg6[%add3A_79, %dma_wait3A_85] : memref<16x128xi32, #tpu.memory_space<vmem>> -> memref<1x128xi32, #tpu.memory_space<vmem>>
        %dma_wait3A_87 = tpu.memref_squeeze %dma_wait3A_86 : memref<1x128xi32, #tpu.memory_space<vmem>> -> memref<128xi32, #tpu.memory_space<vmem>>
        %dma_wait3A_88 = arith.constant 0 : i32
        %dma_wait3A_89 = arith.constant 0 : i32
        %dma_wait3A_90 = tpu.memref_slice %arg2[%dma_wait3A_88, %dma_wait3A_89] : memref<10240x128xf32, #tpu.memory_space<hbm>> -> memref<10240x128xf32, #tpu.memory_space<hbm>>
        tpu.wait_indirect_dma semaphore(%arg11 : memref<!tpu.dma_semaphore, #tpu.memory_space<semaphore_mem>>) src(%dma_wait3A_90 : memref<10240x128xf32, #tpu.memory_space<hbm>>) dst(%dma_wait3A_84 : memref<128x128xf32, #tpu.memory_space<vmem>>)
        %add3A_91 = arith.constant 2 : i32
        %add3A_92 = arith.addi %mul3A_53, %add3A_91 : i32
        %lt3A = arith.constant 16 : i32
        %lt3A_93 = arith.cmpi slt, %add3A_92, %lt3A : i32
        %convert_element_type3A = arith.extui %lt3A_93 : i1 to i32
        %cond3A = arith.constant 0 : i32
        %cond3A_94 = arith.cmpi ne, %convert_element_type3A, %cond3A : i32
        scf.if %cond3A_94 {
          %add3A_98 = arith.constant 2 : i32
          %add3A_99 = arith.addi %mul3A_53, %add3A_98 : i32
          %dma_start3A_100 = arith.constant 0 : i32
          %dma_start3A_101 = arith.constant 0 : i32
          %dma_start3A_102 = arith.constant 0 : i32
          %dma_start3A_103 = tpu.memref_slice %arg8[%dma_start3A_100, %dma_start3A_101, %dma_start3A_102] : memref<2x128x128xf32, #tpu.memory_space<vmem>> -> memref<1x128x128xf32, #tpu.memory_space<vmem>>
          %dma_start3A_104 = tpu.memref_squeeze %dma_start3A_103 : memref<1x128x128xf32, #tpu.memory_space<vmem>> -> memref<128x128xf32, #tpu.memory_space<vmem>>
          %dma_start3A_105 = arith.constant 0 : i32
          %dma_start3A_106 = tpu.memref_slice %arg6[%add3A_99, %dma_start3A_105] : memref<16x128xi32, #tpu.memory_space<vmem>> -> memref<1x128xi32, #tpu.memory_space<vmem>>
          %dma_start3A_107 = tpu.memref_squeeze %dma_start3A_106 : memref<1x128xi32, #tpu.memory_space<vmem>> -> memref<128xi32, #tpu.memory_space<vmem>>
          %dma_start3A_108 = arith.constant 0 : i32
          %dma_start3A_109 = arith.constant 0 : i32
          %dma_start3A_110 = tpu.memref_slice %arg2[%dma_start3A_108, %dma_start3A_109] : memref<10240x128xf32, #tpu.memory_space<hbm>> -> memref<10240x128xf32, #tpu.memory_space<hbm>>
          tpu.enqueue_indirect_dma source(%dma_start3A_110 : memref<10240x128xf32, #tpu.memory_space<hbm>>) target(%dma_start3A_104 : memref<128x128xf32, #tpu.memory_space<vmem>>) offsets(%dma_start3A_107 : memref<128xi32, #tpu.memory_space<vmem>>) semaphore(%arg10 : memref<!tpu.dma_semaphore, #tpu.memory_space<semaphore_mem>>)
        } else {
        }
        %add3A_95 = arith.constant 1 : i32
        %add3A_96 = arith.addi %mul3A_53, %add3A_95 : i32
        %run_scoped3A_97 = arith.constant 1 : i32
        "tpu.region"() ({
          %run_scoped3A_98 = tpu.sem_alloc : memref<!tpu.dma_semaphore, #tpu.memory_space<semaphore_mem>>
          %dma_start3A_99 = arith.constant 0 : i32
          %dma_start3A_100 = arith.constant 0 : i32
          %dma_start3A_101 = tpu.memref_slice %arg8[%run_scoped3A_97, %dma_start3A_99, %dma_start3A_100] : memref<2x128x128xf32, #tpu.memory_space<vmem>> -> memref<1x128x128xf32, #tpu.memory_space<vmem>>
          %dma_start3A_102 = tpu.memref_squeeze %dma_start3A_101 : memref<1x128x128xf32, #tpu.memory_space<vmem>> -> memref<128x128xf32, #tpu.memory_space<vmem>>
          %dma_start3A_103 = arith.constant 0 : i32
          %dma_start3A_104 = tpu.memref_slice %arg7[%add3A_96, %dma_start3A_103] : memref<16x128xi32, #tpu.memory_space<vmem>> -> memref<1x128xi32, #tpu.memory_space<vmem>>
          %dma_start3A_105 = tpu.memref_squeeze %dma_start3A_104 : memref<1x128xi32, #tpu.memory_space<vmem>> -> memref<128xi32, #tpu.memory_space<vmem>>
          %dma_start3A_106 = arith.constant 0 : i32
          %dma_start3A_107 = arith.constant 0 : i32
          %dma_start3A_108 = tpu.memref_slice %arg9[%dma_start3A_106, %dma_start3A_107] : memref<10240x128xf32, #tpu.memory_space<vmem_shared>> -> memref<10240x128xf32, #tpu.memory_space<vmem_shared>>
          tpu.enqueue_indirect_dma source(%dma_start3A_102 : memref<128x128xf32, #tpu.memory_space<vmem>>) target(%dma_start3A_108 : memref<10240x128xf32, #tpu.memory_space<vmem_shared>>) offsets(%dma_start3A_105 : memref<128xi32, #tpu.memory_space<vmem>>) semaphore(%run_scoped3A_98 : memref<!tpu.dma_semaphore, #tpu.memory_space<semaphore_mem>>) {add = true}
          %dma_wait3A_109 = arith.constant 0 : i32
          %dma_wait3A_110 = arith.constant 0 : i32
          %dma_wait3A_111 = tpu.memref_slice %arg8[%run_scoped3A_97, %dma_wait3A_109, %dma_wait3A_110] : memref<2x128x128xf32, #tpu.memory_space<vmem>> -> memref<1x128x128xf32, #tpu.memory_space<vmem>>
          %dma_wait3A_112 = tpu.memref_squeeze %dma_wait3A_111 : memref<1x128x128xf32, #tpu.memory_space<vmem>> -> memref<128x128xf32, #tpu.memory_space<vmem>>
          %dma_wait3A_113 = arith.constant 0 : i32
          %dma_wait3A_114 = tpu.memref_slice %arg7[%add3A_96, %dma_wait3A_113] : memref<16x128xi32, #tpu.memory_space<vmem>> -> memref<1x128xi32, #tpu.memory_space<vmem>>
          %dma_wait3A_115 = tpu.memref_squeeze %dma_wait3A_114 : memref<1x128xi32, #tpu.memory_space<vmem>> -> memref<128xi32, #tpu.memory_space<vmem>>
          %dma_wait3A_116 = arith.constant 0 : i32
          %dma_wait3A_117 = arith.constant 0 : i32
          %dma_wait3A_118 = tpu.memref_slice %arg9[%dma_wait3A_116, %dma_wait3A_117] : memref<10240x128xf32, #tpu.memory_space<vmem_shared>> -> memref<10240x128xf32, #tpu.memory_space<vmem_shared>>
          tpu.wait_indirect_dma semaphore(%run_scoped3A_98 : memref<!tpu.dma_semaphore, #tpu.memory_space<semaphore_mem>>) src(%dma_wait3A_112 : memref<128x128xf32, #tpu.memory_space<vmem>>) dst(%dma_wait3A_118 : memref<10240x128xf32, #tpu.memory_space<vmem_shared>>)
          tpu.yield
        }) : () -> ()
      }
      %scan3A_50 = arith.constant 8 : i32
    }
    %scan3A_27 = arith.constant 5 : i32
    %barrier3A_28 = arith.constant 0 : index
    tpu.barrier barrier_id(%barrier3A_28)
    "tpu.region"() ({
      %run_scoped3A_29 = tpu.sem_alloc : memref<!tpu.dma_semaphore, #tpu.memory_space<semaphore_mem>>
      %dma_start3A = arith.constant 0 : i32
      %dma_start3A_30 = arith.constant 0 : i32
      %dma_start3A_31 = tpu.memref_slice %arg5[%arg0, %arg1, %dma_start3A, %dma_start3A_30] : memref<2x16x640x128xf32, #tpu.memory_space<hbm>> -> memref<1x1x640x128xf32, #tpu.memory_space<hbm>>
      %dma_start3A_32 = tpu.memref_squeeze %dma_start3A_31 : memref<1x1x640x128xf32, #tpu.memory_space<hbm>> -> memref<640x128xf32, #tpu.memory_space<hbm>>
      %dma_start3A_33 = arith.constant 0 : i32
      %dma_start3A_34 = tpu.memref_slice %arg9[%mul3A_2, %dma_start3A_33] : memref<10240x128xf32, #tpu.memory_space<vmem_shared>> -> memref<640x128xf32, #tpu.memory_space<vmem_shared>>
      tpu.enqueue_dma source(%dma_start3A_34 : memref<640x128xf32, #tpu.memory_space<vmem_shared>>) target(%dma_start3A_32 : memref<640x128xf32, #tpu.memory_space<hbm>>) target_semaphore(%run_scoped3A_29 : memref<!tpu.dma_semaphore, #tpu.memory_space<semaphore_mem>>)
      %dma_wait3A = arith.constant 0 : i32
      %dma_wait3A_35 = arith.constant 0 : i32
      %dma_wait3A_36 = tpu.memref_slice %arg5[%arg0, %arg1, %dma_wait3A, %dma_wait3A_35] : memref<2x16x640x128xf32, #tpu.memory_space<hbm>> -> memref<1x1x640x128xf32, #tpu.memory_space<hbm>>
      %dma_wait3A_37 = tpu.memref_squeeze %dma_wait3A_36 : memref<1x1x640x128xf32, #tpu.memory_space<hbm>> -> memref<640x128xf32, #tpu.memory_space<hbm>>
      %dma_wait3A_38 = arith.constant 0 : i32
      %dma_wait3A_39 = tpu.memref_slice %arg9[%mul3A_2, %dma_wait3A_38] : memref<10240x128xf32, #tpu.memory_space<vmem_shared>> -> memref<640x128xf32, #tpu.memory_space<vmem_shared>>
      tpu.wait_dma2 semaphore(%run_scoped3A_29 : memref<!tpu.dma_semaphore, #tpu.memory_space<semaphore_mem>>) src(%dma_wait3A_39 : memref<640x128xf32, #tpu.memory_space<vmem_shared>>) dst(%dma_wait3A_37 : memref<640x128xf32, #tpu.memory_space<hbm>>)
      tpu.yield
    }) : () -> ()
    return
  }
}

#map = affine_map<(d0, d1) -> (0, 0)>
#map1 = affine_map<(d0, d1) -> (0, 0, 0)>
#map2 = affine_map<(d0, d1) -> (0, 0, 0, 0)>
module attributes {stable_mosaic.version = 14 : i64} {
  func.func @prop_kernel(%arg0: i32, %arg1: i32, %arg2: memref<10240x128xf32, #tpu.memory_space<hbm>>, %arg3: memref<32x80x128xi32, #tpu.memory_space<hbm>>, %arg4: memref<32x80x128xi32, #tpu.memory_space<hbm>>, %arg5: memref<2x16x640x128xf32, #tpu.memory_space<hbm>>, %arg6: memref<16x128xi32, #tpu.memory_space<vmem>>, %arg7: memref<16x128xi32, #tpu.memory_space<vmem>>, %arg8: memref<2x128x128xf32, #tpu.memory_space<vmem>>, %arg9: memref<10240x128xf32, #tpu.memory_space<vmem_shared>>, %arg10: memref<!tpu.dma_semaphore, #tpu.memory_space<semaphore_mem>>, %arg11: memref<!tpu.dma_semaphore, #tpu.memory_space<semaphore_mem>>) attributes {dimension_semantics = [#tpu.dimension_semantics<core_parallel>, #tpu.dimension_semantics<subcore_parallel>], iteration_bounds = array<i64: 2, 16>, scalar_prefetch = 0 : i64, scratch_operands = 6 : i64, tpu.core_type = #tpu.core_type<sc_vector_subcore>, window_params = [{transform_indices = #map}, {transform_indices = #map1}, {transform_indices = #map1}, {transform_indices = #map2}]} {
    %mul3A = arith.constant 2 : i32
    %mul3A_0 = arith.muli %arg1, %mul3A : i32
    %add3A = arith.addi %mul3A_0, %arg0 : i32
    %mul3A_1 = arith.constant 640 : i32
    %mul3A_2 = arith.muli %arg1, %mul3A_1 : i32
    %scan3A = arith.constant 0 : i32
    %scan3A_3 = arith.constant 0 : i32
    %scan3A_4 = arith.constant 128 : i32
    %scan3A_5 = arith.addi %scan3A_3, %scan3A_4 : i32
    %scan3A_6 = arith.constant 1 : i32
    scf.for %scan3A_29 = %scan3A_3 to %scan3A_5 step %scan3A_6  : i32 {
      %broadcast_in_dim3A = arith.constant 0.000000e+00 : f32
      %broadcast_in_dim3A_30 = vector.broadcast %broadcast_in_dim3A : f32 to vector<16xf32>
      %swap3A = arith.constant 0 : i32
      %swap3A_31 = arith.index_cast %swap3A : i32 to index
      %swap3A_32 = arith.index_cast %scan3A_29 : i32 to index
      %swap3A_33 = arith.constant 0 : index
      %swap3A_34 = tpu.vector_load %arg8[%swap3A_31, %swap3A_32, %swap3A_33] {strides = array<i32>} : memref<2x128x128xf32, #tpu.memory_space<vmem>>, vector<1x1x16xf32>,
      %swap3A_35 = vector.shape_cast %swap3A_34 : vector<1x1x16xf32> to vector<16xf32>
      %swap3A_36 = vector.shape_cast %broadcast_in_dim3A_30 : vector<16xf32> to vector<1x1x16xf32>
      tpu.vector_store %arg8[%swap3A_31, %swap3A_32, %swap3A_33], %swap3A_36 {strides = array<i32>} : memref<2x128x128xf32, #tpu.memory_space<vmem>>, vector<1x1x16xf32>,
      %broadcast_in_dim3A_37 = arith.constant 0.000000e+00 : f32
      %broadcast_in_dim3A_38 = vector.broadcast %broadcast_in_dim3A_37 : f32 to vector<16xf32>
      %swap3A_39 = arith.constant 0 : i32
      %swap3A_40 = arith.index_cast %swap3A_39 : i32 to index
      %swap3A_41 = arith.index_cast %scan3A_29 : i32 to index
      %swap3A_42 = arith.constant 16 : index
      %swap3A_43 = tpu.vector_load %arg8[%swap3A_40, %swap3A_41, %swap3A_42] {strides = array<i32>} : memref<2x128x128xf32, #tpu.memory_space<vmem>>, vector<1x1x16xf32>,
      %swap3A_44 = vector.shape_cast %swap3A_43 : vector<1x1x16xf32> to vector<16xf32>
      %swap3A_45 = vector.shape_cast %broadcast_in_dim3A_38 : vector<16xf32> to vector<1x1x16xf32>
      tpu.vector_store %arg8[%swap3A_40, %swap3A_41, %swap3A_42], %swap3A_45 {strides = array<i32>} : memref<2x128x128xf32, #tpu.memory_space<vmem>>, vector<1x1x16xf32>,
      %broadcast_in_dim3A_46 = arith.constant 0.000000e+00 : f32
      %broadcast_in_dim3A_47 = vector.broadcast %broadcast_in_dim3A_46 : f32 to vector<16xf32>
      %swap3A_48 = arith.constant 0 : i32
      %swap3A_49 = arith.index_cast %swap3A_48 : i32 to index
      %swap3A_50 = arith.index_cast %scan3A_29 : i32 to index
      %swap3A_51 = arith.constant 32 : index
      %swap3A_52 = tpu.vector_load %arg8[%swap3A_49, %swap3A_50, %swap3A_51] {strides = array<i32>} : memref<2x128x128xf32, #tpu.memory_space<vmem>>, vector<1x1x16xf32>,
      %swap3A_53 = vector.shape_cast %swap3A_52 : vector<1x1x16xf32> to vector<16xf32>
      %swap3A_54 = vector.shape_cast %broadcast_in_dim3A_47 : vector<16xf32> to vector<1x1x16xf32>
      tpu.vector_store %arg8[%swap3A_49, %swap3A_50, %swap3A_51], %swap3A_54 {strides = array<i32>} : memref<2x128x128xf32, #tpu.memory_space<vmem>>, vector<1x1x16xf32>,
      %broadcast_in_dim3A_55 = arith.constant 0.000000e+00 : f32
      %broadcast_in_dim3A_56 = vector.broadcast %broadcast_in_dim3A_55 : f32 to vector<16xf32>
      %swap3A_57 = arith.constant 0 : i32
      %swap3A_58 = arith.index_cast %swap3A_57 : i32 to index
      %swap3A_59 = arith.index_cast %scan3A_29 : i32 to index
      %swap3A_60 = arith.constant 48 : index
      %swap3A_61 = tpu.vector_load %arg8[%swap3A_58, %swap3A_59, %swap3A_60] {strides = array<i32>} : memref<2x128x128xf32, #tpu.memory_space<vmem>>, vector<1x1x16xf32>,
      %swap3A_62 = vector.shape_cast %swap3A_61 : vector<1x1x16xf32> to vector<16xf32>
      %swap3A_63 = vector.shape_cast %broadcast_in_dim3A_56 : vector<16xf32> to vector<1x1x16xf32>
      tpu.vector_store %arg8[%swap3A_58, %swap3A_59, %swap3A_60], %swap3A_63 {strides = array<i32>} : memref<2x128x128xf32, #tpu.memory_space<vmem>>, vector<1x1x16xf32>,
      %broadcast_in_dim3A_64 = arith.constant 0.000000e+00 : f32
      %broadcast_in_dim3A_65 = vector.broadcast %broadcast_in_dim3A_64 : f32 to vector<16xf32>
      %swap3A_66 = arith.constant 0 : i32
      %swap3A_67 = arith.index_cast %swap3A_66 : i32 to index
      %swap3A_68 = arith.index_cast %scan3A_29 : i32 to index
      %swap3A_69 = arith.constant 64 : index
      %swap3A_70 = tpu.vector_load %arg8[%swap3A_67, %swap3A_68, %swap3A_69] {strides = array<i32>} : memref<2x128x128xf32, #tpu.memory_space<vmem>>, vector<1x1x16xf32>,
      %swap3A_71 = vector.shape_cast %swap3A_70 : vector<1x1x16xf32> to vector<16xf32>
      %swap3A_72 = vector.shape_cast %broadcast_in_dim3A_65 : vector<16xf32> to vector<1x1x16xf32>
      tpu.vector_store %arg8[%swap3A_67, %swap3A_68, %swap3A_69], %swap3A_72 {strides = array<i32>} : memref<2x128x128xf32, #tpu.memory_space<vmem>>, vector<1x1x16xf32>,
      %broadcast_in_dim3A_73 = arith.constant 0.000000e+00 : f32
      %broadcast_in_dim3A_74 = vector.broadcast %broadcast_in_dim3A_73 : f32 to vector<16xf32>
      %swap3A_75 = arith.constant 0 : i32
      %swap3A_76 = arith.index_cast %swap3A_75 : i32 to index
      %swap3A_77 = arith.index_cast %scan3A_29 : i32 to index
      %swap3A_78 = arith.constant 80 : index
      %swap3A_79 = tpu.vector_load %arg8[%swap3A_76, %swap3A_77, %swap3A_78] {strides = array<i32>} : memref<2x128x128xf32, #tpu.memory_space<vmem>>, vector<1x1x16xf32>,
      %swap3A_80 = vector.shape_cast %swap3A_79 : vector<1x1x16xf32> to vector<16xf32>
      %swap3A_81 = vector.shape_cast %broadcast_in_dim3A_74 : vector<16xf32> to vector<1x1x16xf32>
      tpu.vector_store %arg8[%swap3A_76, %swap3A_77, %swap3A_78], %swap3A_81 {strides = array<i32>} : memref<2x128x128xf32, #tpu.memory_space<vmem>>, vector<1x1x16xf32>,
      %broadcast_in_dim3A_82 = arith.constant 0.000000e+00 : f32
      %broadcast_in_dim3A_83 = vector.broadcast %broadcast_in_dim3A_82 : f32 to vector<16xf32>
      %swap3A_84 = arith.constant 0 : i32
      %swap3A_85 = arith.index_cast %swap3A_84 : i32 to index
      %swap3A_86 = arith.index_cast %scan3A_29 : i32 to index
      %swap3A_87 = arith.constant 96 : index
      %swap3A_88 = tpu.vector_load %arg8[%swap3A_85, %swap3A_86, %swap3A_87] {strides = array<i32>} : memref<2x128x128xf32, #tpu.memory_space<vmem>>, vector<1x1x16xf32>,
      %swap3A_89 = vector.shape_cast %swap3A_88 : vector<1x1x16xf32> to vector<16xf32>
      %swap3A_90 = vector.shape_cast %broadcast_in_dim3A_83 : vector<16xf32> to vector<1x1x16xf32>
      tpu.vector_store %arg8[%swap3A_85, %swap3A_86, %swap3A_87], %swap3A_90 {strides = array<i32>} : memref<2x128x128xf32, #tpu.memory_space<vmem>>, vector<1x1x16xf32>,
      %broadcast_in_dim3A_91 = arith.constant 0.000000e+00 : f32
      %broadcast_in_dim3A_92 = vector.broadcast %broadcast_in_dim3A_91 : f32 to vector<16xf32>
      %swap3A_93 = arith.constant 0 : i32
      %swap3A_94 = arith.index_cast %swap3A_93 : i32 to index
      %swap3A_95 = arith.index_cast %scan3A_29 : i32 to index
      %swap3A_96 = arith.constant 112 : index
      %swap3A_97 = tpu.vector_load %arg8[%swap3A_94, %swap3A_95, %swap3A_96] {strides = array<i32>} : memref<2x128x128xf32, #tpu.memory_space<vmem>>, vector<1x1x16xf32>,
      %swap3A_98 = vector.shape_cast %swap3A_97 : vector<1x1x16xf32> to vector<16xf32>
      %swap3A_99 = vector.shape_cast %broadcast_in_dim3A_92 : vector<16xf32> to vector<1x1x16xf32>
      tpu.vector_store %arg8[%swap3A_94, %swap3A_95, %swap3A_96], %swap3A_99 {strides = array<i32>} : memref<2x128x128xf32, #tpu.memory_space<vmem>>, vector<1x1x16xf32>,
    }
    %scan3A_7 = arith.constant 128 : i32
    %add3A_8 = arith.constant 0 : i32
    %add3A_9 = arith.addi %mul3A_2, %add3A_8 : i32
    %run_scoped3A = arith.constant 0 : i32
    "tpu.region"() ({
      %run_scoped3A_29 = tpu.sem_alloc : memref<!tpu.dma_semaphore, #tpu.memory_space<semaphore_mem>>
      %dma_start3A = arith.constant 0 : i32
      %dma_start3A_30 = arith.constant 0 : i32
      %dma_start3A_31 = tpu.memref_slice %arg8[%run_scoped3A, %dma_start3A, %dma_start3A_30] : memref<2x128x128xf32, #tpu.memory_space<vmem>> -> memref<1x128x128xf32, #tpu.memory_space<vmem>>
      %dma_start3A_32 = tpu.memref_squeeze %dma_start3A_31 : memref<1x128x128xf32, #tpu.memory_space<vmem>> -> memref<128x128xf32, #tpu.memory_space<vmem>>
      %dma_start3A_33 = arith.constant 0 : i32
      %dma_start3A_34 = tpu.memref_slice %arg9[%add3A_9, %dma_start3A_33] : memref<10240x128xf32, #tpu.memory_space<vmem_shared>> -> memref<128x128xf32, #tpu.memory_space<vmem_shared>>
      %dma_start3A_35 = arith.constant 0 : i32
      %dma_start3A_36 = tpu.memref_slice %arg9[%add3A_9, %dma_start3A_35] : memref<10240x128xf32, #tpu.memory_space<vmem_shared>> -> memref<128x128xf32, #tpu.memory_space<vmem_shared>>
      %dma_start3A_37 = arith.constant 0 : i32
      %dma_start3A_38 = arith.constant 0 : i32
      %dma_start3A_39 = tpu.memref_slice %arg8[%run_scoped3A, %dma_start3A_37, %dma_start3A_38] : memref<2x128x128xf32, #tpu.memory_space<vmem>> -> memref<1x128x128xf32, #tpu.memory_space<vmem>>
      %dma_start3A_40 = tpu.memref_squeeze %dma_start3A_39 : memref<1x128x128xf32, #tpu.memory_space<vmem>> -> memref<128x128xf32, #tpu.memory_space<vmem>>
      tpu.enqueue_dma source(%dma_start3A_40 : memref<128x128xf32, #tpu.memory_space<vmem>>) target(%dma_start3A_36 : memref<128x128xf32, #tpu.memory_space<vmem_shared>>) target_semaphore(%run_scoped3A_29 : memref<!tpu.dma_semaphore, #tpu.memory_space<semaphore_mem>>)
      %dma_wait3A = arith.constant 0 : i32
      %dma_wait3A_41 = arith.constant 0 : i32
      %dma_wait3A_42 = tpu.memref_slice %arg8[%run_scoped3A, %dma_wait3A, %dma_wait3A_41] : memref<2x128x128xf32, #tpu.memory_space<vmem>> -> memref<1x128x128xf32, #tpu.memory_space<vmem>>
      %dma_wait3A_43 = tpu.memref_squeeze %dma_wait3A_42 : memref<1x128x128xf32, #tpu.memory_space<vmem>> -> memref<128x128xf32, #tpu.memory_space<vmem>>
      %dma_wait3A_44 = arith.constant 0 : i32
      %dma_wait3A_45 = tpu.memref_slice %arg9[%add3A_9, %dma_wait3A_44] : memref<10240x128xf32, #tpu.memory_space<vmem_shared>> -> memref<128x128xf32, #tpu.memory_space<vmem_shared>>
      %dma_wait3A_46 = arith.constant 0 : i32
      %dma_wait3A_47 = tpu.memref_slice %arg9[%add3A_9, %dma_wait3A_46] : memref<10240x128xf32, #tpu.memory_space<vmem_shared>> -> memref<128x128xf32, #tpu.memory_space<vmem_shared>>
      %dma_wait3A_48 = arith.constant 0 : i32
      %dma_wait3A_49 = arith.constant 0 : i32
      %dma_wait3A_50 = tpu.memref_slice %arg8[%run_scoped3A, %dma_wait3A_48, %dma_wait3A_49] : memref<2x128x128xf32, #tpu.memory_space<vmem>> -> memref<1x128x128xf32, #tpu.memory_space<vmem>>
      %dma_wait3A_51 = tpu.memref_squeeze %dma_wait3A_50 : memref<1x128x128xf32, #tpu.memory_space<vmem>> -> memref<128x128xf32, #tpu.memory_space<vmem>>
      tpu.wait_dma2 semaphore(%run_scoped3A_29 : memref<!tpu.dma_semaphore, #tpu.memory_space<semaphore_mem>>) src(%dma_wait3A_51 : memref<128x128xf32, #tpu.memory_space<vmem>>) dst(%dma_wait3A_47 : memref<128x128xf32, #tpu.memory_space<vmem_shared>>)
      tpu.yield
    }) : () -> ()
    %add3A_10 = arith.constant 128 : i32
    %add3A_11 = arith.addi %mul3A_2, %add3A_10 : i32
    %run_scoped3A_12 = arith.constant 0 : i32
    "tpu.region"() ({
      %run_scoped3A_29 = tpu.sem_alloc : memref<!tpu.dma_semaphore, #tpu.memory_space<semaphore_mem>>
      %dma_start3A = arith.constant 0 : i32
      %dma_start3A_30 = arith.constant 0 : i32
      %dma_start3A_31 = tpu.memref_slice %arg8[%run_scoped3A_12, %dma_start3A, %dma_start3A_30] : memref<2x128x128xf32, #tpu.memory_space<vmem>> -> memref<1x128x128xf32, #tpu.memory_space<vmem>>
      %dma_start3A_32 = tpu.memref_squeeze %dma_start3A_31 : memref<1x128x128xf32, #tpu.memory_space<vmem>> -> memref<128x128xf32, #tpu.memory_space<vmem>>
      %dma_start3A_33 = arith.constant 0 : i32
      %dma_start3A_34 = tpu.memref_slice %arg9[%add3A_11, %dma_start3A_33] : memref<10240x128xf32, #tpu.memory_space<vmem_shared>> -> memref<128x128xf32, #tpu.memory_space<vmem_shared>>
      %dma_start3A_35 = arith.constant 0 : i32
      %dma_start3A_36 = tpu.memref_slice %arg9[%add3A_11, %dma_start3A_35] : memref<10240x128xf32, #tpu.memory_space<vmem_shared>> -> memref<128x128xf32, #tpu.memory_space<vmem_shared>>
      %dma_start3A_37 = arith.constant 0 : i32
      %dma_start3A_38 = arith.constant 0 : i32
      %dma_start3A_39 = tpu.memref_slice %arg8[%run_scoped3A_12, %dma_start3A_37, %dma_start3A_38] : memref<2x128x128xf32, #tpu.memory_space<vmem>> -> memref<1x128x128xf32, #tpu.memory_space<vmem>>
      %dma_start3A_40 = tpu.memref_squeeze %dma_start3A_39 : memref<1x128x128xf32, #tpu.memory_space<vmem>> -> memref<128x128xf32, #tpu.memory_space<vmem>>
      tpu.enqueue_dma source(%dma_start3A_40 : memref<128x128xf32, #tpu.memory_space<vmem>>) target(%dma_start3A_36 : memref<128x128xf32, #tpu.memory_space<vmem_shared>>) target_semaphore(%run_scoped3A_29 : memref<!tpu.dma_semaphore, #tpu.memory_space<semaphore_mem>>)
      %dma_wait3A = arith.constant 0 : i32
      %dma_wait3A_41 = arith.constant 0 : i32
      %dma_wait3A_42 = tpu.memref_slice %arg8[%run_scoped3A_12, %dma_wait3A, %dma_wait3A_41] : memref<2x128x128xf32, #tpu.memory_space<vmem>> -> memref<1x128x128xf32, #tpu.memory_space<vmem>>
      %dma_wait3A_43 = tpu.memref_squeeze %dma_wait3A_42 : memref<1x128x128xf32, #tpu.memory_space<vmem>> -> memref<128x128xf32, #tpu.memory_space<vmem>>
      %dma_wait3A_44 = arith.constant 0 : i32
      %dma_wait3A_45 = tpu.memref_slice %arg9[%add3A_11, %dma_wait3A_44] : memref<10240x128xf32, #tpu.memory_space<vmem_shared>> -> memref<128x128xf32, #tpu.memory_space<vmem_shared>>
      %dma_wait3A_46 = arith.constant 0 : i32
      %dma_wait3A_47 = tpu.memref_slice %arg9[%add3A_11, %dma_wait3A_46] : memref<10240x128xf32, #tpu.memory_space<vmem_shared>> -> memref<128x128xf32, #tpu.memory_space<vmem_shared>>
      %dma_wait3A_48 = arith.constant 0 : i32
      %dma_wait3A_49 = arith.constant 0 : i32
      %dma_wait3A_50 = tpu.memref_slice %arg8[%run_scoped3A_12, %dma_wait3A_48, %dma_wait3A_49] : memref<2x128x128xf32, #tpu.memory_space<vmem>> -> memref<1x128x128xf32, #tpu.memory_space<vmem>>
      %dma_wait3A_51 = tpu.memref_squeeze %dma_wait3A_50 : memref<1x128x128xf32, #tpu.memory_space<vmem>> -> memref<128x128xf32, #tpu.memory_space<vmem>>
      tpu.wait_dma2 semaphore(%run_scoped3A_29 : memref<!tpu.dma_semaphore, #tpu.memory_space<semaphore_mem>>) src(%dma_wait3A_51 : memref<128x128xf32, #tpu.memory_space<vmem>>) dst(%dma_wait3A_47 : memref<128x128xf32, #tpu.memory_space<vmem_shared>>)
      tpu.yield
    }) : () -> ()
    %add3A_13 = arith.constant 256 : i32
    %add3A_14 = arith.addi %mul3A_2, %add3A_13 : i32
    %run_scoped3A_15 = arith.constant 0 : i32
    "tpu.region"() ({
      %run_scoped3A_29 = tpu.sem_alloc : memref<!tpu.dma_semaphore, #tpu.memory_space<semaphore_mem>>
      %dma_start3A = arith.constant 0 : i32
      %dma_start3A_30 = arith.constant 0 : i32
      %dma_start3A_31 = tpu.memref_slice %arg8[%run_scoped3A_15, %dma_start3A, %dma_start3A_30] : memref<2x128x128xf32, #tpu.memory_space<vmem>> -> memref<1x128x128xf32, #tpu.memory_space<vmem>>
      %dma_start3A_32 = tpu.memref_squeeze %dma_start3A_31 : memref<1x128x128xf32, #tpu.memory_space<vmem>> -> memref<128x128xf32, #tpu.memory_space<vmem>>
      %dma_start3A_33 = arith.constant 0 : i32
      %dma_start3A_34 = tpu.memref_slice %arg9[%add3A_14, %dma_start3A_33] : memref<10240x128xf32, #tpu.memory_space<vmem_shared>> -> memref<128x128xf32, #tpu.memory_space<vmem_shared>>
      %dma_start3A_35 = arith.constant 0 : i32
      %dma_start3A_36 = tpu.memref_slice %arg9[%add3A_14, %dma_start3A_35] : memref<10240x128xf32, #tpu.memory_space<vmem_shared>> -> memref<128x128xf32, #tpu.memory_space<vmem_shared>>
      %dma_start3A_37 = arith.constant 0 : i32
      %dma_start3A_38 = arith.constant 0 : i32
      %dma_start3A_39 = tpu.memref_slice %arg8[%run_scoped3A_15, %dma_start3A_37, %dma_start3A_38] : memref<2x128x128xf32, #tpu.memory_space<vmem>> -> memref<1x128x128xf32, #tpu.memory_space<vmem>>
      %dma_start3A_40 = tpu.memref_squeeze %dma_start3A_39 : memref<1x128x128xf32, #tpu.memory_space<vmem>> -> memref<128x128xf32, #tpu.memory_space<vmem>>
      tpu.enqueue_dma source(%dma_start3A_40 : memref<128x128xf32, #tpu.memory_space<vmem>>) target(%dma_start3A_36 : memref<128x128xf32, #tpu.memory_space<vmem_shared>>) target_semaphore(%run_scoped3A_29 : memref<!tpu.dma_semaphore, #tpu.memory_space<semaphore_mem>>)
      %dma_wait3A = arith.constant 0 : i32
      %dma_wait3A_41 = arith.constant 0 : i32
      %dma_wait3A_42 = tpu.memref_slice %arg8[%run_scoped3A_15, %dma_wait3A, %dma_wait3A_41] : memref<2x128x128xf32, #tpu.memory_space<vmem>> -> memref<1x128x128xf32, #tpu.memory_space<vmem>>
      %dma_wait3A_43 = tpu.memref_squeeze %dma_wait3A_42 : memref<1x128x128xf32, #tpu.memory_space<vmem>> -> memref<128x128xf32, #tpu.memory_space<vmem>>
      %dma_wait3A_44 = arith.constant 0 : i32
      %dma_wait3A_45 = tpu.memref_slice %arg9[%add3A_14, %dma_wait3A_44] : memref<10240x128xf32, #tpu.memory_space<vmem_shared>> -> memref<128x128xf32, #tpu.memory_space<vmem_shared>>
      %dma_wait3A_46 = arith.constant 0 : i32
      %dma_wait3A_47 = tpu.memref_slice %arg9[%add3A_14, %dma_wait3A_46] : memref<10240x128xf32, #tpu.memory_space<vmem_shared>> -> memref<128x128xf32, #tpu.memory_space<vmem_shared>>
      %dma_wait3A_48 = arith.constant 0 : i32
      %dma_wait3A_49 = arith.constant 0 : i32
      %dma_wait3A_50 = tpu.memref_slice %arg8[%run_scoped3A_15, %dma_wait3A_48, %dma_wait3A_49] : memref<2x128x128xf32, #tpu.memory_space<vmem>> -> memref<1x128x128xf32, #tpu.memory_space<vmem>>
      %dma_wait3A_51 = tpu.memref_squeeze %dma_wait3A_50 : memref<1x128x128xf32, #tpu.memory_space<vmem>> -> memref<128x128xf32, #tpu.memory_space<vmem>>
      tpu.wait_dma2 semaphore(%run_scoped3A_29 : memref<!tpu.dma_semaphore, #tpu.memory_space<semaphore_mem>>) src(%dma_wait3A_51 : memref<128x128xf32, #tpu.memory_space<vmem>>) dst(%dma_wait3A_47 : memref<128x128xf32, #tpu.memory_space<vmem_shared>>)
      tpu.yield
    }) : () -> ()
    %add3A_16 = arith.constant 384 : i32
    %add3A_17 = arith.addi %mul3A_2, %add3A_16 : i32
    %run_scoped3A_18 = arith.constant 0 : i32
    "tpu.region"() ({
      %run_scoped3A_29 = tpu.sem_alloc : memref<!tpu.dma_semaphore, #tpu.memory_space<semaphore_mem>>
      %dma_start3A = arith.constant 0 : i32
      %dma_start3A_30 = arith.constant 0 : i32
      %dma_start3A_31 = tpu.memref_slice %arg8[%run_scoped3A_18, %dma_start3A, %dma_start3A_30] : memref<2x128x128xf32, #tpu.memory_space<vmem>> -> memref<1x128x128xf32, #tpu.memory_space<vmem>>
      %dma_start3A_32 = tpu.memref_squeeze %dma_start3A_31 : memref<1x128x128xf32, #tpu.memory_space<vmem>> -> memref<128x128xf32, #tpu.memory_space<vmem>>
      %dma_start3A_33 = arith.constant 0 : i32
      %dma_start3A_34 = tpu.memref_slice %arg9[%add3A_17, %dma_start3A_33] : memref<10240x128xf32, #tpu.memory_space<vmem_shared>> -> memref<128x128xf32, #tpu.memory_space<vmem_shared>>
      %dma_start3A_35 = arith.constant 0 : i32
      %dma_start3A_36 = tpu.memref_slice %arg9[%add3A_17, %dma_start3A_35] : memref<10240x128xf32, #tpu.memory_space<vmem_shared>> -> memref<128x128xf32, #tpu.memory_space<vmem_shared>>
      %dma_start3A_37 = arith.constant 0 : i32
      %dma_start3A_38 = arith.constant 0 : i32
      %dma_start3A_39 = tpu.memref_slice %arg8[%run_scoped3A_18, %dma_start3A_37, %dma_start3A_38] : memref<2x128x128xf32, #tpu.memory_space<vmem>> -> memref<1x128x128xf32, #tpu.memory_space<vmem>>
      %dma_start3A_40 = tpu.memref_squeeze %dma_start3A_39 : memref<1x128x128xf32, #tpu.memory_space<vmem>> -> memref<128x128xf32, #tpu.memory_space<vmem>>
      tpu.enqueue_dma source(%dma_start3A_40 : memref<128x128xf32, #tpu.memory_space<vmem>>) target(%dma_start3A_36 : memref<128x128xf32, #tpu.memory_space<vmem_shared>>) target_semaphore(%run_scoped3A_29 : memref<!tpu.dma_semaphore, #tpu.memory_space<semaphore_mem>>)
      %dma_wait3A = arith.constant 0 : i32
      %dma_wait3A_41 = arith.constant 0 : i32
      %dma_wait3A_42 = tpu.memref_slice %arg8[%run_scoped3A_18, %dma_wait3A, %dma_wait3A_41] : memref<2x128x128xf32, #tpu.memory_space<vmem>> -> memref<1x128x128xf32, #tpu.memory_space<vmem>>
      %dma_wait3A_43 = tpu.memref_squeeze %dma_wait3A_42 : memref<1x128x128xf32, #tpu.memory_space<vmem>> -> memref<128x128xf32, #tpu.memory_space<vmem>>
      %dma_wait3A_44 = arith.constant 0 : i32
      %dma_wait3A_45 = tpu.memref_slice %arg9[%add3A_17, %dma_wait3A_44] : memref<10240x128xf32, #tpu.memory_space<vmem_shared>> -> memref<128x128xf32, #tpu.memory_space<vmem_shared>>
      %dma_wait3A_46 = arith.constant 0 : i32
      %dma_wait3A_47 = tpu.memref_slice %arg9[%add3A_17, %dma_wait3A_46] : memref<10240x128xf32, #tpu.memory_space<vmem_shared>> -> memref<128x128xf32, #tpu.memory_space<vmem_shared>>
      %dma_wait3A_48 = arith.constant 0 : i32
      %dma_wait3A_49 = arith.constant 0 : i32
      %dma_wait3A_50 = tpu.memref_slice %arg8[%run_scoped3A_18, %dma_wait3A_48, %dma_wait3A_49] : memref<2x128x128xf32, #tpu.memory_space<vmem>> -> memref<1x128x128xf32, #tpu.memory_space<vmem>>
      %dma_wait3A_51 = tpu.memref_squeeze %dma_wait3A_50 : memref<1x128x128xf32, #tpu.memory_space<vmem>> -> memref<128x128xf32, #tpu.memory_space<vmem>>
      tpu.wait_dma2 semaphore(%run_scoped3A_29 : memref<!tpu.dma_semaphore, #tpu.memory_space<semaphore_mem>>) src(%dma_wait3A_51 : memref<128x128xf32, #tpu.memory_space<vmem>>) dst(%dma_wait3A_47 : memref<128x128xf32, #tpu.memory_space<vmem_shared>>)
      tpu.yield
    }) : () -> ()
    %add3A_19 = arith.constant 512 : i32
    %add3A_20 = arith.addi %mul3A_2, %add3A_19 : i32
    %run_scoped3A_21 = arith.constant 0 : i32
    "tpu.region"() ({
      %run_scoped3A_29 = tpu.sem_alloc : memref<!tpu.dma_semaphore, #tpu.memory_space<semaphore_mem>>
      %dma_start3A = arith.constant 0 : i32
      %dma_start3A_30 = arith.constant 0 : i32
      %dma_start3A_31 = tpu.memref_slice %arg8[%run_scoped3A_21, %dma_start3A, %dma_start3A_30] : memref<2x128x128xf32, #tpu.memory_space<vmem>> -> memref<1x128x128xf32, #tpu.memory_space<vmem>>
      %dma_start3A_32 = tpu.memref_squeeze %dma_start3A_31 : memref<1x128x128xf32, #tpu.memory_space<vmem>> -> memref<128x128xf32, #tpu.memory_space<vmem>>
      %dma_start3A_33 = arith.constant 0 : i32
      %dma_start3A_34 = tpu.memref_slice %arg9[%add3A_20, %dma_start3A_33] : memref<10240x128xf32, #tpu.memory_space<vmem_shared>> -> memref<128x128xf32, #tpu.memory_space<vmem_shared>>
      %dma_start3A_35 = arith.constant 0 : i32
      %dma_start3A_36 = tpu.memref_slice %arg9[%add3A_20, %dma_start3A_35] : memref<10240x128xf32, #tpu.memory_space<vmem_shared>> -> memref<128x128xf32, #tpu.memory_space<vmem_shared>>
      %dma_start3A_37 = arith.constant 0 : i32
      %dma_start3A_38 = arith.constant 0 : i32
      %dma_start3A_39 = tpu.memref_slice %arg8[%run_scoped3A_21, %dma_start3A_37, %dma_start3A_38] : memref<2x128x128xf32, #tpu.memory_space<vmem>> -> memref<1x128x128xf32, #tpu.memory_space<vmem>>
      %dma_start3A_40 = tpu.memref_squeeze %dma_start3A_39 : memref<1x128x128xf32, #tpu.memory_space<vmem>> -> memref<128x128xf32, #tpu.memory_space<vmem>>
      tpu.enqueue_dma source(%dma_start3A_40 : memref<128x128xf32, #tpu.memory_space<vmem>>) target(%dma_start3A_36 : memref<128x128xf32, #tpu.memory_space<vmem_shared>>) target_semaphore(%run_scoped3A_29 : memref<!tpu.dma_semaphore, #tpu.memory_space<semaphore_mem>>)
      %dma_wait3A = arith.constant 0 : i32
      %dma_wait3A_41 = arith.constant 0 : i32
      %dma_wait3A_42 = tpu.memref_slice %arg8[%run_scoped3A_21, %dma_wait3A, %dma_wait3A_41] : memref<2x128x128xf32, #tpu.memory_space<vmem>> -> memref<1x128x128xf32, #tpu.memory_space<vmem>>
      %dma_wait3A_43 = tpu.memref_squeeze %dma_wait3A_42 : memref<1x128x128xf32, #tpu.memory_space<vmem>> -> memref<128x128xf32, #tpu.memory_space<vmem>>
      %dma_wait3A_44 = arith.constant 0 : i32
      %dma_wait3A_45 = tpu.memref_slice %arg9[%add3A_20, %dma_wait3A_44] : memref<10240x128xf32, #tpu.memory_space<vmem_shared>> -> memref<128x128xf32, #tpu.memory_space<vmem_shared>>
      %dma_wait3A_46 = arith.constant 0 : i32
      %dma_wait3A_47 = tpu.memref_slice %arg9[%add3A_20, %dma_wait3A_46] : memref<10240x128xf32, #tpu.memory_space<vmem_shared>> -> memref<128x128xf32, #tpu.memory_space<vmem_shared>>
      %dma_wait3A_48 = arith.constant 0 : i32
      %dma_wait3A_49 = arith.constant 0 : i32
      %dma_wait3A_50 = tpu.memref_slice %arg8[%run_scoped3A_21, %dma_wait3A_48, %dma_wait3A_49] : memref<2x128x128xf32, #tpu.memory_space<vmem>> -> memref<1x128x128xf32, #tpu.memory_space<vmem>>
      %dma_wait3A_51 = tpu.memref_squeeze %dma_wait3A_50 : memref<1x128x128xf32, #tpu.memory_space<vmem>> -> memref<128x128xf32, #tpu.memory_space<vmem>>
      tpu.wait_dma2 semaphore(%run_scoped3A_29 : memref<!tpu.dma_semaphore, #tpu.memory_space<semaphore_mem>>) src(%dma_wait3A_51 : memref<128x128xf32, #tpu.memory_space<vmem>>) dst(%dma_wait3A_47 : memref<128x128xf32, #tpu.memory_space<vmem_shared>>)
      tpu.yield
    }) : () -> ()
    %barrier3A = arith.constant 0 : index
    tpu.barrier barrier_id(%barrier3A)
    %scan3A_22 = arith.constant 0 : i32
    %scan3A_23 = arith.constant 0 : i32
    %scan3A_24 = arith.constant 5 : i32
    %scan3A_25 = arith.addi %scan3A_23, %scan3A_24 : i32
    %scan3A_26 = arith.constant 1 : i32
    scf.for %scan3A_29 = %scan3A_23 to %scan3A_25 step %scan3A_26  : i32 {
      %mul3A_30 = arith.constant 16 : i32
      %mul3A_31 = arith.muli %scan3A_29, %mul3A_30 : i32
      "tpu.region"() ({
        %run_scoped3A_51 = tpu.sem_alloc : memref<!tpu.dma_semaphore, #tpu.memory_space<semaphore_mem>>
        %dma_start3A_52 = arith.constant 0 : i32
        %dma_start3A_53 = tpu.memref_slice %arg3[%add3A, %mul3A_31, %dma_start3A_52] : memref<32x80x128xi32, #tpu.memory_space<hbm>> -> memref<1x16x128xi32, #tpu.memory_space<hbm>>
        %dma_start3A_54 = tpu.memref_squeeze %dma_start3A_53 : memref<1x16x128xi32, #tpu.memory_space<hbm>> -> memref<16x128xi32, #tpu.memory_space<hbm>>
        %dma_start3A_55 = arith.constant 0 : i32
        %dma_start3A_56 = tpu.memref_slice %arg3[%add3A, %mul3A_31, %dma_start3A_55] : memref<32x80x128xi32, #tpu.memory_space<hbm>> -> memref<1x16x128xi32, #tpu.memory_space<hbm>>
        %dma_start3A_57 = tpu.memref_squeeze %dma_start3A_56 : memref<1x16x128xi32, #tpu.memory_space<hbm>> -> memref<16x128xi32, #tpu.memory_space<hbm>>
        tpu.enqueue_dma source(%dma_start3A_57 : memref<16x128xi32, #tpu.memory_space<hbm>>) target(%arg6 : memref<16x128xi32, #tpu.memory_space<vmem>>) target_semaphore(%run_scoped3A_51 : memref<!tpu.dma_semaphore, #tpu.memory_space<semaphore_mem>>)
        %dma_wait3A = arith.constant 0 : i32
        %dma_wait3A_58 = tpu.memref_slice %arg3[%add3A, %mul3A_31, %dma_wait3A] : memref<32x80x128xi32, #tpu.memory_space<hbm>> -> memref<1x16x128xi32, #tpu.memory_space<hbm>>
        %dma_wait3A_59 = tpu.memref_squeeze %dma_wait3A_58 : memref<1x16x128xi32, #tpu.memory_space<hbm>> -> memref<16x128xi32, #tpu.memory_space<hbm>>
        %dma_wait3A_60 = arith.constant 0 : i32
        %dma_wait3A_61 = tpu.memref_slice %arg3[%add3A, %mul3A_31, %dma_wait3A_60] : memref<32x80x128xi32, #tpu.memory_space<hbm>> -> memref<1x16x128xi32, #tpu.memory_space<hbm>>
        %dma_wait3A_62 = tpu.memref_squeeze %dma_wait3A_61 : memref<1x16x128xi32, #tpu.memory_space<hbm>> -> memref<16x128xi32, #tpu.memory_space<hbm>>
        tpu.wait_dma2 semaphore(%run_scoped3A_51 : memref<!tpu.dma_semaphore, #tpu.memory_space<semaphore_mem>>) src(%dma_wait3A_62 : memref<16x128xi32, #tpu.memory_space<hbm>>) dst(%arg6 : memref<16x128xi32, #tpu.memory_space<vmem>>)
        tpu.yield
      }) : () -> ()
      %mul3A_32 = arith.constant 16 : i32
      %mul3A_33 = arith.muli %scan3A_29, %mul3A_32 : i32
      "tpu.region"() ({
        %run_scoped3A_51 = tpu.sem_alloc : memref<!tpu.dma_semaphore, #tpu.memory_space<semaphore_mem>>
        %dma_start3A_52 = arith.constant 0 : i32
        %dma_start3A_53 = tpu.memref_slice %arg4[%add3A, %mul3A_33, %dma_start3A_52] : memref<32x80x128xi32, #tpu.memory_space<hbm>> -> memref<1x16x128xi32, #tpu.memory_space<hbm>>
        %dma_start3A_54 = tpu.memref_squeeze %dma_start3A_53 : memref<1x16x128xi32, #tpu.memory_space<hbm>> -> memref<16x128xi32, #tpu.memory_space<hbm>>
        %dma_start3A_55 = arith.constant 0 : i32
        %dma_start3A_56 = tpu.memref_slice %arg4[%add3A, %mul3A_33, %dma_start3A_55] : memref<32x80x128xi32, #tpu.memory_space<hbm>> -> memref<1x16x128xi32, #tpu.memory_space<hbm>>
        %dma_start3A_57 = tpu.memref_squeeze %dma_start3A_56 : memref<1x16x128xi32, #tpu.memory_space<hbm>> -> memref<16x128xi32, #tpu.memory_space<hbm>>
        tpu.enqueue_dma source(%dma_start3A_57 : memref<16x128xi32, #tpu.memory_space<hbm>>) target(%arg7 : memref<16x128xi32, #tpu.memory_space<vmem>>) target_semaphore(%run_scoped3A_51 : memref<!tpu.dma_semaphore, #tpu.memory_space<semaphore_mem>>)
        %dma_wait3A = arith.constant 0 : i32
        %dma_wait3A_58 = tpu.memref_slice %arg4[%add3A, %mul3A_33, %dma_wait3A] : memref<32x80x128xi32, #tpu.memory_space<hbm>> -> memref<1x16x128xi32, #tpu.memory_space<hbm>>
        %dma_wait3A_59 = tpu.memref_squeeze %dma_wait3A_58 : memref<1x16x128xi32, #tpu.memory_space<hbm>> -> memref<16x128xi32, #tpu.memory_space<hbm>>
        %dma_wait3A_60 = arith.constant 0 : i32
        %dma_wait3A_61 = tpu.memref_slice %arg4[%add3A, %mul3A_33, %dma_wait3A_60] : memref<32x80x128xi32, #tpu.memory_space<hbm>> -> memref<1x16x128xi32, #tpu.memory_space<hbm>>
        %dma_wait3A_62 = tpu.memref_squeeze %dma_wait3A_61 : memref<1x16x128xi32, #tpu.memory_space<hbm>> -> memref<16x128xi32, #tpu.memory_space<hbm>>
        tpu.wait_dma2 semaphore(%run_scoped3A_51 : memref<!tpu.dma_semaphore, #tpu.memory_space<semaphore_mem>>) src(%dma_wait3A_62 : memref<16x128xi32, #tpu.memory_space<hbm>>) dst(%arg7 : memref<16x128xi32, #tpu.memory_space<vmem>>)
        tpu.yield
      }) : () -> ()
      %dma_start3A = arith.constant 0 : i32
      %dma_start3A_34 = arith.constant 0 : i32
      %dma_start3A_35 = arith.constant 0 : i32
      %dma_start3A_36 = arith.constant 0 : i32
      %dma_start3A_37 = tpu.memref_slice %arg8[%dma_start3A_34, %dma_start3A_35, %dma_start3A_36] : memref<2x128x128xf32, #tpu.memory_space<vmem>> -> memref<1x128x128xf32, #tpu.memory_space<vmem>>
      %dma_start3A_38 = tpu.memref_squeeze %dma_start3A_37 : memref<1x128x128xf32, #tpu.memory_space<vmem>> -> memref<128x128xf32, #tpu.memory_space<vmem>>
      %dma_start3A_39 = arith.constant 0 : i32
      %dma_start3A_40 = tpu.memref_slice %arg6[%dma_start3A, %dma_start3A_39] : memref<16x128xi32, #tpu.memory_space<vmem>> -> memref<1x128xi32, #tpu.memory_space<vmem>>
      %dma_start3A_41 = tpu.memref_squeeze %dma_start3A_40 : memref<1x128xi32, #tpu.memory_space<vmem>> -> memref<128xi32, #tpu.memory_space<vmem>>
      %dma_start3A_42 = arith.constant 0 : i32
      %dma_start3A_43 = arith.constant 0 : i32
      %dma_start3A_44 = tpu.memref_slice %arg2[%dma_start3A_42, %dma_start3A_43] : memref<10240x128xf32, #tpu.memory_space<hbm>> -> memref<10240x128xf32, #tpu.memory_space<hbm>>
      tpu.enqueue_indirect_dma source(%dma_start3A_44 : memref<10240x128xf32, #tpu.memory_space<hbm>>) target(%dma_start3A_38 : memref<128x128xf32, #tpu.memory_space<vmem>>) offsets(%dma_start3A_41 : memref<128xi32, #tpu.memory_space<vmem>>) semaphore(%arg10 : memref<!tpu.dma_semaphore, #tpu.memory_space<semaphore_mem>>)
      %scan3A_45 = arith.constant 0 : i32
      %scan3A_46 = arith.constant 0 : i32
      %scan3A_47 = arith.constant 8 : i32
      %scan3A_48 = arith.addi %scan3A_46, %scan3A_47 : i32
      %scan3A_49 = arith.constant 1 : i32
      scf.for %scan3A_51 = %scan3A_46 to %scan3A_48 step %scan3A_49  : i32 {
        %mul3A_52 = arith.constant 2 : i32
        %mul3A_53 = arith.muli %mul3A_52, %scan3A_51 : i32
        %dma_wait3A = arith.constant 0 : i32
        %dma_wait3A_54 = arith.constant 0 : i32
        %dma_wait3A_55 = arith.constant 0 : i32
        %dma_wait3A_56 = tpu.memref_slice %arg8[%dma_wait3A, %dma_wait3A_54, %dma_wait3A_55] : memref<2x128x128xf32, #tpu.memory_space<vmem>> -> memref<1x128x128xf32, #tpu.memory_space<vmem>>
        %dma_wait3A_57 = tpu.memref_squeeze %dma_wait3A_56 : memref<1x128x128xf32, #tpu.memory_space<vmem>> -> memref<128x128xf32, #tpu.memory_space<vmem>>
        %dma_wait3A_58 = arith.constant 0 : i32
        %dma_wait3A_59 = tpu.memref_slice %arg6[%mul3A_53, %dma_wait3A_58] : memref<16x128xi32, #tpu.memory_space<vmem>> -> memref<1x128xi32, #tpu.memory_space<vmem>>
        %dma_wait3A_60 = tpu.memref_squeeze %dma_wait3A_59 : memref<1x128xi32, #tpu.memory_space<vmem>> -> memref<128xi32, #tpu.memory_space<vmem>>
        %dma_wait3A_61 = arith.constant 0 : i32
        %dma_wait3A_62 = arith.constant 0 : i32
        %dma_wait3A_63 = tpu.memref_slice %arg2[%dma_wait3A_61, %dma_wait3A_62] : memref<10240x128xf32, #tpu.memory_space<hbm>> -> memref<10240x128xf32, #tpu.memory_space<hbm>>
        tpu.wait_indirect_dma semaphore(%arg10 : memref<!tpu.dma_semaphore, #tpu.memory_space<semaphore_mem>>) src(%dma_wait3A_63 : memref<10240x128xf32, #tpu.memory_space<hbm>>) dst(%dma_wait3A_57 : memref<128x128xf32, #tpu.memory_space<vmem>>)
        %add3A_64 = arith.constant 1 : i32
        %add3A_65 = arith.addi %mul3A_53, %add3A_64 : i32
        %dma_start3A_66 = arith.constant 1 : i32
        %dma_start3A_67 = arith.constant 0 : i32
        %dma_start3A_68 = arith.constant 0 : i32
        %dma_start3A_69 = tpu.memref_slice %arg8[%dma_start3A_66, %dma_start3A_67, %dma_start3A_68] : memref<2x128x128xf32, #tpu.memory_space<vmem>> -> memref<1x128x128xf32, #tpu.memory_space<vmem>>
        %dma_start3A_70 = tpu.memref_squeeze %dma_start3A_69 : memref<1x128x128xf32, #tpu.memory_space<vmem>> -> memref<128x128xf32, #tpu.memory_space<vmem>>
        %dma_start3A_71 = arith.constant 0 : i32
        %dma_start3A_72 = tpu.memref_slice %arg6[%add3A_65, %dma_start3A_71] : memref<16x128xi32, #tpu.memory_space<vmem>> -> memref<1x128xi32, #tpu.memory_space<vmem>>
        %dma_start3A_73 = tpu.memref_squeeze %dma_start3A_72 : memref<1x128xi32, #tpu.memory_space<vmem>> -> memref<128xi32, #tpu.memory_space<vmem>>
        %dma_start3A_74 = arith.constant 0 : i32
        %dma_start3A_75 = arith.constant 0 : i32
        %dma_start3A_76 = tpu.memref_slice %arg2[%dma_start3A_74, %dma_start3A_75] : memref<10240x128xf32, #tpu.memory_space<hbm>> -> memref<10240x128xf32, #tpu.memory_space<hbm>>
        tpu.enqueue_indirect_dma source(%dma_start3A_76 : memref<10240x128xf32, #tpu.memory_space<hbm>>) target(%dma_start3A_70 : memref<128x128xf32, #tpu.memory_space<vmem>>) offsets(%dma_start3A_73 : memref<128xi32, #tpu.memory_space<vmem>>) semaphore(%arg11 : memref<!tpu.dma_semaphore, #tpu.memory_space<semaphore_mem>>)
        %run_scoped3A_77 = arith.constant 0 : i32
        "tpu.region"() ({
          %run_scoped3A_98 = tpu.sem_alloc : memref<!tpu.dma_semaphore, #tpu.memory_space<semaphore_mem>>
          %dma_start3A_99 = arith.constant 0 : i32
          %dma_start3A_100 = arith.constant 0 : i32
          %dma_start3A_101 = tpu.memref_slice %arg8[%run_scoped3A_77, %dma_start3A_99, %dma_start3A_100] : memref<2x128x128xf32, #tpu.memory_space<vmem>> -> memref<1x128x128xf32, #tpu.memory_space<vmem>>
          %dma_start3A_102 = tpu.memref_squeeze %dma_start3A_101 : memref<1x128x128xf32, #tpu.memory_space<vmem>> -> memref<128x128xf32, #tpu.memory_space<vmem>>
          %dma_start3A_103 = arith.constant 0 : i32
          %dma_start3A_104 = tpu.memref_slice %arg7[%mul3A_53, %dma_start3A_103] : memref<16x128xi32, #tpu.memory_space<vmem>> -> memref<1x128xi32, #tpu.memory_space<vmem>>
          %dma_start3A_105 = tpu.memref_squeeze %dma_start3A_104 : memref<1x128xi32, #tpu.memory_space<vmem>> -> memref<128xi32, #tpu.memory_space<vmem>>
          %dma_start3A_106 = arith.constant 0 : i32
          %dma_start3A_107 = arith.constant 0 : i32
          %dma_start3A_108 = tpu.memref_slice %arg9[%dma_start3A_106, %dma_start3A_107] : memref<10240x128xf32, #tpu.memory_space<vmem_shared>> -> memref<10240x128xf32, #tpu.memory_space<vmem_shared>>
          tpu.enqueue_indirect_dma source(%dma_start3A_102 : memref<128x128xf32, #tpu.memory_space<vmem>>) target(%dma_start3A_108 : memref<10240x128xf32, #tpu.memory_space<vmem_shared>>) offsets(%dma_start3A_105 : memref<128xi32, #tpu.memory_space<vmem>>) semaphore(%run_scoped3A_98 : memref<!tpu.dma_semaphore, #tpu.memory_space<semaphore_mem>>) {add = true}
          %dma_wait3A_109 = arith.constant 0 : i32
          %dma_wait3A_110 = arith.constant 0 : i32
          %dma_wait3A_111 = tpu.memref_slice %arg8[%run_scoped3A_77, %dma_wait3A_109, %dma_wait3A_110] : memref<2x128x128xf32, #tpu.memory_space<vmem>> -> memref<1x128x128xf32, #tpu.memory_space<vmem>>
          %dma_wait3A_112 = tpu.memref_squeeze %dma_wait3A_111 : memref<1x128x128xf32, #tpu.memory_space<vmem>> -> memref<128x128xf32, #tpu.memory_space<vmem>>
          %dma_wait3A_113 = arith.constant 0 : i32
          %dma_wait3A_114 = tpu.memref_slice %arg7[%mul3A_53, %dma_wait3A_113] : memref<16x128xi32, #tpu.memory_space<vmem>> -> memref<1x128xi32, #tpu.memory_space<vmem>>
          %dma_wait3A_115 = tpu.memref_squeeze %dma_wait3A_114 : memref<1x128xi32, #tpu.memory_space<vmem>> -> memref<128xi32, #tpu.memory_space<vmem>>
          %dma_wait3A_116 = arith.constant 0 : i32
          %dma_wait3A_117 = arith.constant 0 : i32
          %dma_wait3A_118 = tpu.memref_slice %arg9[%dma_wait3A_116, %dma_wait3A_117] : memref<10240x128xf32, #tpu.memory_space<vmem_shared>> -> memref<10240x128xf32, #tpu.memory_space<vmem_shared>>
          tpu.wait_indirect_dma semaphore(%run_scoped3A_98 : memref<!tpu.dma_semaphore, #tpu.memory_space<semaphore_mem>>) src(%dma_wait3A_112 : memref<128x128xf32, #tpu.memory_space<vmem>>) dst(%dma_wait3A_118 : memref<10240x128xf32, #tpu.memory_space<vmem_shared>>)
          tpu.yield
        }) : () -> ()
        %add3A_78 = arith.constant 1 : i32
        %add3A_79 = arith.addi %mul3A_53, %add3A_78 : i32
        %dma_wait3A_80 = arith.constant 1 : i32
        %dma_wait3A_81 = arith.constant 0 : i32
        %dma_wait3A_82 = arith.constant 0 : i32
        %dma_wait3A_83 = tpu.memref_slice %arg8[%dma_wait3A_80, %dma_wait3A_81, %dma_wait3A_82] : memref<2x128x128xf32, #tpu.memory_space<vmem>> -> memref<1x128x128xf32, #tpu.memory_space<vmem>>
        %dma_wait3A_84 = tpu.memref_squeeze %dma_wait3A_83 : memref<1x128x128xf32, #tpu.memory_space<vmem>> -> memref<128x128xf32, #tpu.memory_space<vmem>>
        %dma_wait3A_85 = arith.constant 0 : i32
        %dma_wait3A_86 = tpu.memref_slice %arg6[%add3A_79, %dma_wait3A_85] : memref<16x128xi32, #tpu.memory_space<vmem>> -> memref<1x128xi32, #tpu.memory_space<vmem>>
        %dma_wait3A_87 = tpu.memref_squeeze %dma_wait3A_86 : memref<1x128xi32, #tpu.memory_space<vmem>> -> memref<128xi32, #tpu.memory_space<vmem>>
        %dma_wait3A_88 = arith.constant 0 : i32
        %dma_wait3A_89 = arith.constant 0 : i32
        %dma_wait3A_90 = tpu.memref_slice %arg2[%dma_wait3A_88, %dma_wait3A_89] : memref<10240x128xf32, #tpu.memory_space<hbm>> -> memref<10240x128xf32, #tpu.memory_space<hbm>>
        tpu.wait_indirect_dma semaphore(%arg11 : memref<!tpu.dma_semaphore, #tpu.memory_space<semaphore_mem>>) src(%dma_wait3A_90 : memref<10240x128xf32, #tpu.memory_space<hbm>>) dst(%dma_wait3A_84 : memref<128x128xf32, #tpu.memory_space<vmem>>)
        %add3A_91 = arith.constant 2 : i32
        %add3A_92 = arith.addi %mul3A_53, %add3A_91 : i32
        %lt3A = arith.constant 16 : i32
        %lt3A_93 = arith.cmpi slt, %add3A_92, %lt3A : i32
        %convert_element_type3A = arith.extui %lt3A_93 : i1 to i32
        %cond3A = arith.constant 0 : i32
        %cond3A_94 = arith.cmpi ne, %convert_element_type3A, %cond3A : i32
        scf.if %cond3A_94 {
          %add3A_98 = arith.constant 2 : i32
          %add3A_99 = arith.addi %mul3A_53, %add3A_98 : i32
          %dma_start3A_100 = arith.constant 0 : i32
          %dma_start3A_101 = arith.constant 0 : i32
          %dma_start3A_102 = arith.constant 0 : i32
          %dma_start3A_103 = tpu.memref_slice %arg8[%dma_start3A_100, %dma_start3A_101, %dma_start3A_102] : memref<2x128x128xf32, #tpu.memory_space<vmem>> -> memref<1x128x128xf32, #tpu.memory_space<vmem>>
          %dma_start3A_104 = tpu.memref_squeeze %dma_start3A_103 : memref<1x128x128xf32, #tpu.memory_space<vmem>> -> memref<128x128xf32, #tpu.memory_space<vmem>>
          %dma_start3A_105 = arith.constant 0 : i32
          %dma_start3A_106 = tpu.memref_slice %arg6[%add3A_99, %dma_start3A_105] : memref<16x128xi32, #tpu.memory_space<vmem>> -> memref<1x128xi32, #tpu.memory_space<vmem>>
          %dma_start3A_107 = tpu.memref_squeeze %dma_start3A_106 : memref<1x128xi32, #tpu.memory_space<vmem>> -> memref<128xi32, #tpu.memory_space<vmem>>
          %dma_start3A_108 = arith.constant 0 : i32
          %dma_start3A_109 = arith.constant 0 : i32
          %dma_start3A_110 = tpu.memref_slice %arg2[%dma_start3A_108, %dma_start3A_109] : memref<10240x128xf32, #tpu.memory_space<hbm>> -> memref<10240x128xf32, #tpu.memory_space<hbm>>
          tpu.enqueue_indirect_dma source(%dma_start3A_110 : memref<10240x128xf32, #tpu.memory_space<hbm>>) target(%dma_start3A_104 : memref<128x128xf32, #tpu.memory_space<vmem>>) offsets(%dma_start3A_107 : memref<128xi32, #tpu.memory_space<vmem>>) semaphore(%arg10 : memref<!tpu.dma_semaphore, #tpu.memory_space<semaphore_mem>>)
        } else {
        }
        %add3A_95 = arith.constant 1 : i32
        %add3A_96 = arith.addi %mul3A_53, %add3A_95 : i32
        %run_scoped3A_97 = arith.constant 1 : i32
        "tpu.region"() ({
          %run_scoped3A_98 = tpu.sem_alloc : memref<!tpu.dma_semaphore, #tpu.memory_space<semaphore_mem>>
          %dma_start3A_99 = arith.constant 0 : i32
          %dma_start3A_100 = arith.constant 0 : i32
          %dma_start3A_101 = tpu.memref_slice %arg8[%run_scoped3A_97, %dma_start3A_99, %dma_start3A_100] : memref<2x128x128xf32, #tpu.memory_space<vmem>> -> memref<1x128x128xf32, #tpu.memory_space<vmem>>
          %dma_start3A_102 = tpu.memref_squeeze %dma_start3A_101 : memref<1x128x128xf32, #tpu.memory_space<vmem>> -> memref<128x128xf32, #tpu.memory_space<vmem>>
          %dma_start3A_103 = arith.constant 0 : i32
          %dma_start3A_104 = tpu.memref_slice %arg7[%add3A_96, %dma_start3A_103] : memref<16x128xi32, #tpu.memory_space<vmem>> -> memref<1x128xi32, #tpu.memory_space<vmem>>
          %dma_start3A_105 = tpu.memref_squeeze %dma_start3A_104 : memref<1x128xi32, #tpu.memory_space<vmem>> -> memref<128xi32, #tpu.memory_space<vmem>>
          %dma_start3A_106 = arith.constant 0 : i32
          %dma_start3A_107 = arith.constant 0 : i32
          %dma_start3A_108 = tpu.memref_slice %arg9[%dma_start3A_106, %dma_start3A_107] : memref<10240x128xf32, #tpu.memory_space<vmem_shared>> -> memref<10240x128xf32, #tpu.memory_space<vmem_shared>>
          tpu.enqueue_indirect_dma source(%dma_start3A_102 : memref<128x128xf32, #tpu.memory_space<vmem>>) target(%dma_start3A_108 : memref<10240x128xf32, #tpu.memory_space<vmem_shared>>) offsets(%dma_start3A_105 : memref<128xi32, #tpu.memory_space<vmem>>) semaphore(%run_scoped3A_98 : memref<!tpu.dma_semaphore, #tpu.memory_space<semaphore_mem>>) {add = true}
          %dma_wait3A_109 = arith.constant 0 : i32
          %dma_wait3A_110 = arith.constant 0 : i32
          %dma_wait3A_111 = tpu.memref_slice %arg8[%run_scoped3A_97, %dma_wait3A_109, %dma_wait3A_110] : memref<2x128x128xf32, #tpu.memory_space<vmem>> -> memref<1x128x128xf32, #tpu.memory_space<vmem>>
          %dma_wait3A_112 = tpu.memref_squeeze %dma_wait3A_111 : memref<1x128x128xf32, #tpu.memory_space<vmem>> -> memref<128x128xf32, #tpu.memory_space<vmem>>
          %dma_wait3A_113 = arith.constant 0 : i32
          %dma_wait3A_114 = tpu.memref_slice %arg7[%add3A_96, %dma_wait3A_113] : memref<16x128xi32, #tpu.memory_space<vmem>> -> memref<1x128xi32, #tpu.memory_space<vmem>>
          %dma_wait3A_115 = tpu.memref_squeeze %dma_wait3A_114 : memref<1x128xi32, #tpu.memory_space<vmem>> -> memref<128xi32, #tpu.memory_space<vmem>>
          %dma_wait3A_116 = arith.constant 0 : i32
          %dma_wait3A_117 = arith.constant 0 : i32
          %dma_wait3A_118 = tpu.memref_slice %arg9[%dma_wait3A_116, %dma_wait3A_117] : memref<10240x128xf32, #tpu.memory_space<vmem_shared>> -> memref<10240x128xf32, #tpu.memory_space<vmem_shared>>
          tpu.wait_indirect_dma semaphore(%run_scoped3A_98 : memref<!tpu.dma_semaphore, #tpu.memory_space<semaphore_mem>>) src(%dma_wait3A_112 : memref<128x128xf32, #tpu.memory_space<vmem>>) dst(%dma_wait3A_118 : memref<10240x128xf32, #tpu.memory_space<vmem_shared>>)
          tpu.yield
        }) : () -> ()
      }
      %scan3A_50 = arith.constant 8 : i32
    }
    %scan3A_27 = arith.constant 5 : i32
    %barrier3A_28 = arith.constant 0 : index
    tpu.barrier barrier_id(%barrier3A_28)
    "tpu.region"() ({
      %run_scoped3A_29 = tpu.sem_alloc : memref<!tpu.dma_semaphore, #tpu.memory_space<semaphore_mem>>
      %dma_start3A = arith.constant 0 : i32
      %dma_start3A_30 = arith.constant 0 : i32
      %dma_start3A_31 = tpu.memref_slice %arg5[%arg0, %arg1, %dma_start3A, %dma_start3A_30] : memref<2x16x640x128xf32, #tpu.memory_space<hbm>> -> memref<1x1x640x128xf32, #tpu.memory_space<hbm>>
      %dma_start3A_32 = tpu.memref_squeeze %dma_start3A_31 : memref<1x1x640x128xf32, #tpu.memory_space<hbm>> -> memref<640x128xf32, #tpu.memory_space<hbm>>
      %dma_start3A_33 = arith.constant 0 : i32
      %dma_start3A_34 = tpu.memref_slice %arg9[%mul3A_2, %dma_start3A_33] : memref<10240x128xf32, #tpu.memory_space<vmem_shared>> -> memref<640x128xf32, #tpu.memory_space<vmem_shared>>
      tpu.enqueue_dma source(%dma_start3A_34 : memref<640x128xf32, #tpu.memory_space<vmem_shared>>) target(%dma_start3A_32 : memref<640x128xf32, #tpu.memory_space<hbm>>) target_semaphore(%run_scoped3A_29 : memref<!tpu.dma_semaphore, #tpu.memory_space<semaphore_mem>>)
      %dma_wait3A = arith.constant 0 : i32
      %dma_wait3A_35 = arith.constant 0 : i32
      %dma_wait3A_36 = tpu.memref_slice %arg5[%arg0, %arg1, %dma_wait3A, %dma_wait3A_35] : memref<2x16x640x128xf32, #tpu.memory_space<hbm>> -> memref<1x1x640x128xf32, #tpu.memory_space<hbm>>
      %dma_wait3A_37 = tpu.memref_squeeze %dma_wait3A_36 : memref<1x1x640x128xf32, #tpu.memory_space<hbm>> -> memref<640x128xf32, #tpu.memory_space<hbm>>
      %dma_wait3A_38 = arith.constant 0 : i32
      %dma_wait3A_39 = tpu.memref_slice %arg9[%mul3A_2, %dma_wait3A_38] : memref<10240x128xf32, #tpu.memory_space<vmem_shared>> -> memref<640x128xf32, #tpu.memory_space<vmem_shared>>
      tpu.wait_dma2 semaphore(%run_scoped3A_29 : memref<!tpu.dma_semaphore, #tpu.memory_space<semaphore_mem>>) src(%dma_wait3A_39 : memref<640x128xf32, #tpu.memory_space<vmem_shared>>) dst(%dma_wait3A_37 : memref<640x128xf32, #tpu.memory_space<hbm>>)
      tpu.yield
    }) : () -> ()
    return
  }
}

module attributes {stable_mosaic.version = 14 : i64} {
  func.func @body(%arg0: i32, %arg1: memref<512x128xf32, #tpu.memory_space<vmem>>, %arg2: memref<128x128xf32, #tpu.memory_space<vmem>>, %arg3: memref<2x512xf32, #tpu.memory_space<vmem>>, %arg4: memref<512x128xf32, #tpu.memory_space<vmem>>) attributes {dimension_semantics = [#tpu.dimension_semantics<arbitrary>], iteration_bounds = array<i64: 20>, scalar_prefetch = 0 : i64, scratch_operands = 0 : i64, tpu.core_type = #tpu.core_type<tc>, window_params = [{transform_indices = @transform_0, window_bounds = array<i64: 512, 128>}, {pipeline_mode = #tpu.pipeline_mode<synchronous>, transform_indices = @transform_1, window_bounds = array<i64: 128, 128>}, {transform_indices = @transform_2, window_bounds = array<i64: 2, 512>}, {transform_indices = @transform_3, window_bounds = array<i64: 512, 128>}]} {
    %get3A = arith.constant 0 : index
    %get3A_0 = arith.constant 0 : index
    %get3A_1 = vector.load %arg3[%get3A, %get3A_0] : memref<2x512xf32, #tpu.memory_space<vmem>>, vector<1x512xf32>
    %get3A_2 = vector.shape_cast %get3A_1 : vector<1x512xf32> to vector<512xf32>
    %get3A_3 = arith.constant 1 : index
    %get3A_4 = arith.constant 0 : index
    %get3A_5 = vector.load %arg3[%get3A_3, %get3A_4] : memref<2x512xf32, #tpu.memory_space<vmem>>, vector<1x512xf32>
    %get3A_6 = vector.shape_cast %get3A_5 : vector<1x512xf32> to vector<512xf32>
    %add3A = arith.addf %get3A_2, %get3A_6 : vector<512xf32>
    %add3A_7 = arith.constant 1.000000e+00 : f32
    %add3A_8 = vector.broadcast %add3A_7 : f32 to vector<512xf32>
    %add3A_9 = arith.addf %add3A, %add3A_8 : vector<512xf32>
    %rsqrt3A = math.rsqrt %add3A_9 : vector<512xf32>
    %get3A_10 = arith.constant 0 : index
    %get3A_11 = arith.constant 0 : index
    %get3A_12 = vector.load %arg1[%get3A_10, %get3A_11] : memref<512x128xf32, #tpu.memory_space<vmem>>, vector<512x128xf32>
    %get3A_13 = arith.constant 0 : index
    %get3A_14 = arith.constant 0 : index
    %get3A_15 = vector.load %arg2[%get3A_13, %get3A_14] : memref<128x128xf32, #tpu.memory_space<vmem>>, vector<128x128xf32>
    %dot_general3A = arith.constant dense<0.000000e+00> : vector<512x128xf32>
    %dot_general3A_16 = tpu.matmul %get3A_12, %get3A_15, %dot_general3A {dimension_numbers = #tpu.dot_dimension_numbers<[1], [0], [0], [1], [0, 0, 1, 1], [], []>, transpose_lhs_hint = false} : vector<512x128xf32>, vector<128x128xf32>, vector<512x128xf32> -> vector<512x128xf32>
    %broadcast_in_dim3A = vector.shape_cast %rsqrt3A : vector<512xf32> to vector<512x1xf32>
    %mul3A = vector.broadcast %broadcast_in_dim3A : vector<512x1xf32> to vector<512x128xf32>
    %mul3A_17 = arith.mulf %dot_general3A_16, %mul3A : vector<512x128xf32>
    %swap3A = arith.constant 0 : index
    %swap3A_18 = arith.constant 0 : index
    %swap3A_19 = vector.load %arg4[%swap3A, %swap3A_18] : memref<512x128xf32, #tpu.memory_space<vmem>>, vector<512x128xf32>
    tpu.vector_store %arg4[%swap3A, %swap3A_18], %mul3A_17 {strides = array<i32>} : memref<512x128xf32, #tpu.memory_space<vmem>>, vector<512x128xf32>,
    return
  }
  func.func @transform_0(%arg0: i32) -> (i32, i32) {
    %c0_i32 = arith.constant 0 : i32
    %c0_i32_0 = arith.constant 0 : i32
    return %arg0, %c0_i32 : i32, i32
  }
  func.func @transform_1(%arg0: i32) -> (i32, i32) {
    %c0_i32 = arith.constant 0 : i32
    %c0_i32_0 = arith.constant 0 : i32
    %c0_i32_1 = arith.constant 0 : i32
    return %c0_i32, %c0_i32_0 : i32, i32
  }
  func.func @transform_2(%arg0: i32) -> (i32, i32) {
    %c0_i32 = arith.constant 0 : i32
    %c0_i32_0 = arith.constant 0 : i32
    return %c0_i32, %arg0 : i32, i32
  }
  func.func @transform_3(%arg0: i32) -> (i32, i32) {
    %c0_i32 = arith.constant 0 : i32
    %c0_i32_0 = arith.constant 0 : i32
    return %arg0, %c0_i32 : i32, i32
  }
}

module attributes {stable_mosaic.version = 14 : i64} {
  func.func @body(%arg0: i32, %arg1: memref<2x512x128xf32, #tpu.memory_space<vmem>>, %arg2: memref<512x128xf32, #tpu.memory_space<vmem>>, %arg3: memref<2x512xf32, #tpu.memory_space<vmem>>, %arg4: memref<1x128xf32, #tpu.memory_space<vmem>>, %arg5: memref<128x128xf32, #tpu.memory_space<vmem>>, %arg6: memref<512x128xf32, #tpu.memory_space<vmem>>) attributes {dimension_semantics = [#tpu.dimension_semantics<arbitrary>], iteration_bounds = array<i64: 20>, scalar_prefetch = 0 : i64, scratch_operands = 0 : i64, tpu.core_type = #tpu.core_type<tc>, window_params = [{transform_indices = @transform_0, window_bounds = array<i64: 2, 512, 128>}, {transform_indices = @transform_1, window_bounds = array<i64: 512, 128>}, {transform_indices = @transform_2, window_bounds = array<i64: 2, 512>}, {pipeline_mode = #tpu.pipeline_mode<synchronous>, transform_indices = @transform_3, window_bounds = array<i64: 1, 128>}, {pipeline_mode = #tpu.pipeline_mode<synchronous>, transform_indices = @transform_4, window_bounds = array<i64: 128, 128>}, {transform_indices = @transform_5, window_bounds = array<i64: 512, 128>}]} {
    %get3A = arith.constant 0 : index
    %get3A_0 = arith.constant 0 : index
    %get3A_1 = vector.load %arg3[%get3A, %get3A_0] : memref<2x512xf32, #tpu.memory_space<vmem>>, vector<1x512xf32>
    %get3A_2 = vector.shape_cast %get3A_1 : vector<1x512xf32> to vector<512xf32>
    %get3A_3 = arith.constant 1 : index
    %get3A_4 = arith.constant 0 : index
    %get3A_5 = vector.load %arg3[%get3A_3, %get3A_4] : memref<2x512xf32, #tpu.memory_space<vmem>>, vector<1x512xf32>
    %get3A_6 = vector.shape_cast %get3A_5 : vector<1x512xf32> to vector<512xf32>
    %add3A = arith.addf %get3A_2, %get3A_6 : vector<512xf32>
    %add3A_7 = arith.constant 1.000000e+00 : f32
    %add3A_8 = vector.broadcast %add3A_7 : f32 to vector<512xf32>
    %add3A_9 = arith.addf %add3A, %add3A_8 : vector<512xf32>
    %rsqrt3A = math.rsqrt %add3A_9 : vector<512xf32>
    %broadcast_in_dim3A = vector.shape_cast %rsqrt3A : vector<512xf32> to vector<512x1xf32>
    %get3A_10 = arith.constant 0 : index
    %get3A_11 = arith.constant 0 : index
    %get3A_12 = arith.constant 0 : index
    %get3A_13 = vector.load %arg1[%get3A_10, %get3A_11, %get3A_12] : memref<2x512x128xf32, #tpu.memory_space<vmem>>, vector<1x512x128xf32>
    %get3A_14 = vector.shape_cast %get3A_13 : vector<1x512x128xf32> to vector<512x128xf32>
    %get3A_15 = arith.constant 1 : index
    %get3A_16 = arith.constant 0 : index
    %get3A_17 = arith.constant 0 : index
    %get3A_18 = vector.load %arg1[%get3A_15, %get3A_16, %get3A_17] : memref<2x512x128xf32, #tpu.memory_space<vmem>>, vector<1x512x128xf32>
    %get3A_19 = vector.shape_cast %get3A_18 : vector<1x512x128xf32> to vector<512x128xf32>
    %add3A_20 = arith.addf %get3A_14, %get3A_19 : vector<512x128xf32>
    %get3A_21 = arith.constant 0 : index
    %get3A_22 = arith.constant 0 : index
    %get3A_23 = vector.load %arg2[%get3A_21, %get3A_22] : memref<512x128xf32, #tpu.memory_space<vmem>>, vector<512x128xf32>
    %add3A_24 = arith.addf %add3A_20, %get3A_23 : vector<512x128xf32>
    %mul3A = vector.broadcast %broadcast_in_dim3A : vector<512x1xf32> to vector<512x128xf32>
    %mul3A_25 = arith.mulf %add3A_24, %mul3A : vector<512x128xf32>
    %get3A_26 = arith.constant 0 : index
    %get3A_27 = arith.constant 0 : index
    %get3A_28 = vector.load %arg4[%get3A_26, %get3A_27] : memref<1x128xf32, #tpu.memory_space<vmem>>, vector<1x128xf32>
    %add3A_29 = vector.broadcast %get3A_28 : vector<1x128xf32> to vector<512x128xf32>
    %add3A_30 = arith.addf %mul3A_25, %add3A_29 : vector<512x128xf32>
    %max3A = arith.constant 0.000000e+00 : f32
    %max3A_31 = vector.broadcast %max3A : f32 to vector<512x128xf32>
    %max3A_32 = arith.maximumf %add3A_30, %max3A_31 : vector<512x128xf32>
    %get3A_33 = arith.constant 0 : index
    %get3A_34 = arith.constant 0 : index
    %get3A_35 = vector.load %arg5[%get3A_33, %get3A_34] : memref<128x128xf32, #tpu.memory_space<vmem>>, vector<128x128xf32>
    %dot_general3A = arith.constant dense<0.000000e+00> : vector<512x128xf32>
    %dot_general3A_36 = tpu.matmul %max3A_32, %get3A_35, %dot_general3A {dimension_numbers = #tpu.dot_dimension_numbers<[1], [0], [0], [1], [0, 0, 1, 1], [], []>, transpose_lhs_hint = false} : vector<512x128xf32>, vector<128x128xf32>, vector<512x128xf32> -> vector<512x128xf32>
    %mul3A_37 = vector.broadcast %broadcast_in_dim3A : vector<512x1xf32> to vector<512x128xf32>
    %mul3A_38 = arith.mulf %dot_general3A_36, %mul3A_37 : vector<512x128xf32>
    %mul3A_39 = arith.constant 512 : i32
    %mul3A_40 = arith.muli %arg0, %mul3A_39 : i32
    %iota3A = tpu.iota {dimensions = array<i32: 0>} : vector<512x1xi32>
    %add3A_41 = vector.broadcast %mul3A_40 : i32 to vector<512x1xi32>
    %add3A_42 = arith.addi %add3A_41, %iota3A : vector<512x1xi32>
    %lt3A = arith.constant 10000 : i32
    %lt3A_43 = vector.broadcast %lt3A : i32 to vector<512x1xi32>
    %lt3A_44 = arith.cmpi slt, %add3A_42, %lt3A_43 : vector<512x1xi32>
    %jit3A = arith.constant 0.000000e+00 : f32
    %broadcast_in_dim3A_45 = vector.shape_cast %lt3A_44 : vector<512x1xi1> to vector<512x1xi1>
    %broadcast_in_dim3A_46 = vector.broadcast %broadcast_in_dim3A_45 : vector<512x1xi1> to vector<512x128xi1>
    %broadcast_in_dim3A_47 = vector.broadcast %jit3A : f32 to vector<512x128xf32>
    %select_n3A = arith.select %broadcast_in_dim3A_46, %mul3A_38, %broadcast_in_dim3A_47 : vector<512x128xi1>, vector<512x128xf32>
    %swap3A = arith.constant 0 : index
    %swap3A_48 = arith.constant 0 : index
    %swap3A_49 = vector.load %arg6[%swap3A, %swap3A_48] : memref<512x128xf32, #tpu.memory_space<vmem>>, vector<512x128xf32>
    tpu.vector_store %arg6[%swap3A, %swap3A_48], %select_n3A {strides = array<i32>} : memref<512x128xf32, #tpu.memory_space<vmem>>, vector<512x128xf32>,
    return
  }
  func.func @transform_0(%arg0: i32) -> (i32, i32, i32) {
    %c0_i32 = arith.constant 0 : i32
    %c0_i32_0 = arith.constant 0 : i32
    %c0_i32_1 = arith.constant 0 : i32
    return %c0_i32, %arg0, %c0_i32_0 : i32, i32, i32
  }
  func.func @transform_1(%arg0: i32) -> (i32, i32) {
    %c0_i32 = arith.constant 0 : i32
    %c0_i32_0 = arith.constant 0 : i32
    return %arg0, %c0_i32 : i32, i32
  }
  func.func @transform_2(%arg0: i32) -> (i32, i32) {
    %c0_i32 = arith.constant 0 : i32
    %c0_i32_0 = arith.constant 0 : i32
    return %c0_i32, %arg0 : i32, i32
  }
  func.func @transform_3(%arg0: i32) -> (i32, i32) {
    %c0_i32 = arith.constant 0 : i32
    %c0_i32_0 = arith.constant 0 : i32
    %c0_i32_1 = arith.constant 0 : i32
    return %c0_i32, %c0_i32_0 : i32, i32
  }
  func.func @transform_4(%arg0: i32) -> (i32, i32) {
    %c0_i32 = arith.constant 0 : i32
    %c0_i32_0 = arith.constant 0 : i32
    %c0_i32_1 = arith.constant 0 : i32
    return %c0_i32, %c0_i32_0 : i32, i32
  }
  func.func @transform_5(%arg0: i32) -> (i32, i32) {
    %c0_i32 = arith.constant 0 : i32
    %c0_i32_0 = arith.constant 0 : i32
    return %arg0, %c0_i32 : i32, i32
  }
}

module attributes {stable_mosaic.version = 14 : i64} {
  func.func @body(%arg0: i32, %arg1: memref<2x512x128xf32, #tpu.memory_space<vmem>>, %arg2: memref<512x128xf32, #tpu.memory_space<vmem>>, %arg3: memref<2x512xf32, #tpu.memory_space<vmem>>, %arg4: memref<1x128xf32, #tpu.memory_space<vmem>>, %arg5: memref<512x128xf32, #tpu.memory_space<vmem>>) attributes {dimension_semantics = [#tpu.dimension_semantics<arbitrary>], iteration_bounds = array<i64: 20>, scalar_prefetch = 0 : i64, scratch_operands = 0 : i64, tpu.core_type = #tpu.core_type<tc>, window_params = [{transform_indices = @transform_0, window_bounds = array<i64: 2, 512, 128>}, {transform_indices = @transform_1, window_bounds = array<i64: 512, 128>}, {transform_indices = @transform_2, window_bounds = array<i64: 2, 512>}, {pipeline_mode = #tpu.pipeline_mode<synchronous>, transform_indices = @transform_3, window_bounds = array<i64: 1, 128>}, {transform_indices = @transform_4, window_bounds = array<i64: 512, 128>}]} {
    %get3A = arith.constant 0 : index
    %get3A_0 = arith.constant 0 : index
    %get3A_1 = vector.load %arg3[%get3A, %get3A_0] : memref<2x512xf32, #tpu.memory_space<vmem>>, vector<1x512xf32>
    %get3A_2 = vector.shape_cast %get3A_1 : vector<1x512xf32> to vector<512xf32>
    %get3A_3 = arith.constant 1 : index
    %get3A_4 = arith.constant 0 : index
    %get3A_5 = vector.load %arg3[%get3A_3, %get3A_4] : memref<2x512xf32, #tpu.memory_space<vmem>>, vector<1x512xf32>
    %get3A_6 = vector.shape_cast %get3A_5 : vector<1x512xf32> to vector<512xf32>
    %add3A = arith.addf %get3A_2, %get3A_6 : vector<512xf32>
    %add3A_7 = arith.constant 1.000000e+00 : f32
    %add3A_8 = vector.broadcast %add3A_7 : f32 to vector<512xf32>
    %add3A_9 = arith.addf %add3A, %add3A_8 : vector<512xf32>
    %rsqrt3A = math.rsqrt %add3A_9 : vector<512xf32>
    %broadcast_in_dim3A = vector.shape_cast %rsqrt3A : vector<512xf32> to vector<512x1xf32>
    %get3A_10 = arith.constant 0 : index
    %get3A_11 = arith.constant 0 : index
    %get3A_12 = arith.constant 0 : index
    %get3A_13 = vector.load %arg1[%get3A_10, %get3A_11, %get3A_12] : memref<2x512x128xf32, #tpu.memory_space<vmem>>, vector<1x512x128xf32>
    %get3A_14 = vector.shape_cast %get3A_13 : vector<1x512x128xf32> to vector<512x128xf32>
    %get3A_15 = arith.constant 1 : index
    %get3A_16 = arith.constant 0 : index
    %get3A_17 = arith.constant 0 : index
    %get3A_18 = vector.load %arg1[%get3A_15, %get3A_16, %get3A_17] : memref<2x512x128xf32, #tpu.memory_space<vmem>>, vector<1x512x128xf32>
    %get3A_19 = vector.shape_cast %get3A_18 : vector<1x512x128xf32> to vector<512x128xf32>
    %add3A_20 = arith.addf %get3A_14, %get3A_19 : vector<512x128xf32>
    %get3A_21 = arith.constant 0 : index
    %get3A_22 = arith.constant 0 : index
    %get3A_23 = vector.load %arg2[%get3A_21, %get3A_22] : memref<512x128xf32, #tpu.memory_space<vmem>>, vector<512x128xf32>
    %add3A_24 = arith.addf %add3A_20, %get3A_23 : vector<512x128xf32>
    %mul3A = vector.broadcast %broadcast_in_dim3A : vector<512x1xf32> to vector<512x128xf32>
    %mul3A_25 = arith.mulf %add3A_24, %mul3A : vector<512x128xf32>
    %get3A_26 = arith.constant 0 : index
    %get3A_27 = arith.constant 0 : index
    %get3A_28 = vector.load %arg4[%get3A_26, %get3A_27] : memref<1x128xf32, #tpu.memory_space<vmem>>, vector<1x128xf32>
    %add3A_29 = vector.broadcast %get3A_28 : vector<1x128xf32> to vector<512x128xf32>
    %add3A_30 = arith.addf %mul3A_25, %add3A_29 : vector<512x128xf32>
    %swap3A = arith.constant 0 : index
    %swap3A_31 = arith.constant 0 : index
    %swap3A_32 = vector.load %arg5[%swap3A, %swap3A_31] : memref<512x128xf32, #tpu.memory_space<vmem>>, vector<512x128xf32>
    tpu.vector_store %arg5[%swap3A, %swap3A_31], %add3A_30 {strides = array<i32>} : memref<512x128xf32, #tpu.memory_space<vmem>>, vector<512x128xf32>,
    return
  }
  func.func @transform_0(%arg0: i32) -> (i32, i32, i32) {
    %c0_i32 = arith.constant 0 : i32
    %c0_i32_0 = arith.constant 0 : i32
    %c0_i32_1 = arith.constant 0 : i32
    return %c0_i32, %arg0, %c0_i32_0 : i32, i32, i32
  }
  func.func @transform_1(%arg0: i32) -> (i32, i32) {
    %c0_i32 = arith.constant 0 : i32
    %c0_i32_0 = arith.constant 0 : i32
    return %arg0, %c0_i32 : i32, i32
  }
  func.func @transform_2(%arg0: i32) -> (i32, i32) {
    %c0_i32 = arith.constant 0 : i32
    %c0_i32_0 = arith.constant 0 : i32
    return %c0_i32, %arg0 : i32, i32
  }
  func.func @transform_3(%arg0: i32) -> (i32, i32) {
    %c0_i32 = arith.constant 0 : i32
    %c0_i32_0 = arith.constant 0 : i32
    %c0_i32_1 = arith.constant 0 : i32
    return %c0_i32, %c0_i32_0 : i32, i32
  }
  func.func @transform_4(%arg0: i32) -> (i32, i32) {
    %c0_i32 = arith.constant 0 : i32
    %c0_i32_0 = arith.constant 0 : i32
    return %arg0, %c0_i32 : i32, i32
  }
}

module attributes {stable_mosaic.version = 14 : i64} {
  func.func @body(%arg0: i32, %arg1: memref<512x128xf32, #tpu.memory_space<vmem>>, %arg2: memref<1x1x512xi32, #tpu.memory_space<vmem>>, %arg3: memref<128x10xf32, #tpu.memory_space<vmem>>, %arg4: memref<1x10xf32, #tpu.memory_space<vmem>>, %arg5: memref<64x10xf32, #tpu.memory_space<vmem>>, %arg6: memref<64x128xf32, #tpu.memory_space<vmem>>, %arg7: memref<64x1xf32, #tpu.memory_space<vmem>>) attributes {dimension_semantics = [#tpu.dimension_semantics<arbitrary>], iteration_bounds = array<i64: 20>, scalar_prefetch = 0 : i64, scratch_operands = 0 : i64, tpu.core_type = #tpu.core_type<tc>, window_params = [{transform_indices = @transform_0, window_bounds = array<i64: 512, 128>}, {transform_indices = @transform_1, window_bounds = array<i64: 1, 1, 512>}, {pipeline_mode = #tpu.pipeline_mode<synchronous>, transform_indices = @transform_2, window_bounds = array<i64: 128, 10>}, {pipeline_mode = #tpu.pipeline_mode<synchronous>, transform_indices = @transform_3, window_bounds = array<i64: 1, 10>}, {pipeline_mode = #tpu.pipeline_mode<synchronous>, transform_indices = @transform_4, window_bounds = array<i64: 64, 10>}, {pipeline_mode = #tpu.pipeline_mode<synchronous>, transform_indices = @transform_5, window_bounds = array<i64: 64, 128>}, {pipeline_mode = #tpu.pipeline_mode<synchronous>, transform_indices = @transform_6, window_bounds = array<i64: 64, 1>}]} {
    %eq3A = arith.constant 0 : i32
    %eq3A_0 = arith.cmpi eq, %arg0, %eq3A : i32
    %convert_element_type3A = arith.extui %eq3A_0 : i1 to i32
    %cond3A = arith.constant 0 : i32
    %cond3A_1 = arith.cmpi ne, %convert_element_type3A, %cond3A : i32
    scf.if %cond3A_1 {
      %broadcast_in_dim3A_33 = arith.constant 0.000000e+00 : f32
      %broadcast_in_dim3A_34 = vector.broadcast %broadcast_in_dim3A_33 : f32 to vector<64x128xf32>
      %swap3A_35 = arith.constant 0 : index
      %swap3A_36 = arith.constant 0 : index
      %swap3A_37 = vector.load %arg6[%swap3A_35, %swap3A_36] : memref<64x128xf32, #tpu.memory_space<vmem>>, vector<64x128xf32>
      tpu.vector_store %arg6[%swap3A_35, %swap3A_36], %broadcast_in_dim3A_34 {strides = array<i32>} : memref<64x128xf32, #tpu.memory_space<vmem>>, vector<64x128xf32>,
      %broadcast_in_dim3A_38 = arith.constant 0.000000e+00 : f32
      %broadcast_in_dim3A_39 = vector.broadcast %broadcast_in_dim3A_38 : f32 to vector<64x1xf32>
      %swap3A_40 = arith.constant 0 : index
      %swap3A_41 = arith.constant 0 : index
      %swap3A_42 = vector.load %arg7[%swap3A_40, %swap3A_41] : memref<64x1xf32, #tpu.memory_space<vmem>>, vector<64x1xf32>
      tpu.vector_store %arg7[%swap3A_40, %swap3A_41], %broadcast_in_dim3A_39 {strides = array<i32>} : memref<64x1xf32, #tpu.memory_space<vmem>>, vector<64x1xf32>,
      %broadcast_in_dim3A_43 = arith.constant 0.000000e+00 : f32
      %broadcast_in_dim3A_44 = vector.broadcast %broadcast_in_dim3A_43 : f32 to vector<64x10xf32>
      %swap3A_45 = arith.constant 0 : index
      %swap3A_46 = arith.constant 0 : index
      %swap3A_47 = vector.load %arg5[%swap3A_45, %swap3A_46] : memref<64x10xf32, #tpu.memory_space<vmem>>, vector<64x10xf32>
      tpu.vector_store %arg5[%swap3A_45, %swap3A_46], %broadcast_in_dim3A_44 {strides = array<i32>} : memref<64x10xf32, #tpu.memory_space<vmem>>, vector<64x10xf32>,
    } else {
    }
    %get3A = arith.constant 0 : index
    %get3A_2 = arith.constant 0 : index
    %get3A_3 = arith.constant 0 : index
    %get3A_4 = vector.load %arg2[%get3A, %get3A_2, %get3A_3] : memref<1x1x512xi32, #tpu.memory_space<vmem>>, vector<1x1x512xi32>
    %get3A_5 = vector.shape_cast %get3A_4 : vector<1x1x512xi32> to vector<1x512xi32>
    %iota3A = tpu.iota {dimensions = array<i32: 0>} : vector<64x512xi32>
    %eq3A_6 = vector.broadcast %get3A_5 : vector<1x512xi32> to vector<64x512xi32>
    %eq3A_7 = arith.cmpi eq, %iota3A, %eq3A_6 : vector<64x512xi32>
    %jit3A = arith.constant 1.000000e+00 : f32
    %jit3A_8 = arith.constant 0.000000e+00 : f32
    %broadcast_in_dim3A = vector.broadcast %jit3A : f32 to vector<64x512xf32>
    %broadcast_in_dim3A_9 = vector.broadcast %jit3A_8 : f32 to vector<64x512xf32>
    %select_n3A = arith.select %eq3A_7, %broadcast_in_dim3A, %broadcast_in_dim3A_9 : vector<64x512xi1>, vector<64x512xf32>
    %get3A_10 = arith.constant 0 : index
    %get3A_11 = arith.constant 0 : index
    %get3A_12 = vector.load %arg6[%get3A_10, %get3A_11] : memref<64x128xf32, #tpu.memory_space<vmem>>, vector<64x128xf32>
    %get3A_13 = arith.constant 0 : index
    %get3A_14 = arith.constant 0 : index
    %get3A_15 = vector.load %arg1[%get3A_13, %get3A_14] : memref<512x128xf32, #tpu.memory_space<vmem>>, vector<512x128xf32>
    %dot_general3A = arith.constant dense<0.000000e+00> : vector<64x128xf32>
    %dot_general3A_16 = tpu.matmul %select_n3A, %get3A_15, %dot_general3A {dimension_numbers = #tpu.dot_dimension_numbers<[1], [0], [0], [1], [0, 0, 1, 1], [], []>, transpose_lhs_hint = false} : vector<64x512xf32>, vector<512x128xf32>, vector<64x128xf32> -> vector<64x128xf32>
    %add3A = arith.addf %get3A_12, %dot_general3A_16 : vector<64x128xf32>
    %swap3A = arith.constant 0 : index
    %swap3A_17 = arith.constant 0 : index
    %swap3A_18 = vector.load %arg6[%swap3A, %swap3A_17] : memref<64x128xf32, #tpu.memory_space<vmem>>, vector<64x128xf32>
    tpu.vector_store %arg6[%swap3A, %swap3A_17], %add3A {strides = array<i32>} : memref<64x128xf32, #tpu.memory_space<vmem>>, vector<64x128xf32>,
    %get3A_19 = arith.constant 0 : index
    %get3A_20 = arith.constant 0 : index
    %get3A_21 = vector.load %arg7[%get3A_19, %get3A_20] : memref<64x1xf32, #tpu.memory_space<vmem>>, vector<64x1xf32>
    %reduce_sum3A = arith.constant dense<0.000000e+00> : vector<64xf32>
    %reduce_sum3A_22 = vector.multi_reduction <add>, %select_n3A, %reduce_sum3A [1] : vector<64x512xf32> to vector<64xf32>
    %broadcast_in_dim3A_23 = vector.shape_cast %reduce_sum3A_22 : vector<64xf32> to vector<64x1xf32>
    %add3A_24 = arith.addf %get3A_21, %broadcast_in_dim3A_23 : vector<64x1xf32>
    %swap3A_25 = arith.constant 0 : index
    %swap3A_26 = arith.constant 0 : index
    %swap3A_27 = vector.load %arg7[%swap3A_25, %swap3A_26] : memref<64x1xf32, #tpu.memory_space<vmem>>, vector<64x1xf32>
    tpu.vector_store %arg7[%swap3A_25, %swap3A_26], %add3A_24 {strides = array<i32>} : memref<64x1xf32, #tpu.memory_space<vmem>>, vector<64x1xf32>,
    %eq3A_28 = arith.constant 19 : i32
    %eq3A_29 = arith.cmpi eq, %arg0, %eq3A_28 : i32
    %convert_element_type3A_30 = arith.extui %eq3A_29 : i1 to i32
    %cond3A_31 = arith.constant 0 : i32
    %cond3A_32 = arith.cmpi ne, %convert_element_type3A_30, %cond3A_31 : i32
    scf.if %cond3A_32 {
      %get3A_33 = arith.constant 0 : index
      %get3A_34 = arith.constant 0 : index
      %get3A_35 = vector.load %arg6[%get3A_33, %get3A_34] : memref<64x128xf32, #tpu.memory_space<vmem>>, vector<64x128xf32>
      %get3A_36 = arith.constant 0 : index
      %get3A_37 = arith.constant 0 : index
      %get3A_38 = vector.load %arg7[%get3A_36, %get3A_37] : memref<64x1xf32, #tpu.memory_space<vmem>>, vector<64x1xf32>
      %max3A = arith.constant 1.000000e+00 : f32
      %max3A_39 = vector.broadcast %max3A : f32 to vector<64x1xf32>
      %max3A_40 = arith.maximumf %get3A_38, %max3A_39 : vector<64x1xf32>
      %div3A = vector.broadcast %max3A_40 : vector<64x1xf32> to vector<64x128xf32>
      %div3A_41 = arith.divf %get3A_35, %div3A : vector<64x128xf32>
      %get3A_42 = arith.constant 0 : index
      %get3A_43 = arith.constant 0 : index
      %get3A_44 = vector.load %arg3[%get3A_42, %get3A_43] : memref<128x10xf32, #tpu.memory_space<vmem>>, vector<128x10xf32>
      %dot_general3A_45 = arith.constant dense<0.000000e+00> : vector<64x10xf32>
      %dot_general3A_46 = tpu.matmul %div3A_41, %get3A_44, %dot_general3A_45 {dimension_numbers = #tpu.dot_dimension_numbers<[1], [0], [0], [1], [0, 0, 1, 1], [], []>, transpose_lhs_hint = false} : vector<64x128xf32>, vector<128x10xf32>, vector<64x10xf32> -> vector<64x10xf32>
      %get3A_47 = arith.constant 0 : index
      %get3A_48 = arith.constant 0 : index
      %get3A_49 = vector.load %arg4[%get3A_47, %get3A_48] : memref<1x10xf32, #tpu.memory_space<vmem>>, vector<1x10xf32>
      %add3A_50 = vector.broadcast %get3A_49 : vector<1x10xf32> to vector<64x10xf32>
      %add3A_51 = arith.addf %dot_general3A_46, %add3A_50 : vector<64x10xf32>
      %swap3A_52 = arith.constant 0 : index
      %swap3A_53 = arith.constant 0 : index
      %swap3A_54 = vector.load %arg5[%swap3A_52, %swap3A_53] : memref<64x10xf32, #tpu.memory_space<vmem>>, vector<64x10xf32>
      tpu.vector_store %arg5[%swap3A_52, %swap3A_53], %add3A_51 {strides = array<i32>} : memref<64x10xf32, #tpu.memory_space<vmem>>, vector<64x10xf32>,
    } else {
    }
    return
  }
  func.func @transform_0(%arg0: i32) -> (i32, i32) {
    %c0_i32 = arith.constant 0 : i32
    %c0_i32_0 = arith.constant 0 : i32
    return %arg0, %c0_i32 : i32, i32
  }
  func.func @transform_1(%arg0: i32) -> (i32, i32, i32) {
    %c0_i32 = arith.constant 0 : i32
    %c0_i32_0 = arith.constant 0 : i32
    %c0_i32_1 = arith.constant 0 : i32
    return %arg0, %c0_i32, %c0_i32_0 : i32, i32, i32
  }
  func.func @transform_2(%arg0: i32) -> (i32, i32) {
    %c0_i32 = arith.constant 0 : i32
    %c0_i32_0 = arith.constant 0 : i32
    %c0_i32_1 = arith.constant 0 : i32
    return %c0_i32, %c0_i32_0 : i32, i32
  }
  func.func @transform_3(%arg0: i32) -> (i32, i32) {
    %c0_i32 = arith.constant 0 : i32
    %c0_i32_0 = arith.constant 0 : i32
    %c0_i32_1 = arith.constant 0 : i32
    return %c0_i32, %c0_i32_0 : i32, i32
  }
  func.func @transform_4(%arg0: i32) -> (i32, i32) {
    %c0_i32 = arith.constant 0 : i32
    %c0_i32_0 = arith.constant 0 : i32
    %c0_i32_1 = arith.constant 0 : i32
    return %c0_i32, %c0_i32_0 : i32, i32
  }
  func.func @transform_5(%arg0: i32) -> (i32, i32) {
    %c0_i32 = arith.constant 0 : i32
    %c0_i32_0 = arith.constant 0 : i32
    %c0_i32_1 = arith.constant 0 : i32
    return %c0_i32, %c0_i32_0 : i32, i32
  }
  func.func @transform_6(%arg0: i32) -> (i32, i32) {
    %c0_i32 = arith.constant 0 : i32
    %c0_i32_0 = arith.constant 0 : i32
    %c0_i32_1 = arith.constant 0 : i32
    return %c0_i32, %c0_i32_0 : i32, i32
  }
}

</mosaic_0001>

<sc_bundles>
// kernel: kernel.12.cloned.1.call-start
scs
__scs_entry_jumppad:
0x0: {  	(pc) =	sbr.rel $0x88, $3  }
0x1: {  	(tag) =	ssettag $0x0;
	lr =	simm.s32 $0x1  }
0x2: {  	[smem:$0x3F98] =	sst lr;
	_ =	strace $0xD0000000  }
0x3: {  	_ = 	snop  }
0x4: {  	_ = 	snop  }
0x5: {  	_ = 	snop  }
0x6: {  	_ = 	snop  }
0x7: {  	_ = 	snop  }
__scs_overlays_trampoline_lowered:
0x8: {  	[smem:$0x3FA7] =	sst s0  }
0x9: {  	[smem:$0x3FA8] =	sst s1  }
0xa: {  	[smem:$0x3FA9] =	sst s2  }
0xb: {  	[smem:$0x3FAA] =	sst s3  }
0xc: {  	[smem:$0x3FAB] =	sst s4  }
0xd: {  	[smem:$0x3FAC] =	sst s5  }
0xe: {  	[smem:$0x3FAD] =	sst s6  }
0xf: {  	[smem:$0x3FAE] =	sst s7  }
0x10: {  	[smem:$0x3FAF] =	sst s8  }
0x11: {  	[smem:$0x3FB0] =	sst s9;
	s0 =	simm.s32 @!p0 $0x0  }
0x12: {  	s1 =	sld [smem:$0x3F96];
	s0 =	simm.s32 @p0 $0x1  }
0x13: {  	[smem:$0x3FB1] =	sst s0;
	s0 =	simm.s32 @!p1 $0x0  }
0x14: {  	s2 =	sld [smem:$0x3F95];
	s0 =	simm.s32 @p1 $0x1  }
0x15: {  	[smem:$0x3FB2] =	sst s0;
	s0 =	simm.s32 @!p2 $0x0  }
0x16: {  	s3 =	sld [smem:$0x3FDB];
	s0 =	simm.s32 @p2 $0x1  }
0x17: {  	s4 =	simm.s32 $0x1BF5;
	[smem:$0x3FB4] =	sst s0  }
0x18: {  	s0 =	sld [smem:$0x3F97];
	_ =	swait.ge [sflag:s4], $0x0  }
0x19: {  	s7 =	sld [smem:$0x3F98]  }
0x1a: {  	s8 =	sadd.s32 $0xFFFFE003, lr  }
0x1b: {  	s9 =	sadd.s32 $0xFFFFFEF7, lr;
	s5 =	simm.s32 $0xFFFFFFFF;
	p2 =	slt.u32 s8, $0xFFFFF086  }
0x1c: {  	p1 =	slt.u32 s9, $0xF7A;
	s5 =	simm.s32 @!p2 $0x0  }
0x1d: {  	s5 =	simm.s32 @p1 $0x1;
	p0 =	seq.s32 s7, s2  }
0x1e: {  	s7 =	smul.u32 @!p0 $0xF7A, s2;
	p2 =	seq.s32 @!p0 s5, $0x0  }
0x1f: {  	s9 =	smul.u32 $0xF7A, s1;
	s8 =	simm.s32 @!p0 $0x1BF5;
	p2 =	por !p2, p0  }
0x20: {  	[sflag:s8] =	ssyncset.s32 @!p0 $0xFFFFF086;
	s6 =	sadd.s32 @!p0 s3, s7;
	s7 =	simm.s32 @!p0 $0x108  }
0x21: {  	s3 =	sadd.s32 s3, s9;
	s6 =	sadd.s32 @!p0 $0x88, s6;
	s7 =	simm.s32 @p2 $0x1082  }
0x22: {  	[simem:s7], [sflag:s8] =	dma.local @!p0 [hbm:s6], $0xF7A  }
0x23: {  	s9 =	sor.u32 $0xD0000000, s2;
	s6 =	simm.s32 $0x108;
	_ =	swait.ge @!p0 [sflag:s8], $0x0  }
0x24: {  	s3 =	sadd.s32 $0x88, s3;
	s6 =	simm.s32 @!p1 $0x1082;
	[sflag:s4] =	ssyncset.s32 $0xFFFFF086  }
0x25: {  	[simem:s6], [sflag:s4] =	dma.local [hbm:s3], $0xF7A  }
0x26: {  	[smem:$0x3F98] =	sst s1;
	(tag) =	ssettag s2;
	_ =	strace s9  }
0x27: {  	s1 =	sld [smem:$0x3FA8]  }
0x28: {  	s2 =	sld [smem:$0x3FA9]  }
0x29: {  	s4 =	sld [smem:$0x3FAB]  }
0x2a: {  	p0 =	seq.s32 s5, $0x0;
	s5 =	sld [smem:$0x3FAC]  }
0x2b: {  	s6 =	sld [smem:$0x3FAD]  }
0x2c: {  	s7 =	sld [smem:$0x3FAE]  }
0x2d: {  	s3 =	simm.s32 $0x108;
	s8 =	sld [smem:$0x3FAF]  }
0x2e: {  	s3 =	simm.s32 @!p0 $0x1082;
	s9 =	sld [smem:$0x3FB0]  }
0x2f: {  	lr =	sadd.s32 s0, s3;
	s0 =	sld [smem:$0x3FA7]  }
0x30: {  	s3 =	sld [smem:$0x3FAA]  }
0x31: {  	[smem:$0x3FB3] =	sst s10  }
0x32: {  	s10 =	sld [smem:$0x3FB1];
	_ =	sdelay $0x3  }
0x33: {  	p0 =	seq.s32 s10, $0x1;
	s10 =	sld [smem:$0x3FB3];
	_ =	sdelay $0x3  }
0x34: {  	[smem:$0x3FB3] =	sst s10  }
0x35: {  	s10 =	sld [smem:$0x3FB2];
	_ =	sdelay $0x3  }
0x36: {  	p1 =	seq.s32 s10, $0x1;
	s10 =	sld [smem:$0x3FB3];
	_ =	sdelay $0x3  }
0x37: {  	[smem:$0x3FB3] =	sst s10  }
0x38: {  	s10 =	sld [smem:$0x3FB4]  }
0x39: {  	_ = 	snop;
	(pc) =	sbr.ind lr, $3  }
0x3a: {  	_ = 	snop  }
0x3b: {  	_ = 	snop  }
0x3c: {  	p2 =	seq.s32 s10, $0x1;
	s10 =	sld [smem:$0x3FB3]  }
0x3d: {  	_ =	shalt  }
0x3e: {  	_ =	shalt  }
0x3f: {  	_ =	shalt  }
0x40: {  	_ =	shalt  }
0x41: {  	_ =	shalt  }
0x42: {  	_ =	shalt  }
0x43: {  	_ =	shalt  }
0x44: {  	_ =	shalt  }
0x45: {  	_ =	shalt  }
0x46: {  	_ =	shalt  }
0x47: {  	_ =	shalt  }
0x48: {  	_ =	shalt  }
0x49: {  	_ =	shalt  }
0x4a: {  	_ =	shalt  }
0x4b: {  	_ =	shalt  }
0x4c: {  	_ =	shalt  }
0x4d: {  	_ =	shalt  }
0x4e: {  	_ =	shalt  }
0x4f: {  	_ =	shalt  }
0x50: {  	_ =	shalt  }
0x51: {  	_ =	shalt  }
0x52: {  	_ =	shalt  }
0x53: {  	_ =	shalt  }
0x54: {  	_ =	shalt  }
0x55: {  	_ =	shalt  }
0x56: {  	_ =	shalt  }
0x57: {  	_ =	shalt  }
0x58: {  	_ =	shalt  }
0x59: {  	_ =	shalt  }
0x5a: {  	_ =	shalt  }
0x5b: {  	_ =	shalt  }
0x5c: {  	_ =	shalt  }
0x5d: {  	_ =	shalt  }
0x5e: {  	_ =	shalt  }
0x5f: {  	_ =	shalt  }
0x60: {  	_ =	shalt  }
0x61: {  	_ =	shalt  }
0x62: {  	_ =	shalt  }
0x63: {  	_ =	shalt  }
0x64: {  	_ =	shalt  }
0x65: {  	_ =	shalt  }
0x66: {  	_ =	shalt  }
0x67: {  	_ =	shalt  }
0x68: {  	_ =	shalt  }
0x69: {  	_ =	shalt  }
0x6a: {  	_ =	shalt  }
0x6b: {  	_ =	shalt  }
0x6c: {  	_ =	shalt  }
0x6d: {  	_ =	shalt  }
0x6e: {  	_ =	shalt  }
0x6f: {  	_ =	shalt  }
0x70: {  	_ =	shalt  }
0x71: {  	_ =	shalt  }
0x72: {  	_ =	shalt  }
0x73: {  	_ =	shalt  }
0x74: {  	_ =	shalt  }
0x75: {  	_ =	shalt  }
0x76: {  	_ =	shalt  }
0x77: {  	_ =	shalt  }
0x78: {  	_ =	shalt  }
0x79: {  	_ =	shalt  }
0x7a: {  	_ =	shalt  }
0x7b: {  	_ =	shalt  }
0x7c: {  	_ =	shalt  }
0x7d: {  	_ =	shalt  }
0x7e: {  	_ =	shalt  }
0x7f: {  	_ =	shalt  }
0x80: {  	_ =	shalt  }
0x81: {  	_ =	shalt  }
0x82: {  	_ =	shalt  }
0x83: {  	_ =	shalt  }
0x84: {  	_ =	shalt  }
0x85: {  	_ =	shalt  }
0x86: {  	_ =	shalt  }
0x87: {  	_ =	shalt  }
.Lfunc_end0:
.L_simem_size_0:
called_computation.1_lowered:
.L_overlay_start_0:
0x88: {  	s2 =	sld [smem:$0x3FD9]  }
0x89: {  	s3 =	sld [smem:$0x3FFE];
	_ =	sdelay $0x1  }
0x8a: {  	s1 =	srdreg.scid  }
0x8b: {  	s0 =	sand.u32 $0x1, s1  }
0x8c: {  	s16 =	sshll.u32 s0, $0xA;
	s2 =	sadd.s32 s3, s2  }
0x8d: {  	s2 =	sadd.s32 s2, s16  }
0x8e: {  	[smem:$0x3FBF] =	sst s2  }
0x8f: {  	_ = 	snop  }
0x90: {  	(tm) =	ssettm $0x1  }
0x91: {  	s17 =	sld [smem:$0x3FFB];
	_ =	sdelay $0x3  }
0x92: {  	_ =	strace s17  }
0x93: {  	s2 =	sld [smem:$0x3FFC];
	_ =	sdelay $0x3  }
0x94: {  	_ =	strace s2  }
0x95: {  	s2 =	sld [smem:$0x3FFD];
	_ =	sdelay $0x3  }
0x96: {  	_ =	strace s2  }
0x97: {  	_ =	strace $0x8FFFFFFF  }
0x98: {  	s18 =	sld [smem:$0x3FDB];
	_ =	sdelay $0x1  }
0x99: {  	s19 =	simm.s32 $_scs_section_size  }
0x9a: {  	s4 =	simm.s32 $_size__tile_overlayer_lowered;
	s5 =	simm.s32 $_tile_overlayer_lowered  }
0x9b: {  	s22 =	simm.s32 $0x1BFF;
	s21 =	sshll.u32 s5, $0x1;
	s2 =	sadd.s32 s19, s18  }
0x9c: {  	s6 =	simm.s32 $0x0;
	s20 =	sshll.u32 s4, $0x1;
	s4 =	sadd.s32 s21, s2  }
0x9d: {  	[timem:s6], [sflag:s22] =	dma.local [hbm:s4], s20  }
0x9e: {  	_ =	swait.ge [sflag:s22], s20  }
0x9f: {  	s3 =	ssub.s32 $0x0, s20;
	[sflag:s22] =	ssyncset.done $0x0  }
0xa0: {  	[sflag:s22] =	ssyncadd.s32 s3;
	_ =	sdelay $0x1  }
0xa1: {  	s23 =	simm.s32 $0x1B8B  }
0xa2: {  	_ =	swait.ge [sflag:s23], $0x1  }
0xa3: {  	[sflag:s23] =	ssyncset.done $0x0  }
0xa4: {  	s25 =	simm.s32 $0x1B8E;
	s24 =	sld [smem:$0x3FFE];
	[sflag:s23] =	ssyncadd.s32 $0xFFFFFFFF  }
0xa5: {  	s26 =	simm.s32 $execute0_lowered;
	[smem:$0x3FD2] =	sst s25  }
0xa6: {  	s4 =	sshll.u32 s26, $0x1;
	_ =	strace $0x80000049;
	[dreg:$0x1] =	wrdreg $0xFFFFFFFF  }
0xa7: {  	s28 =	simm.s32 $_size_execute0_lowered;
	s2 =	sadd.s32 s2, s4;
	[dreg:$0x0] =	wrdreg $0x0  }
0xa8: {  	s4 =	sshll.u32 s28, $0x1;
	[dreg:$0x2] =	wrdreg s2  }
0xa9: {  	[dreg:$0x3] =	wrdreg s4  }
0xaa: {  	[dreg:$0x4] =	wrdreg $0xC0  }
0xab: {  	_ =	task [dreg:s6], $0x5FFFF  }
0xac: {  	[dreg:$0x1] =	wrdreg $0xFFFFFFFF  }
0xad: {  	[dreg:$0x0] =	wrdreg $0x60  }
0xae: {  	[dreg:$0x2] =	wrdreg s24  }
0xaf: {  	[dreg:$0x3] =	wrdreg $0x90000  }
0xb0: {  	[dreg:$0x4] =	wrdreg $0x9  }
0xb1: {  	_ =	task.clear_ibuf [dreg:s6], $0x5FFFF;
	_ =	strace $0x90000049  }
0xb2: {  	s29 =	simm.s32 $0x9;
	_ =	strace $0x8000004B  }
0xb3: {  	_ =	swait.ge [sflag:s29], $0x1  }
0xb4: {  	[sflag:s29] =	ssyncadd.s32 $0xFFFFFFFF  }
0xb5: {  	_ =	strace $0x9000004B  }
0xb6: {  	_ =	sfence  }
0xb7: {  	s30 =	sld [smem:$0x0];
	_ =	sdelay $0x2  }
0xb8: {  	s31 =	sshll.u32 s1, $0xD;
	s1 =	sshrl.u32 s1, $0x2  }
0xb9: {  	s3 =	sand.u32 $0x4000, s31;
	s1 =	sadd.s32 s1, s30  }
0xba: {  	s0 =	sor.u32 s3, s0;
	s1 =	sshll.u32 s1, $0x11  }
0xbb: {  	s0 =	sor.u32 s1, s0  }
0xbc: {  	s0 =	sadd.s32 $0x8F2B, s0  }
0xbd: {  	[sflag:s0] =	ssyncadd.remote.s32 $0x1  }
0xbe: {  	_ =	sfence.sel $0xFFFF  }
0xbf: {  	[dreg:$0x0] =	wrdreg $0xFFFFFFFF;
	(pc) =	sbr.abs _section_cstart, $3  }
0xc0: {  	[dreg:$0x1] =	wrdreg $0xFFFFFFFF  }
0xc1: {  	_ =	task.clear_ibuf [dreg:s6], $0x2FFFF;
	_ =	strace $0x9FFFFFFF  }
0xc2: {  	(tm) =	ssettm $0x7FFFFFFF  }
0xc3: {  	_ =	shalt  }
tec
execute0_lowered:
.L_overlay_start_1:
0x0: {  	(tag) =	ssettag $0x1  }
0x1: {  	s0 =	srdreg.scid;
	s1 =	rddreg [dreg:$0x0]  }
0x2: {  	s8 =	stileid.u32;
	s2 =	rddreg [dreg:$0x1]  }
0x3: {  	s3 =	simm.s32 $0x0;
	s13 =	simm.s32 $0x100;
	s14 =	simm.s32 $0x880  }
0x4: {  	s16 =	simm.s32 $0x180;
	s18 =	simm.s32 $0x900;
	[smem:$0x7FF] =	sst s3  }
0x5: {  	s19 =	simm.s32 $0x200;
	_ =	strace $0x8000004A;
	[dreg:$0x5] =	wrdreg s13  }
0x6: {  	s20 =	simm.s32 $0x980;
	s21 =	simm.s32 $0x280;
	[dreg:$0x6] =	wrdreg s14  }
0x7: {  	s22 =	simm.s32 $0xA00;
	s23 =	simm.s32 $0x300;
	[dreg:$0x7] =	wrdreg s16  }
0x8: {  	s24 =	simm.s32 $0xA80;
	s25 =	simm.s32 $0x380;
	[dreg:$0x8] =	wrdreg s18  }
0x9: {  	s26 =	simm.s32 $0xB00;
	s28 =	simm.s32 $0x600;
	[dreg:$0x9] =	wrdreg s19  }
0xa: {  	s29 =	simm.s32 $0xD80;
	s4 =	smul.u32 $0x5000, s8;
	[dreg:$0xa] =	wrdreg s20  }
0xb: {  	s30 =	simm.s32 $0x680;
	s7 =	smul.u32 $0x14000, s8;
	[dreg:$0xb] =	wrdreg s21  }
0xc: {  	s0 =	sand.u32 $0x1, s0;
	s8 =	smul.u32 $0x50000, s8;
	[dreg:$0xc] =	wrdreg s22  }
0xd: {  	s31 =	simm.s32 $0xE00;
	s5 =	smul.u32 $0x2800, s0;
	[dreg:$0xd] =	wrdreg s23  }
0xe: {  	s6 =	smul.u32 $0x140000, s0;
	s0 =	ssub.s32 $0x2, s0;
	[dreg:$0xe] =	wrdreg s24  }
0xf: {  	s13 =	simm.s32 $0x3;
	s14 =	simm.s32 $0x800;
	[dreg:$0xf] =	wrdreg s25  }
0x10: {  	s16 =	simm.s32 $0x1;
	s18 =	simm.s32 $0x2;
	[dreg:$0x10] =	wrdreg s26  }
0x11: {  	s19 =	simm.s32 $0x400;
	s20 =	simm.s32 $0xB80;
	s21 =	simm.s32 $0x480  }
0x12: {  	s22 =	simm.s32 $0xC00;
	s23 =	simm.s32 $0x500;
	s24 =	simm.s32 $0xC80  }
0x13: {  	s25 =	simm.s32 $0x580;
	s26 =	simm.s32 $0xD00;
	s9 =	sshrl.u32 s0, $0x1  }
0x14: {  	s11 =	sshrl.u32 s8, $0x2;
	s8 =	simm.s32 $0xF80;
	s5 =	sadd.s32 s5, s4  }
0x15: {  	s4 =	sadd.s32 $0x17000, s1;
	s6 =	sadd.s32 s7, s6;
	s0 =	ssub.s32 s0, s9  }
0x16: {  	s12 =	sadd.s32 s11, s2;
	s9 =	simm.s32 $0x0;
	s5 =	sshrl.u32 s5, $0x3  }
0x17: {  	s6 =	sshrl.u32 s6, $0x3;
	s7 =	sadd.s32 $0x4000, s12;
	[dreg:$0x11] =	wrdreg s12  }
0x18: {  	s15 =	sadd.s32 $0x8000, s12;
	s17 =	sadd.s32 $0xC000, s12;
	[dreg:$0x12] =	wrdreg s7  }
0x19: {  	s0 =	smax.u32 s0, $0x1;
	s5 =	sadd.s32 s5, s1;
	[dreg:$0x13] =	wrdreg s15  }
0x1a: {  	s1 =	sadd.s32 s6, s1;
	[dreg:$0x14] =	wrdreg s17;
	s6 =	sadd.s32 $0x10000, s12  }
0x1b: {  	[dreg:$0x17] =	wrdreg s0;
	s12 =	simm.s32 $0x1000;
	s15 =	simm.s32 $0x80  }
0x1c: {  	s17 =	simm.s32 $0x5000;
	s10 =	sadd.s32 $0xD000, s5;
	[dreg:$0x15] =	wrdreg s6  }
0x1d: {  	s0 =	simm.s32 $0xE80;
	s5 =	sadd.s32 $0x3000, s5;
	[dreg:$0x3] =	wrdreg s10  }
0x1e: {  	s7 =	simm.s32 $0xF00;
	s1 =	sadd.s32 $0x3F000, s1;
	[dreg:$0x4] =	wrdreg s5  }
0x1f: {  	v0 =	vimm.f32 $0.0e+00;
	s6 =	simm.s32 $0x780;
	[dreg:$0x16] =	wrdreg s1;
	s1 =	simm.s32 $0x700  }
.LBB2_1:
0x20: {  	s10 =	simm.s32 $0x0;
	s11 =	simm.s32 $0x200  }
.LBB2_2:
0x21: {  	p0 =	sne.s32 s11, $0xFE00;
	[tilespmem:s10+$0x1070] =	vst v0  }
0x22: {  	[tilespmem:s10+$0x1000] =	vst v0  }
0x23: {  	[tilespmem:s10+$0x1010] =	vst v0  }
.Ltmp0:
0x24: {  	[tilespmem:s10+$0x1020] =	vst v0;
	(pc) =	sbr.rel @p0 .LBB2_2-.Ltmp0, $4  }
0x25: {  	[tilespmem:s10+$0x1030] =	vst v0  }
0x26: {  	[tilespmem:s10+$0x1040] =	vst v0  }
0x27: {  	[tilespmem:s10+$0x1050] =	vst v0  }
0x28: {  	[tilespmem:s10+$0x1060] =	vst v0;
	s10 =	sshra.s32 s11, $0x2;
	s11 =	sadd.s32 $0x200, s11  }
0x29: {  	[tilespmem:s10+$0x1070] =	vst v0  }
0x2a: {  	[tilespmem:s10+$0x1000] =	vst v0  }
0x2b: {  	[tilespmem:s10+$0x1010] =	vst v0  }
0x2c: {  	[tilespmem:s10+$0x1020] =	vst v0  }
0x2d: {  	[tilespmem:s10+$0x1030] =	vst v0  }
0x2e: {  	[tilespmem:s10+$0x1040] =	vst v0  }
0x2f: {  	[dreg:$0x18] =	wrdreg s9;
	[tilespmem:s10+$0x1050] =	vst v0  }
0x30: {  	[tilespmem:s10+$0x1060] =	vst v0;
	s5 =	rddreg [dreg:$0x11]  }
0x31: {  	[spmem:s5] =	stream.linear.scatter [tilespmem:s12], [sflag:$0x3], $0x4000, $0x38;
	[tilespmem:$0x1D000] =	vst v63  }
0x32: {  	_ =	swait.ge [sflag:s13], $0x4000  }
0x33: {  	[sflag:s13] =	ssyncset.done $0x0  }
0x34: {  	s11 =	rddreg [dreg:$0x12];
	[sflag:s13] =	ssyncadd.s32 $0xFFFFC000  }
0x35: {  	[spmem:s11] =	stream.linear.scatter [tilespmem:s12], [sflag:$0x3], $0x4000, $0x38;
	[tilespmem:$0x1D000] =	vst v63  }
0x36: {  	_ =	swait.ge [sflag:s13], $0x4000  }
0x37: {  	[sflag:s13] =	ssyncset.done $0x0  }
0x38: {  	s9 =	rddreg [dreg:$0x13];
	[sflag:s13] =	ssyncadd.s32 $0xFFFFC000  }
0x39: {  	[spmem:s9] =	stream.linear.scatter [tilespmem:s12], [sflag:$0x3], $0x4000, $0x38;
	[tilespmem:$0x1D000] =	vst v63  }
0x3a: {  	_ =	swait.ge [sflag:s13], $0x4000  }
0x3b: {  	[sflag:s13] =	ssyncset.done $0x0  }
0x3c: {  	s10 =	rddreg [dreg:$0x14];
	[sflag:s13] =	ssyncadd.s32 $0xFFFFC000  }
0x3d: {  	[spmem:s10] =	stream.linear.scatter [tilespmem:s12], [sflag:$0x3], $0x4000, $0x38;
	[tilespmem:$0x1D000] =	vst v63  }
0x3e: {  	_ =	swait.ge [sflag:s13], $0x4000  }
0x3f: {  	[sflag:s13] =	ssyncset.done $0x0  }
0x40: {  	s11 =	rddreg [dreg:$0x15];
	[sflag:s13] =	ssyncadd.s32 $0xFFFFC000  }
0x41: {  	[spmem:s11] =	stream.linear.scatter [tilespmem:s12], [sflag:$0x3], $0x4000, $0x38;
	[tilespmem:$0x1D000] =	vst v63  }
0x42: {  	_ =	swait.ge [sflag:s13], $0x4000  }
0x43: {  	[sflag:s13] =	ssyncset.done $0x0  }
0x44: {  	[sflag:s13] =	ssyncadd.s32 $0xFFFFC000  }
0x45: {  	[bflag:$0x0] =	sbarrier.arrive $0xFFFF  }
0x46: {  	s9 =	rddreg [dreg:$0x4]  }
0x47: {  	s5 =	sadd.s32 $0x0, s9  }
0x48: {  	[tilespmem:s3], [sflag:$0x3] =	stream.linear.gather [hbm4b:s5+s3], $0x800, $0x38;
	[tilespmem:$0x1D000] =	vst v63  }
0x49: {  	_ =	swait.ge [sflag:s13], $0x800  }
0x4a: {  	s10 =	rddreg [dreg:$0x3];
	[sflag:s13] =	ssyncset.done $0x0  }
0x4b: {  	[sflag:s13] =	ssyncadd.s32 $0xFFFFF800;
	s5 =	sadd.s32 $0x0, s10  }
0x4c: {  	[tilespmem:s14], [sflag:$0x3] =	stream.linear.gather [hbm4b:s5+s3], $0x800, $0x38;
	[tilespmem:$0x1D000] =	vst v63  }
0x4d: {  	_ =	swait.ge [sflag:s13], $0x800  }
0x4e: {  	[sflag:s13] =	ssyncset.done $0x0  }
0x4f: {  	[sflag:s13] =	ssyncadd.s32 $0xFFFFF800  }
0x50: {  	[tilespmem:s12], [sflag:$0x1] =	stream.indirect.gather [hbm4b:s4+s15], $0x80, s3, s15, $0xb8;
	[tilespmem:$0x1D000] =	vst v63  }
0x51: {  	_ =	swait.ge [sflag:s16], $0x4000  }
0x52: {  	[sflag:s16] =	ssyncset.done $0x0  }
0x53: {  	[sflag:s16] =	ssyncadd.s32 $0xFFFFC000  }
0x54: {  	[tilespmem:s17], [sflag:$0x2] =	stream.indirect.gather [hbm4b:s4+s15], $0x80, s15, s15, $0xb8;
	[tilespmem:$0x1D000] =	vst v63  }
0x55: {  	_ = 	snop  }
0x56: {  	[spmem:s2] =	stream.indirect.scatter.add.f32 [tilespmem:s12], [sflag:$0x3], $0x80, s14, s15, $0xb8;
	[tilespmem:$0x1D000] =	vst v63  }
0x57: {  	_ =	swait.ge [sflag:s13], $0x4000  }
0x58: {  	[sflag:s13] =	ssyncset.done $0x0  }
0x59: {  	[sflag:s13] =	ssyncadd.s32 $0xFFFFC000  }
0x5a: {  	_ =	swait.ge [sflag:s18], $0x4000  }
0x5b: {  	[sflag:s18] =	ssyncset.done $0x0  }
0x5c: {  	s11 =	rddreg [dreg:$0x5];
	[sflag:s18] =	ssyncadd.s32 $0xFFFFC000  }
0x5d: {  	[tilespmem:s12], [sflag:$0x1] =	stream.indirect.gather [hbm4b:s4+s15], $0x80, s11, s15, $0xb8;
	[tilespmem:$0x1D000] =	vst v63  }
0x5e: {  	s9 =	rddreg [dreg:$0x6]  }
0x5f: {  	[spmem:s2] =	stream.indirect.scatter.add.f32 [tilespmem:s17], [sflag:$0x3], $0x80, s9, s15, $0xb8;
	[tilespmem:$0x1D000] =	vst v63  }
0x60: {  	_ =	swait.ge [sflag:s13], $0x4000  }
0x61: {  	[sflag:s13] =	ssyncset.done $0x0  }
0x62: {  	[sflag:s13] =	ssyncadd.s32 $0xFFFFC000  }
0x63: {  	_ =	swait.ge [sflag:s16], $0x4000  }
0x64: {  	[sflag:s16] =	ssyncset.done $0x0  }
0x65: {  	s11 =	rddreg [dreg:$0x7];
	[sflag:s16] =	ssyncadd.s32 $0xFFFFC000  }
0x66: {  	[tilespmem:s17], [sflag:$0x2] =	stream.indirect.gather [hbm4b:s4+s15], $0x80, s11, s15, $0xb8;
	[tilespmem:$0x1D000] =	vst v63  }
0x67: {  	s9 =	rddreg [dreg:$0x8]  }
0x68: {  	[spmem:s2] =	stream.indirect.scatter.add.f32 [tilespmem:s12], [sflag:$0x3], $0x80, s9, s15, $0xb8;
	[tilespmem:$0x1D000] =	vst v63  }
0x69: {  	_ =	swait.ge [sflag:s13], $0x4000  }
0x6a: {  	[sflag:s13] =	ssyncset.done $0x0  }
0x6b: {  	[sflag:s13] =	ssyncadd.s32 $0xFFFFC000  }
0x6c: {  	_ =	swait.ge [sflag:s18], $0x4000  }
0x6d: {  	[sflag:s18] =	ssyncset.done $0x0  }
0x6e: {  	s11 =	rddreg [dreg:$0x9];
	[sflag:s18] =	ssyncadd.s32 $0xFFFFC000  }
0x6f: {  	[tilespmem:s12], [sflag:$0x1] =	stream.indirect.gather [hbm4b:s4+s15], $0x80, s11, s15, $0xb8;
	[tilespmem:$0x1D000] =	vst v63  }
0x70: {  	s9 =	rddreg [dreg:$0xa]  }
0x71: {  	[spmem:s2] =	stream.indirect.scatter.add.f32 [tilespmem:s17], [sflag:$0x3], $0x80, s9, s15, $0xb8;
	[tilespmem:$0x1D000] =	vst v63  }
0x72: {  	_ =	swait.ge [sflag:s13], $0x4000  }
0x73: {  	[sflag:s13] =	ssyncset.done $0x0  }
0x74: {  	[sflag:s13] =	ssyncadd.s32 $0xFFFFC000  }
0x75: {  	_ =	swait.ge [sflag:s16], $0x4000  }
0x76: {  	[sflag:s16] =	ssyncset.done $0x0  }
0x77: {  	s11 =	rddreg [dreg:$0xb];
	[sflag:s16] =	ssyncadd.s32 $0xFFFFC000  }
0x78: {  	[tilespmem:s17], [sflag:$0x2] =	stream.indirect.gather [hbm4b:s4+s15], $0x80, s11, s15, $0xb8;
	[tilespmem:$0x1D000] =	vst v63  }
0x79: {  	s9 =	rddreg [dreg:$0xc]  }
0x7a: {  	[spmem:s2] =	stream.indirect.scatter.add.f32 [tilespmem:s12], [sflag:$0x3], $0x80, s9, s15, $0xb8;
	[tilespmem:$0x1D000] =	vst v63  }
0x7b: {  	_ =	swait.ge [sflag:s13], $0x4000  }
0x7c: {  	[sflag:s13] =	ssyncset.done $0x0  }
0x7d: {  	[sflag:s13] =	ssyncadd.s32 $0xFFFFC000  }
0x7e: {  	_ =	swait.ge [sflag:s18], $0x4000  }
0x7f: {  	[sflag:s18] =	ssyncset.done $0x0  }
0x80: {  	s11 =	rddreg [dreg:$0xd];
	[sflag:s18] =	ssyncadd.s32 $0xFFFFC000  }
0x81: {  	[tilespmem:s12], [sflag:$0x1] =	stream.indirect.gather [hbm4b:s4+s15], $0x80, s11, s15, $0xb8;
	[tilespmem:$0x1D000] =	vst v63  }
0x82: {  	s9 =	rddreg [dreg:$0xe]  }
0x83: {  	[spmem:s2] =	stream.indirect.scatter.add.f32 [tilespmem:s17], [sflag:$0x3], $0x80, s9, s15, $0xb8;
	[tilespmem:$0x1D000] =	vst v63  }
0x84: {  	_ =	swait.ge [sflag:s13], $0x4000  }
0x85: {  	[sflag:s13] =	ssyncset.done $0x0  }
0x86: {  	[sflag:s13] =	ssyncadd.s32 $0xFFFFC000  }
0x87: {  	_ =	swait.ge [sflag:s16], $0x4000  }
0x88: {  	[sflag:s16] =	ssyncset.done $0x0  }
0x89: {  	s10 =	rddreg [dreg:$0xf];
	[sflag:s16] =	ssyncadd.s32 $0xFFFFC000  }
0x8a: {  	[tilespmem:s17], [sflag:$0x2] =	stream.indirect.gather [hbm4b:s4+s15], $0x80, s10, s15, $0xb8;
	[tilespmem:$0x1D000] =	vst v63  }
0x8b: {  	s11 =	rddreg [dreg:$0x10]  }
0x8c: {  	[spmem:s2] =	stream.indirect.scatter.add.f32 [tilespmem:s12], [sflag:$0x3], $0x80, s11, s15, $0xb8;
	[tilespmem:$0x1D000] =	vst v63  }
0x8d: {  	_ =	swait.ge [sflag:s13], $0x4000  }
0x8e: {  	[sflag:s13] =	ssyncset.done $0x0  }
0x8f: {  	[sflag:s13] =	ssyncadd.s32 $0xFFFFC000  }
0x90: {  	_ =	swait.ge [sflag:s18], $0x4000  }
0x91: {  	[sflag:s18] =	ssyncset.done $0x0  }
0x92: {  	[sflag:s18] =	ssyncadd.s32 $0xFFFFC000  }
0x93: {  	[tilespmem:s12], [sflag:$0x1] =	stream.indirect.gather [hbm4b:s4+s15], $0x80, s19, s15, $0xb8;
	[tilespmem:$0x1D000] =	vst v63  }
0x94: {  	_ = 	snop  }
0x95: {  	[spmem:s2] =	stream.indirect.scatter.add.f32 [tilespmem:s17], [sflag:$0x3], $0x80, s20, s15, $0xb8;
	[tilespmem:$0x1D000] =	vst v63  }
0x96: {  	_ =	swait.ge [sflag:s13], $0x4000  }
0x97: {  	[sflag:s13] =	ssyncset.done $0x0  }
0x98: {  	[sflag:s13] =	ssyncadd.s32 $0xFFFFC000  }
0x99: {  	_ =	swait.ge [sflag:s16], $0x4000  }
0x9a: {  	[sflag:s16] =	ssyncset.done $0x0  }
0x9b: {  	[sflag:s16] =	ssyncadd.s32 $0xFFFFC000  }
0x9c: {  	[tilespmem:s17], [sflag:$0x2] =	stream.indirect.gather [hbm4b:s4+s15], $0x80, s21, s15, $0xb8;
	[tilespmem:$0x1D000] =	vst v63  }
0x9d: {  	_ = 	snop  }
0x9e: {  	[spmem:s2] =	stream.indirect.scatter.add.f32 [tilespmem:s12], [sflag:$0x3], $0x80, s22, s15, $0xb8;
	[tilespmem:$0x1D000] =	vst v63  }
0x9f: {  	_ =	swait.ge [sflag:s13], $0x4000  }
0xa0: {  	[sflag:s13] =	ssyncset.done $0x0  }
0xa1: {  	[sflag:s13] =	ssyncadd.s32 $0xFFFFC000  }
0xa2: {  	_ =	swait.ge [sflag:s18], $0x4000  }
0xa3: {  	[sflag:s18] =	ssyncset.done $0x0  }
0xa4: {  	[sflag:s18] =	ssyncadd.s32 $0xFFFFC000  }
0xa5: {  	[tilespmem:s12], [sflag:$0x1] =	stream.indirect.gather [hbm4b:s4+s15], $0x80, s23, s15, $0xb8;
	[tilespmem:$0x1D000] =	vst v63  }
0xa6: {  	_ = 	snop  }
0xa7: {  	[spmem:s2] =	stream.indirect.scatter.add.f32 [tilespmem:s17], [sflag:$0x3], $0x80, s24, s15, $0xb8;
	[tilespmem:$0x1D000] =	vst v63  }
0xa8: {  	_ =	swait.ge [sflag:s13], $0x4000  }
0xa9: {  	[sflag:s13] =	ssyncset.done $0x0  }
0xaa: {  	[sflag:s13] =	ssyncadd.s32 $0xFFFFC000  }
0xab: {  	_ =	swait.ge [sflag:s16], $0x4000  }
0xac: {  	[sflag:s16] =	ssyncset.done $0x0  }
0xad: {  	[sflag:s16] =	ssyncadd.s32 $0xFFFFC000  }
0xae: {  	[tilespmem:s17], [sflag:$0x2] =	stream.indirect.gather [hbm4b:s4+s15], $0x80, s25, s15, $0xb8;
	[tilespmem:$0x1D000] =	vst v63  }
0xaf: {  	_ = 	snop  }
0xb0: {  	[spmem:s2] =	stream.indirect.scatter.add.f32 [tilespmem:s12], [sflag:$0x3], $0x80, s26, s15, $0xb8;
	[tilespmem:$0x1D000] =	vst v63  }
0xb1: {  	_ =	swait.ge [sflag:s13], $0x4000  }
0xb2: {  	[sflag:s13] =	ssyncset.done $0x0  }
0xb3: {  	[sflag:s13] =	ssyncadd.s32 $0xFFFFC000  }
0xb4: {  	_ =	swait.ge [sflag:s18], $0x4000  }
0xb5: {  	[sflag:s18] =	ssyncset.done $0x0  }
0xb6: {  	[sflag:s18] =	ssyncadd.s32 $0xFFFFC000  }
0xb7: {  	[tilespmem:s12], [sflag:$0x1] =	stream.indirect.gather [hbm4b:s4+s15], $0x80, s28, s15, $0xb8;
	[tilespmem:$0x1D000] =	vst v63  }
0xb8: {  	_ = 	snop  }
0xb9: {  	[spmem:s2] =	stream.indirect.scatter.add.f32 [tilespmem:s17], [sflag:$0x3], $0x80, s29, s15, $0xb8;
	[tilespmem:$0x1D000] =	vst v63  }
0xba: {  	_ =	swait.ge [sflag:s13], $0x4000  }
0xbb: {  	[sflag:s13] =	ssyncset.done $0x0  }
0xbc: {  	[sflag:s13] =	ssyncadd.s32 $0xFFFFC000  }
0xbd: {  	_ =	swait.ge [sflag:s16], $0x4000  }
0xbe: {  	[sflag:s16] =	ssyncset.done $0x0  }
0xbf: {  	[sflag:s16] =	ssyncadd.s32 $0xFFFFC000  }
0xc0: {  	[tilespmem:s17], [sflag:$0x2] =	stream.indirect.gather [hbm4b:s4+s15], $0x80, s30, s15, $0xb8;
	[tilespmem:$0x1D000] =	vst v63  }
0xc1: {  	_ = 	snop  }
0xc2: {  	[spmem:s2] =	stream.indirect.scatter.add.f32 [tilespmem:s12], [sflag:$0x3], $0x80, s31, s15, $0xb8;
	[tilespmem:$0x1D000] =	vst v63  }
0xc3: {  	_ =	swait.ge [sflag:s13], $0x4000  }
0xc4: {  	[sflag:s13] =	ssyncset.done $0x0  }
0xc5: {  	[sflag:s13] =	ssyncadd.s32 $0xFFFFC000  }
0xc6: {  	_ =	swait.ge [sflag:s18], $0x4000  }
0xc7: {  	[sflag:s18] =	ssyncset.done $0x0  }
0xc8: {  	[sflag:s18] =	ssyncadd.s32 $0xFFFFC000  }
0xc9: {  	[tilespmem:s12], [sflag:$0x1] =	stream.indirect.gather [hbm4b:s4+s15], $0x80, s1, s15, $0xb8;
	[tilespmem:$0x1D000] =	vst v63  }
0xca: {  	_ = 	snop  }
0xcb: {  	[spmem:s2] =	stream.indirect.scatter.add.f32 [tilespmem:s17], [sflag:$0x3], $0x80, s0, s15, $0xb8;
	[tilespmem:$0x1D000] =	vst v63  }
0xcc: {  	_ =	swait.ge [sflag:s13], $0x4000  }
0xcd: {  	[sflag:s13] =	ssyncset.done $0x0  }
0xce: {  	[sflag:s13] =	ssyncadd.s32 $0xFFFFC000  }
0xcf: {  	_ =	swait.ge [sflag:s16], $0x4000  }
0xd0: {  	[sflag:s16] =	ssyncset.done $0x0  }
0xd1: {  	[sflag:s16] =	ssyncadd.s32 $0xFFFFC000  }
0xd2: {  	[tilespmem:s17], [sflag:$0x2] =	stream.indirect.gather [hbm4b:s4+s15], $0x80, s6, s15, $0xb8;
	[tilespmem:$0x1D000] =	vst v63  }
0xd3: {  	_ = 	snop  }
0xd4: {  	[spmem:s2] =	stream.indirect.scatter.add.f32 [tilespmem:s12], [sflag:$0x3], $0x80, s7, s15, $0xb8;
	[tilespmem:$0x1D000] =	vst v63  }
0xd5: {  	_ =	swait.ge [sflag:s13], $0x4000  }
0xd6: {  	[sflag:s13] =	ssyncset.done $0x0  }
0xd7: {  	[sflag:s13] =	ssyncadd.s32 $0xFFFFC000  }
0xd8: {  	_ =	swait.ge [sflag:s18], $0x4000  }
0xd9: {  	[sflag:s18] =	ssyncset.done $0x0  }
0xda: {  	[sflag:s18] =	ssyncadd.s32 $0xFFFFC000  }
0xdb: {  	[spmem:s2] =	stream.indirect.scatter.add.f32 [tilespmem:s17], [sflag:$0x3], $0x80, s8, s15, $0xb8;
	[tilespmem:$0x1D000] =	vst v63  }
0xdc: {  	s10 =	simm.s32 $0x100;
	_ =	swait.ge [sflag:s13], $0x4000  }
0xdd: {  	s11 =	simm.s32 $0x200;
	s5 =	rddreg [dreg:$0x4];
	[sflag:s13] =	ssyncset.done $0x0  }
.LBB2_4:
0xde: {  	[sflag:s13] =	ssyncadd.s32 $0xFFFFC000;
	s5 =	sadd.s32 s10, s5  }
0xdf: {  	[tilespmem:s3], [sflag:$0x3] =	stream.linear.gather [hbm4b:s5+s3], $0x800, $0x38;
	[tilespmem:$0x1D000] =	vst v63  }
0xe0: {  	_ =	swait.ge [sflag:s13], $0x800  }
0xe1: {  	s5 =	rddreg [dreg:$0x3];
	[sflag:s13] =	ssyncset.done $0x0  }
0xe2: {  	[sflag:s13] =	ssyncadd.s32 $0xFFFFF800;
	s5 =	sadd.s32 s10, s5  }
0xe3: {  	[tilespmem:s14], [sflag:$0x3] =	stream.linear.gather [hbm4b:s5+s3], $0x800, $0x38;
	[tilespmem:$0x1D000] =	vst v63  }
0xe4: {  	_ =	swait.ge [sflag:s13], $0x800  }
0xe5: {  	[sflag:s13] =	ssyncset.done $0x0  }
0xe6: {  	[sflag:s13] =	ssyncadd.s32 $0xFFFFF800  }
0xe7: {  	[tilespmem:s12], [sflag:$0x1] =	stream.indirect.gather [hbm4b:s4+s15], $0x80, s3, s15, $0xb8;
	[tilespmem:$0x1D000] =	vst v63  }
0xe8: {  	_ =	swait.ge [sflag:s16], $0x4000  }
0xe9: {  	[sflag:s16] =	ssyncset.done $0x0  }
0xea: {  	[sflag:s16] =	ssyncadd.s32 $0xFFFFC000  }
0xeb: {  	[tilespmem:s17], [sflag:$0x2] =	stream.indirect.gather [hbm4b:s4+s15], $0x80, s15, s15, $0xb8;
	[tilespmem:$0x1D000] =	vst v63  }
0xec: {  	_ = 	snop  }
0xed: {  	[spmem:s2] =	stream.indirect.scatter.add.f32 [tilespmem:s12], [sflag:$0x3], $0x80, s14, s15, $0xb8;
	[tilespmem:$0x1D000] =	vst v63  }
0xee: {  	_ =	swait.ge [sflag:s13], $0x4000  }
0xef: {  	[sflag:s13] =	ssyncset.done $0x0  }
0xf0: {  	[sflag:s13] =	ssyncadd.s32 $0xFFFFC000  }
0xf1: {  	_ =	swait.ge [sflag:s18], $0x4000  }
0xf2: {  	[sflag:s18] =	ssyncset.done $0x0  }
0xf3: {  	s9 =	smov.u32 s11;
	s5 =	rddreg [dreg:$0x5];
	[sflag:s18] =	ssyncadd.s32 $0xFFFFC000  }
0xf4: {  	[tilespmem:s12], [sflag:$0x1] =	stream.indirect.gather [hbm4b:s4+s15], $0x80, s5, s15, $0xb8;
	[tilespmem:$0x1D000] =	vst v63  }
0xf5: {  	s10 =	smov.u32 s9;
	s9 =	rddreg [dreg:$0x6]  }
0xf6: {  	[spmem:s2] =	stream.indirect.scatter.add.f32 [tilespmem:s17], [sflag:$0x3], $0x80, s9, s15, $0xb8;
	[tilespmem:$0x1D000] =	vst v63  }
0xf7: {  	_ =	swait.ge [sflag:s13], $0x4000  }
0xf8: {  	[sflag:s13] =	ssyncset.done $0x0  }
0xf9: {  	[sflag:s13] =	ssyncadd.s32 $0xFFFFC000  }
0xfa: {  	_ =	swait.ge [sflag:s16], $0x4000  }
0xfb: {  	[sflag:s16] =	ssyncset.done $0x0  }
0xfc: {  	s5 =	rddreg [dreg:$0x7];
	[sflag:s16] =	ssyncadd.s32 $0xFFFFC000  }
0xfd: {  	[tilespmem:s17], [sflag:$0x2] =	stream.indirect.gather [hbm4b:s4+s15], $0x80, s5, s15, $0xb8;
	[tilespmem:$0x1D000] =	vst v63  }
0xfe: {  	s9 =	rddreg [dreg:$0x8]  }
0xff: {  	[spmem:s2] =	stream.indirect.scatter.add.f32 [tilespmem:s12], [sflag:$0x3], $0x80, s9, s15, $0xb8;
	[tilespmem:$0x1D000] =	vst v63  }
0x100: {  	_ =	swait.ge [sflag:s13], $0x4000  }
0x101: {  	[sflag:s13] =	ssyncset.done $0x0  }
0x102: {  	[sflag:s13] =	ssyncadd.s32 $0xFFFFC000  }
0x103: {  	_ =	swait.ge [sflag:s18], $0x4000  }
0x104: {  	[sflag:s18] =	ssyncset.done $0x0  }
0x105: {  	s5 =	rddreg [dreg:$0x9];
	[sflag:s18] =	ssyncadd.s32 $0xFFFFC000  }
0x106: {  	[tilespmem:s12], [sflag:$0x1] =	stream.indirect.gather [hbm4b:s4+s15], $0x80, s5, s15, $0xb8;
	[tilespmem:$0x1D000] =	vst v63  }
0x107: {  	s9 =	rddreg [dreg:$0xa]  }
0x108: {  	[spmem:s2] =	stream.indirect.scatter.add.f32 [tilespmem:s17], [sflag:$0x3], $0x80, s9, s15, $0xb8;
	[tilespmem:$0x1D000] =	vst v63  }
0x109: {  	_ =	swait.ge [sflag:s13], $0x4000  }
0x10a: {  	[sflag:s13] =	ssyncset.done $0x0  }
0x10b: {  	[sflag:s13] =	ssyncadd.s32 $0xFFFFC000  }
0x10c: {  	_ =	swait.ge [sflag:s16], $0x4000  }
0x10d: {  	[sflag:s16] =	ssyncset.done $0x0  }
0x10e: {  	s5 =	rddreg [dreg:$0xb];
	[sflag:s16] =	ssyncadd.s32 $0xFFFFC000  }
0x10f: {  	[tilespmem:s17], [sflag:$0x2] =	stream.indirect.gather [hbm4b:s4+s15], $0x80, s5, s15, $0xb8;
	[tilespmem:$0x1D000] =	vst v63  }
0x110: {  	s9 =	rddreg [dreg:$0xc]  }
0x111: {  	[spmem:s2] =	stream.indirect.scatter.add.f32 [tilespmem:s12], [sflag:$0x3], $0x80, s9, s15, $0xb8;
	[tilespmem:$0x1D000] =	vst v63  }
0x112: {  	_ =	swait.ge [sflag:s13], $0x4000  }
0x113: {  	[sflag:s13] =	ssyncset.done $0x0  }
0x114: {  	[sflag:s13] =	ssyncadd.s32 $0xFFFFC000  }
0x115: {  	_ =	swait.ge [sflag:s18], $0x4000  }
0x116: {  	[sflag:s18] =	ssyncset.done $0x0  }
0x117: {  	s5 =	rddreg [dreg:$0xd];
	[sflag:s18] =	ssyncadd.s32 $0xFFFFC000  }
0x118: {  	[tilespmem:s12], [sflag:$0x1] =	stream.indirect.gather [hbm4b:s4+s15], $0x80, s5, s15, $0xb8;
	[tilespmem:$0x1D000] =	vst v63  }
0x119: {  	s9 =	rddreg [dreg:$0xe]  }
0x11a: {  	[spmem:s2] =	stream.indirect.scatter.add.f32 [tilespmem:s17], [sflag:$0x3], $0x80, s9, s15, $0xb8;
	[tilespmem:$0x1D000] =	vst v63  }
0x11b: {  	_ =	swait.ge [sflag:s13], $0x4000  }
0x11c: {  	[sflag:s13] =	ssyncset.done $0x0  }
0x11d: {  	[sflag:s13] =	ssyncadd.s32 $0xFFFFC000  }
0x11e: {  	_ =	swait.ge [sflag:s16], $0x4000  }
0x11f: {  	[sflag:s16] =	ssyncset.done $0x0  }
0x120: {  	s5 =	rddreg [dreg:$0xf];
	[sflag:s16] =	ssyncadd.s32 $0xFFFFC000  }
0x121: {  	[tilespmem:s17], [sflag:$0x2] =	stream.indirect.gather [hbm4b:s4+s15], $0x80, s5, s15, $0xb8;
	[tilespmem:$0x1D000] =	vst v63  }
0x122: {  	s9 =	rddreg [dreg:$0x10]  }
0x123: {  	[spmem:s2] =	stream.indirect.scatter.add.f32 [tilespmem:s12], [sflag:$0x3], $0x80, s9, s15, $0xb8;
	[tilespmem:$0x1D000] =	vst v63  }
0x124: {  	_ =	swait.ge [sflag:s13], $0x4000  }
0x125: {  	[sflag:s13] =	ssyncset.done $0x0  }
0x126: {  	[sflag:s13] =	ssyncadd.s32 $0xFFFFC000  }
0x127: {  	_ =	swait.ge [sflag:s18], $0x4000  }
0x128: {  	[sflag:s18] =	ssyncset.done $0x0  }
0x129: {  	[sflag:s18] =	ssyncadd.s32 $0xFFFFC000  }
0x12a: {  	[tilespmem:s12], [sflag:$0x1] =	stream.indirect.gather [hbm4b:s4+s15], $0x80, s19, s15, $0xb8;
	[tilespmem:$0x1D000] =	vst v63  }
0x12b: {  	_ = 	snop  }
0x12c: {  	[spmem:s2] =	stream.indirect.scatter.add.f32 [tilespmem:s17], [sflag:$0x3], $0x80, s20, s15, $0xb8;
	[tilespmem:$0x1D000] =	vst v63  }
0x12d: {  	_ =	swait.ge [sflag:s13], $0x4000  }
0x12e: {  	[sflag:s13] =	ssyncset.done $0x0  }
0x12f: {  	[sflag:s13] =	ssyncadd.s32 $0xFFFFC000  }
0x130: {  	_ =	swait.ge [sflag:s16], $0x4000  }
0x131: {  	[sflag:s16] =	ssyncset.done $0x0  }
0x132: {  	[sflag:s16] =	ssyncadd.s32 $0xFFFFC000  }
0x133: {  	[tilespmem:s17], [sflag:$0x2] =	stream.indirect.gather [hbm4b:s4+s15], $0x80, s21, s15, $0xb8;
	[tilespmem:$0x1D000] =	vst v63  }
0x134: {  	_ = 	snop  }
0x135: {  	[spmem:s2] =	stream.indirect.scatter.add.f32 [tilespmem:s12], [sflag:$0x3], $0x80, s22, s15, $0xb8;
	[tilespmem:$0x1D000] =	vst v63  }
0x136: {  	_ =	swait.ge [sflag:s13], $0x4000  }
0x137: {  	[sflag:s13] =	ssyncset.done $0x0  }
0x138: {  	[sflag:s13] =	ssyncadd.s32 $0xFFFFC000  }
0x139: {  	_ =	swait.ge [sflag:s18], $0x4000  }
0x13a: {  	[sflag:s18] =	ssyncset.done $0x0  }
0x13b: {  	[sflag:s18] =	ssyncadd.s32 $0xFFFFC000  }
0x13c: {  	[tilespmem:s12], [sflag:$0x1] =	stream.indirect.gather [hbm4b:s4+s15], $0x80, s23, s15, $0xb8;
	[tilespmem:$0x1D000] =	vst v63  }
0x13d: {  	_ = 	snop  }
0x13e: {  	[spmem:s2] =	stream.indirect.scatter.add.f32 [tilespmem:s17], [sflag:$0x3], $0x80, s24, s15, $0xb8;
	[tilespmem:$0x1D000] =	vst v63  }
0x13f: {  	_ =	swait.ge [sflag:s13], $0x4000  }
0x140: {  	[sflag:s13] =	ssyncset.done $0x0  }
0x141: {  	[sflag:s13] =	ssyncadd.s32 $0xFFFFC000  }
0x142: {  	_ =	swait.ge [sflag:s16], $0x4000  }
0x143: {  	[sflag:s16] =	ssyncset.done $0x0  }
0x144: {  	[sflag:s16] =	ssyncadd.s32 $0xFFFFC000  }
0x145: {  	[tilespmem:s17], [sflag:$0x2] =	stream.indirect.gather [hbm4b:s4+s15], $0x80, s25, s15, $0xb8;
	[tilespmem:$0x1D000] =	vst v63  }
0x146: {  	_ = 	snop  }
0x147: {  	[spmem:s2] =	stream.indirect.scatter.add.f32 [tilespmem:s12], [sflag:$0x3], $0x80, s26, s15, $0xb8;
	[tilespmem:$0x1D000] =	vst v63  }
0x148: {  	_ =	swait.ge [sflag:s13], $0x4000  }
0x149: {  	[sflag:s13] =	ssyncset.done $0x0  }
0x14a: {  	[sflag:s13] =	ssyncadd.s32 $0xFFFFC000  }
0x14b: {  	_ =	swait.ge [sflag:s18], $0x4000  }
0x14c: {  	[sflag:s18] =	ssyncset.done $0x0  }
0x14d: {  	[sflag:s18] =	ssyncadd.s32 $0xFFFFC000  }
0x14e: {  	[tilespmem:s12], [sflag:$0x1] =	stream.indirect.gather [hbm4b:s4+s15], $0x80, s28, s15, $0xb8;
	[tilespmem:$0x1D000] =	vst v63  }
0x14f: {  	_ = 	snop  }
0x150: {  	[spmem:s2] =	stream.indirect.scatter.add.f32 [tilespmem:s17], [sflag:$0x3], $0x80, s29, s15, $0xb8;
	[tilespmem:$0x1D000] =	vst v63  }
0x151: {  	_ =	swait.ge [sflag:s13], $0x4000  }
0x152: {  	[sflag:s13] =	ssyncset.done $0x0  }
0x153: {  	[sflag:s13] =	ssyncadd.s32 $0xFFFFC000  }
0x154: {  	_ =	swait.ge [sflag:s16], $0x4000  }
0x155: {  	[sflag:s16] =	ssyncset.done $0x0  }
0x156: {  	[sflag:s16] =	ssyncadd.s32 $0xFFFFC000  }
0x157: {  	[tilespmem:s17], [sflag:$0x2] =	stream.indirect.gather [hbm4b:s4+s15], $0x80, s30, s15, $0xb8;
	[tilespmem:$0x1D000] =	vst v63  }
0x158: {  	_ = 	snop  }
0x159: {  	[spmem:s2] =	stream.indirect.scatter.add.f32 [tilespmem:s12], [sflag:$0x3], $0x80, s31, s15, $0xb8;
	[tilespmem:$0x1D000] =	vst v63  }
0x15a: {  	_ =	swait.ge [sflag:s13], $0x4000  }
0x15b: {  	[sflag:s13] =	ssyncset.done $0x0  }
0x15c: {  	[sflag:s13] =	ssyncadd.s32 $0xFFFFC000  }
0x15d: {  	_ =	swait.ge [sflag:s18], $0x4000  }
0x15e: {  	[sflag:s18] =	ssyncset.done $0x0  }
0x15f: {  	[sflag:s18] =	ssyncadd.s32 $0xFFFFC000  }
0x160: {  	[tilespmem:s12], [sflag:$0x1] =	stream.indirect.gather [hbm4b:s4+s15], $0x80, s1, s15, $0xb8;
	[tilespmem:$0x1D000] =	vst v63  }
0x161: {  	_ = 	snop  }
0x162: {  	[spmem:s2] =	stream.indirect.scatter.add.f32 [tilespmem:s17], [sflag:$0x3], $0x80, s0, s15, $0xb8;
	[tilespmem:$0x1D000] =	vst v63  }
0x163: {  	_ =	swait.ge [sflag:s13], $0x4000  }
0x164: {  	[sflag:s13] =	ssyncset.done $0x0  }
0x165: {  	[sflag:s13] =	ssyncadd.s32 $0xFFFFC000  }
0x166: {  	_ =	swait.ge [sflag:s16], $0x4000  }
0x167: {  	[sflag:s16] =	ssyncset.done $0x0  }
0x168: {  	[sflag:s16] =	ssyncadd.s32 $0xFFFFC000  }
0x169: {  	[tilespmem:s17], [sflag:$0x2] =	stream.indirect.gather [hbm4b:s4+s15], $0x80, s6, s15, $0xb8;
	[tilespmem:$0x1D000] =	vst v63  }
0x16a: {  	_ = 	snop  }
0x16b: {  	[spmem:s2] =	stream.indirect.scatter.add.f32 [tilespmem:s12], [sflag:$0x3], $0x80, s7, s15, $0xb8;
	[tilespmem:$0x1D000] =	vst v63  }
0x16c: {  	_ =	swait.ge [sflag:s13], $0x4000  }
0x16d: {  	[sflag:s13] =	ssyncset.done $0x0  }
0x16e: {  	[sflag:s13] =	ssyncadd.s32 $0xFFFFC000  }
0x16f: {  	p0 =	sne.s32 s11, $0x400;
	_ =	swait.ge [sflag:s18], $0x4000  }
.Ltmp1:
0x170: {  	[sflag:s18] =	ssyncset.done $0x0;
	(pc) =	sbr.rel @p0 .LBB2_4-.Ltmp1, $4  }
0x171: {  	[sflag:s18] =	ssyncadd.s32 $0xFFFFC000  }
0x172: {  	[spmem:s2] =	stream.indirect.scatter.add.f32 [tilespmem:s17], [sflag:$0x3], $0x80, s8, s15, $0xb8;
	[tilespmem:$0x1D000] =	vst v63  }
0x173: {  	_ =	swait.ge [sflag:s13], $0x4000  }
0x174: {  	s11 =	sadd.s32 $0x100, s11;
	s5 =	rddreg [dreg:$0x4];
	[sflag:s13] =	ssyncset.done $0x0  }
0x175: {  	[sflag:s13] =	ssyncadd.s32 $0xFFFFC000;
	s5 =	sadd.s32 s10, s5  }
0x176: {  	[tilespmem:s3], [sflag:$0x3] =	stream.linear.gather [hbm4b:s5+s3], $0x800, $0x38;
	[tilespmem:$0x1D000] =	vst v63  }
0x177: {  	_ =	swait.ge [sflag:s13], $0x800  }
0x178: {  	s9 =	rddreg [dreg:$0x3];
	[sflag:s13] =	ssyncset.done $0x0  }
0x179: {  	[sflag:s13] =	ssyncadd.s32 $0xFFFFF800;
	s5 =	sadd.s32 s10, s9  }
0x17a: {  	[tilespmem:s14], [sflag:$0x3] =	stream.linear.gather [hbm4b:s5+s3], $0x800, $0x38;
	[tilespmem:$0x1D000] =	vst v63  }
0x17b: {  	_ =	swait.ge [sflag:s13], $0x800  }
0x17c: {  	[sflag:s13] =	ssyncset.done $0x0  }
0x17d: {  	[sflag:s13] =	ssyncadd.s32 $0xFFFFF800  }
0x17e: {  	[tilespmem:s12], [sflag:$0x1] =	stream.indirect.gather [hbm4b:s4+s15], $0x80, s3, s15, $0xb8;
	[tilespmem:$0x1D000] =	vst v63  }
0x17f: {  	_ =	swait.ge [sflag:s16], $0x4000  }
0x180: {  	[sflag:s16] =	ssyncset.done $0x0  }
0x181: {  	[sflag:s16] =	ssyncadd.s32 $0xFFFFC000  }
0x182: {  	[tilespmem:s17], [sflag:$0x2] =	stream.indirect.gather [hbm4b:s4+s15], $0x80, s15, s15, $0xb8;
	[tilespmem:$0x1D000] =	vst v63  }
0x183: {  	_ = 	snop  }
0x184: {  	[spmem:s2] =	stream.indirect.scatter.add.f32 [tilespmem:s12], [sflag:$0x3], $0x80, s14, s15, $0xb8;
	[tilespmem:$0x1D000] =	vst v63  }
0x185: {  	_ =	swait.ge [sflag:s13], $0x4000  }
0x186: {  	[sflag:s13] =	ssyncset.done $0x0  }
0x187: {  	[sflag:s13] =	ssyncadd.s32 $0xFFFFC000  }
0x188: {  	_ =	swait.ge [sflag:s18], $0x4000  }
0x189: {  	[sflag:s18] =	ssyncset.done $0x0  }
0x18a: {  	s11 =	rddreg [dreg:$0x5];
	[sflag:s18] =	ssyncadd.s32 $0xFFFFC000  }
0x18b: {  	[tilespmem:s12], [sflag:$0x1] =	stream.indirect.gather [hbm4b:s4+s15], $0x80, s11, s15, $0xb8;
	[tilespmem:$0x1D000] =	vst v63  }
0x18c: {  	s9 =	rddreg [dreg:$0x6]  }
0x18d: {  	[spmem:s2] =	stream.indirect.scatter.add.f32 [tilespmem:s17], [sflag:$0x3], $0x80, s9, s15, $0xb8;
	[tilespmem:$0x1D000] =	vst v63  }
0x18e: {  	_ =	swait.ge [sflag:s13], $0x4000  }
0x18f: {  	[sflag:s13] =	ssyncset.done $0x0  }
0x190: {  	[sflag:s13] =	ssyncadd.s32 $0xFFFFC000  }
0x191: {  	_ =	swait.ge [sflag:s16], $0x4000  }
0x192: {  	[sflag:s16] =	ssyncset.done $0x0  }
0x193: {  	s10 =	rddreg [dreg:$0x7];
	[sflag:s16] =	ssyncadd.s32 $0xFFFFC000  }
0x194: {  	[tilespmem:s17], [sflag:$0x2] =	stream.indirect.gather [hbm4b:s4+s15], $0x80, s10, s15, $0xb8;
	[tilespmem:$0x1D000] =	vst v63  }
0x195: {  	s11 =	rddreg [dreg:$0x8]  }
0x196: {  	[spmem:s2] =	stream.indirect.scatter.add.f32 [tilespmem:s12], [sflag:$0x3], $0x80, s11, s15, $0xb8;
	[tilespmem:$0x1D000] =	vst v63  }
0x197: {  	_ =	swait.ge [sflag:s13], $0x4000  }
0x198: {  	[sflag:s13] =	ssyncset.done $0x0  }
0x199: {  	[sflag:s13] =	ssyncadd.s32 $0xFFFFC000  }
0x19a: {  	_ =	swait.ge [sflag:s18], $0x4000  }
0x19b: {  	[sflag:s18] =	ssyncset.done $0x0  }
0x19c: {  	s10 =	rddreg [dreg:$0x9];
	[sflag:s18] =	ssyncadd.s32 $0xFFFFC000  }
0x19d: {  	[tilespmem:s12], [sflag:$0x1] =	stream.indirect.gather [hbm4b:s4+s15], $0x80, s10, s15, $0xb8;
	[tilespmem:$0x1D000] =	vst v63  }
0x19e: {  	s11 =	rddreg [dreg:$0xa]  }
0x19f: {  	[spmem:s2] =	stream.indirect.scatter.add.f32 [tilespmem:s17], [sflag:$0x3], $0x80, s11, s15, $0xb8;
	[tilespmem:$0x1D000] =	vst v63  }
0x1a0: {  	_ =	swait.ge [sflag:s13], $0x4000  }
0x1a1: {  	[sflag:s13] =	ssyncset.done $0x0  }
0x1a2: {  	[sflag:s13] =	ssyncadd.s32 $0xFFFFC000  }
0x1a3: {  	_ =	swait.ge [sflag:s16], $0x4000  }
0x1a4: {  	[sflag:s16] =	ssyncset.done $0x0  }
0x1a5: {  	s10 =	rddreg [dreg:$0xb];
	[sflag:s16] =	ssyncadd.s32 $0xFFFFC000  }
0x1a6: {  	[tilespmem:s17], [sflag:$0x2] =	stream.indirect.gather [hbm4b:s4+s15], $0x80, s10, s15, $0xb8;
	[tilespmem:$0x1D000] =	vst v63  }
0x1a7: {  	s11 =	rddreg [dreg:$0xc]  }
0x1a8: {  	[spmem:s2] =	stream.indirect.scatter.add.f32 [tilespmem:s12], [sflag:$0x3], $0x80, s11, s15, $0xb8;
	[tilespmem:$0x1D000] =	vst v63  }
0x1a9: {  	_ =	swait.ge [sflag:s13], $0x4000  }
0x1aa: {  	[sflag:s13] =	ssyncset.done $0x0  }
0x1ab: {  	[sflag:s13] =	ssyncadd.s32 $0xFFFFC000  }
0x1ac: {  	_ =	swait.ge [sflag:s18], $0x4000  }
0x1ad: {  	[sflag:s18] =	ssyncset.done $0x0  }
0x1ae: {  	s10 =	rddreg [dreg:$0xd];
	[sflag:s18] =	ssyncadd.s32 $0xFFFFC000  }
0x1af: {  	[tilespmem:s12], [sflag:$0x1] =	stream.indirect.gather [hbm4b:s4+s15], $0x80, s10, s15, $0xb8;
	[tilespmem:$0x1D000] =	vst v63  }
0x1b0: {  	s11 =	rddreg [dreg:$0xe]  }
0x1b1: {  	[spmem:s2] =	stream.indirect.scatter.add.f32 [tilespmem:s17], [sflag:$0x3], $0x80, s11, s15, $0xb8;
	[tilespmem:$0x1D000] =	vst v63  }
0x1b2: {  	_ =	swait.ge [sflag:s13], $0x4000  }
0x1b3: {  	[sflag:s13] =	ssyncset.done $0x0  }
0x1b4: {  	[sflag:s13] =	ssyncadd.s32 $0xFFFFC000  }
0x1b5: {  	_ =	swait.ge [sflag:s16], $0x4000  }
0x1b6: {  	[sflag:s16] =	ssyncset.done $0x0  }
0x1b7: {  	s10 =	rddreg [dreg:$0xf];
	[sflag:s16] =	ssyncadd.s32 $0xFFFFC000  }
0x1b8: {  	[tilespmem:s17], [sflag:$0x2] =	stream.indirect.gather [hbm4b:s4+s15], $0x80, s10, s15, $0xb8;
	[tilespmem:$0x1D000] =	vst v63  }
0x1b9: {  	s11 =	rddreg [dreg:$0x10]  }
0x1ba: {  	[spmem:s2] =	stream.indirect.scatter.add.f32 [tilespmem:s12], [sflag:$0x3], $0x80, s11, s15, $0xb8;
	[tilespmem:$0x1D000] =	vst v63  }
0x1bb: {  	_ =	swait.ge [sflag:s13], $0x4000  }
0x1bc: {  	[sflag:s13] =	ssyncset.done $0x0  }
0x1bd: {  	[sflag:s13] =	ssyncadd.s32 $0xFFFFC000  }
0x1be: {  	_ =	swait.ge [sflag:s18], $0x4000  }
0x1bf: {  	[sflag:s18] =	ssyncset.done $0x0  }
0x1c0: {  	[sflag:s18] =	ssyncadd.s32 $0xFFFFC000  }
0x1c1: {  	[tilespmem:s12], [sflag:$0x1] =	stream.indirect.gather [hbm4b:s4+s15], $0x80, s19, s15, $0xb8;
	[tilespmem:$0x1D000] =	vst v63  }
0x1c2: {  	_ = 	snop  }
0x1c3: {  	[spmem:s2] =	stream.indirect.scatter.add.f32 [tilespmem:s17], [sflag:$0x3], $0x80, s20, s15, $0xb8;
	[tilespmem:$0x1D000] =	vst v63  }
0x1c4: {  	_ =	swait.ge [sflag:s13], $0x4000  }
0x1c5: {  	[sflag:s13] =	ssyncset.done $0x0  }
0x1c6: {  	[sflag:s13] =	ssyncadd.s32 $0xFFFFC000  }
0x1c7: {  	_ =	swait.ge [sflag:s16], $0x4000  }
0x1c8: {  	[sflag:s16] =	ssyncset.done $0x0  }
0x1c9: {  	[sflag:s16] =	ssyncadd.s32 $0xFFFFC000  }
0x1ca: {  	[tilespmem:s17], [sflag:$0x2] =	stream.indirect.gather [hbm4b:s4+s15], $0x80, s21, s15, $0xb8;
	[tilespmem:$0x1D000] =	vst v63  }
0x1cb: {  	_ = 	snop  }
0x1cc: {  	[spmem:s2] =	stream.indirect.scatter.add.f32 [tilespmem:s12], [sflag:$0x3], $0x80, s22, s15, $0xb8;
	[tilespmem:$0x1D000] =	vst v63  }
0x1cd: {  	_ =	swait.ge [sflag:s13], $0x4000  }
0x1ce: {  	[sflag:s13] =	ssyncset.done $0x0  }
0x1cf: {  	[sflag:s13] =	ssyncadd.s32 $0xFFFFC000  }
0x1d0: {  	_ =	swait.ge [sflag:s18], $0x4000  }
0x1d1: {  	[sflag:s18] =	ssyncset.done $0x0  }
0x1d2: {  	[sflag:s18] =	ssyncadd.s32 $0xFFFFC000  }
0x1d3: {  	[tilespmem:s12], [sflag:$0x1] =	stream.indirect.gather [hbm4b:s4+s15], $0x80, s23, s15, $0xb8;
	[tilespmem:$0x1D000] =	vst v63  }
0x1d4: {  	_ = 	snop  }
0x1d5: {  	[spmem:s2] =	stream.indirect.scatter.add.f32 [tilespmem:s17], [sflag:$0x3], $0x80, s24, s15, $0xb8;
	[tilespmem:$0x1D000] =	vst v63  }
0x1d6: {  	_ =	swait.ge [sflag:s13], $0x4000  }
0x1d7: {  	[sflag:s13] =	ssyncset.done $0x0  }
0x1d8: {  	[sflag:s13] =	ssyncadd.s32 $0xFFFFC000  }
0x1d9: {  	_ =	swait.ge [sflag:s16], $0x4000  }
0x1da: {  	[sflag:s16] =	ssyncset.done $0x0  }
0x1db: {  	[sflag:s16] =	ssyncadd.s32 $0xFFFFC000  }
0x1dc: {  	[tilespmem:s17], [sflag:$0x2] =	stream.indirect.gather [hbm4b:s4+s15], $0x80, s25, s15, $0xb8;
	[tilespmem:$0x1D000] =	vst v63  }
0x1dd: {  	_ = 	snop  }
0x1de: {  	[spmem:s2] =	stream.indirect.scatter.add.f32 [tilespmem:s12], [sflag:$0x3], $0x80, s26, s15, $0xb8;
	[tilespmem:$0x1D000] =	vst v63  }
0x1df: {  	_ =	swait.ge [sflag:s13], $0x4000  }
0x1e0: {  	[sflag:s13] =	ssyncset.done $0x0  }
0x1e1: {  	[sflag:s13] =	ssyncadd.s32 $0xFFFFC000  }
0x1e2: {  	_ =	swait.ge [sflag:s18], $0x4000  }
0x1e3: {  	[sflag:s18] =	ssyncset.done $0x0  }
0x1e4: {  	[sflag:s18] =	ssyncadd.s32 $0xFFFFC000  }
0x1e5: {  	[tilespmem:s12], [sflag:$0x1] =	stream.indirect.gather [hbm4b:s4+s15], $0x80, s28, s15, $0xb8;
	[tilespmem:$0x1D000] =	vst v63  }
0x1e6: {  	_ = 	snop  }
0x1e7: {  	[spmem:s2] =	stream.indirect.scatter.add.f32 [tilespmem:s17], [sflag:$0x3], $0x80, s29, s15, $0xb8;
	[tilespmem:$0x1D000] =	vst v63  }
0x1e8: {  	_ =	swait.ge [sflag:s13], $0x4000  }
0x1e9: {  	[sflag:s13] =	ssyncset.done $0x0  }
0x1ea: {  	[sflag:s13] =	ssyncadd.s32 $0xFFFFC000  }
0x1eb: {  	_ =	swait.ge [sflag:s16], $0x4000  }
0x1ec: {  	[sflag:s16] =	ssyncset.done $0x0  }
0x1ed: {  	[sflag:s16] =	ssyncadd.s32 $0xFFFFC000  }
0x1ee: {  	[tilespmem:s17], [sflag:$0x2] =	stream.indirect.gather [hbm4b:s4+s15], $0x80, s30, s15, $0xb8;
	[tilespmem:$0x1D000] =	vst v63  }
0x1ef: {  	_ = 	snop  }
0x1f0: {  	[spmem:s2] =	stream.indirect.scatter.add.f32 [tilespmem:s12], [sflag:$0x3], $0x80, s31, s15, $0xb8;
	[tilespmem:$0x1D000] =	vst v63  }
0x1f1: {  	_ =	swait.ge [sflag:s13], $0x4000  }
0x1f2: {  	[sflag:s13] =	ssyncset.done $0x0  }
0x1f3: {  	[sflag:s13] =	ssyncadd.s32 $0xFFFFC000  }
0x1f4: {  	_ =	swait.ge [sflag:s18], $0x4000  }
0x1f5: {  	[sflag:s18] =	ssyncset.done $0x0  }
0x1f6: {  	[sflag:s18] =	ssyncadd.s32 $0xFFFFC000  }
0x1f7: {  	[tilespmem:s12], [sflag:$0x1] =	stream.indirect.gather [hbm4b:s4+s15], $0x80, s1, s15, $0xb8;
	[tilespmem:$0x1D000] =	vst v63  }
0x1f8: {  	_ = 	snop  }
0x1f9: {  	[spmem:s2] =	stream.indirect.scatter.add.f32 [tilespmem:s17], [sflag:$0x3], $0x80, s0, s15, $0xb8;
	[tilespmem:$0x1D000] =	vst v63  }
0x1fa: {  	_ =	swait.ge [sflag:s13], $0x4000  }
0x1fb: {  	[sflag:s13] =	ssyncset.done $0x0  }
0x1fc: {  	[sflag:s13] =	ssyncadd.s32 $0xFFFFC000  }
0x1fd: {  	_ =	swait.ge [sflag:s16], $0x4000  }
0x1fe: {  	[sflag:s16] =	ssyncset.done $0x0  }
0x1ff: {  	[sflag:s16] =	ssyncadd.s32 $0xFFFFC000  }
0x200: {  	[tilespmem:s17], [sflag:$0x2] =	stream.indirect.gather [hbm4b:s4+s15], $0x80, s6, s15, $0xb8;
	[tilespmem:$0x1D000] =	vst v63  }
0x201: {  	_ = 	snop  }
0x202: {  	[spmem:s2] =	stream.indirect.scatter.add.f32 [tilespmem:s12], [sflag:$0x3], $0x80, s7, s15, $0xb8;
	[tilespmem:$0x1D000] =	vst v63  }
0x203: {  	_ =	swait.ge [sflag:s13], $0x4000  }
0x204: {  	[sflag:s13] =	ssyncset.done $0x0  }
0x205: {  	[sflag:s13] =	ssyncadd.s32 $0xFFFFC000  }
0x206: {  	_ =	swait.ge [sflag:s18], $0x4000  }
0x207: {  	[sflag:s18] =	ssyncset.done $0x0  }
0x208: {  	[sflag:s18] =	ssyncadd.s32 $0xFFFFC000  }
0x209: {  	[spmem:s2] =	stream.indirect.scatter.add.f32 [tilespmem:s17], [sflag:$0x3], $0x80, s8, s15, $0xb8;
	[tilespmem:$0x1D000] =	vst v63  }
0x20a: {  	_ =	swait.ge [sflag:s13], $0x4000  }
0x20b: {  	[sflag:s13] =	ssyncset.done $0x0  }
0x20c: {  	[sflag:s13] =	ssyncadd.s32 $0xFFFFC000  }
0x20d: {  	s9 =	stileid.u32;
	[bflag:$0x0] =	sbarrier.arrive $0xFFFF  }
0x20e: {  	s5 =	sshll.u32 s9, $0x6;
	s10 =	rddreg [dreg:$0x11]  }
0x20f: {  	s5 =	sor.u32 $0x1C03, s5;
	s11 =	rddreg [dreg:$0x16];
	s9 =	sshrl.u32 s10, $0x3  }
0x210: {  	[hbm:s11], [sflag:s5] =	dma.local [spmem:s9], $0x2800  }
0x211: {  	_ =	swait.ge [sflag:s13], $0x2800  }
0x212: {  	s10 =	rddreg [dreg:$0x18]  }
0x213: {  	s11 =	rddreg [dreg:$0x17];
	s9 =	sadd.s32 $0x1, s10  }
0x214: {  	p0 =	sne.s32 s9, s11  }
.Ltmp2:
0x215: {  	_ = 	snop;
	(pc) =	sbr.rel @p0 .LBB2_1-.Ltmp2, $3  }
0x216: {  	_ =	sdelay $0x1  }
0x217: {  	[sflag:s13] =	ssyncset.done $0x0  }
0x218: {  	[sflag:s13] =	ssyncadd.s32 $0xFFFFD800  }
0x219: {  	_ =	sfence.sel $0x180000  }
0x21a: {  	[bflag:$0x0] =	sbarrier.arrive $0xFFFF  }
0x21b: {  	_ =	strace $0x9000004A  }
0x21c: {  	s0 =	stileid.u32;
	[bflag:$0x2] =	sbarrier.arrive $0xFFFF  }
0x21d: {  	p0 =	sne.s32 s0, $0x0;
	s0 =	rddreg [dreg:$0x2]  }
0x21e: {  	s0 =	sadd.s32 @!p0 $0x100000, s0  }
0x21f: {  	[sflag:s0] =	ssyncadd.tile.s32 @!p0 $0x1;
	_ =	shalt  }
.Lfunc_end2:
_tile_overlayer_lowered:
.L_overlay_start_2:
0x220: {  	(tag) =	ssettag $0x2  }
0x221: {  	s0 =	rddreg [dreg:$0x0];
	s2 =	stileid.u32  }
0x222: {  	s1 =	rddreg [dreg:$0x1];
	p0 =	sne.s32 s2, $0x0  }
0x223: {  	s3 =	rddreg [dreg:$0x2];
	[bflag:$0x3] =	sbarrier.arrive $0xFFFF;
	s2 =	simm.s32 @!p0 $0x1C03  }
0x224: {  	[timem:s3], [sflag:s2] =	dma.local @!p0 [hbm:s0], s1  }
0x225: {  	s0 =	simm.s32 @!p0 $0x3  }
0x226: {  	_ =	swait.ge @!p0 [sflag:s0], s1  }
0x227: {  	s1 =	ssub.s32 @!p0 $0x0, s1;
	[sflag:s0] =	ssyncset.done @!p0 $0x0  }
0x228: {  	[sflag:s0] =	ssyncadd.s32 @!p0 s1  }
0x229: {  	[bflag:$0x3] =	sbarrier.arrive $0xFFFF  }
0x22a: {  	_ =	shalt  }

// kernel: kernel.15.cloned.1.call-start
scs
__scs_entry_jumppad:
0x0: {  	(pc) =	sbr.rel $0x88, $3  }
0x1: {  	(tag) =	ssettag $0x0;
	lr =	simm.s32 $0x1  }
0x2: {  	[smem:$0x3F98] =	sst lr;
	_ =	strace $0xD0000000  }
0x3: {  	_ = 	snop  }
0x4: {  	_ = 	snop  }
0x5: {  	_ = 	snop  }
0x6: {  	_ = 	snop  }
0x7: {  	_ = 	snop  }
__scs_overlays_trampoline_lowered:
0x8: {  	[smem:$0x3FA7] =	sst s0  }
0x9: {  	[smem:$0x3FA8] =	sst s1  }
0xa: {  	[smem:$0x3FA9] =	sst s2  }
0xb: {  	[smem:$0x3FAA] =	sst s3  }
0xc: {  	[smem:$0x3FAB] =	sst s4  }
0xd: {  	[smem:$0x3FAC] =	sst s5  }
0xe: {  	[smem:$0x3FAD] =	sst s6  }
0xf: {  	[smem:$0x3FAE] =	sst s7  }
0x10: {  	[smem:$0x3FAF] =	sst s8  }
0x11: {  	[smem:$0x3FB0] =	sst s9;
	s0 =	simm.s32 @!p0 $0x0  }
0x12: {  	s1 =	sld [smem:$0x3F96];
	s0 =	simm.s32 @p0 $0x1  }
0x13: {  	[smem:$0x3FB1] =	sst s0;
	s0 =	simm.s32 @!p1 $0x0  }
0x14: {  	s2 =	sld [smem:$0x3F95];
	s0 =	simm.s32 @p1 $0x1  }
0x15: {  	[smem:$0x3FB2] =	sst s0;
	s0 =	simm.s32 @!p2 $0x0  }
0x16: {  	s3 =	sld [smem:$0x3FDB];
	s0 =	simm.s32 @p2 $0x1  }
0x17: {  	s4 =	simm.s32 $0x1BF5;
	[smem:$0x3FB4] =	sst s0  }
0x18: {  	s0 =	sld [smem:$0x3F97];
	_ =	swait.ge [sflag:s4], $0x0  }
0x19: {  	s7 =	sld [smem:$0x3F98]  }
0x1a: {  	s8 =	sadd.s32 $0xFFFFE003, lr  }
0x1b: {  	s9 =	sadd.s32 $0xFFFFFEF7, lr;
	s5 =	simm.s32 $0xFFFFFFFF;
	p2 =	slt.u32 s8, $0xFFFFF086  }
0x1c: {  	p1 =	slt.u32 s9, $0xF7A;
	s5 =	simm.s32 @!p2 $0x0  }
0x1d: {  	s5 =	simm.s32 @p1 $0x1;
	p0 =	seq.s32 s7, s2  }
0x1e: {  	s7 =	smul.u32 @!p0 $0xF7A, s2;
	p2 =	seq.s32 @!p0 s5, $0x0  }
0x1f: {  	s9 =	smul.u32 $0xF7A, s1;
	s8 =	simm.s32 @!p0 $0x1BF5;
	p2 =	por !p2, p0  }
0x20: {  	[sflag:s8] =	ssyncset.s32 @!p0 $0xFFFFF086;
	s6 =	sadd.s32 @!p0 s3, s7;
	s7 =	simm.s32 @!p0 $0x108  }
0x21: {  	s3 =	sadd.s32 s3, s9;
	s6 =	sadd.s32 @!p0 $0x88, s6;
	s7 =	simm.s32 @p2 $0x1082  }
0x22: {  	[simem:s7], [sflag:s8] =	dma.local @!p0 [hbm:s6], $0xF7A  }
0x23: {  	s9 =	sor.u32 $0xD0000000, s2;
	s6 =	simm.s32 $0x108;
	_ =	swait.ge @!p0 [sflag:s8], $0x0  }
0x24: {  	s3 =	sadd.s32 $0x88, s3;
	s6 =	simm.s32 @!p1 $0x1082;
	[sflag:s4] =	ssyncset.s32 $0xFFFFF086  }
0x25: {  	[simem:s6], [sflag:s4] =	dma.local [hbm:s3], $0xF7A  }
0x26: {  	[smem:$0x3F98] =	sst s1;
	(tag) =	ssettag s2;
	_ =	strace s9  }
0x27: {  	s1 =	sld [smem:$0x3FA8]  }
0x28: {  	s2 =	sld [smem:$0x3FA9]  }
0x29: {  	s4 =	sld [smem:$0x3FAB]  }
0x2a: {  	p0 =	seq.s32 s5, $0x0;
	s5 =	sld [smem:$0x3FAC]  }
0x2b: {  	s6 =	sld [smem:$0x3FAD]  }
0x2c: {  	s7 =	sld [smem:$0x3FAE]  }
0x2d: {  	s3 =	simm.s32 $0x108;
	s8 =	sld [smem:$0x3FAF]  }
0x2e: {  	s3 =	simm.s32 @!p0 $0x1082;
	s9 =	sld [smem:$0x3FB0]  }
0x2f: {  	lr =	sadd.s32 s0, s3;
	s0 =	sld [smem:$0x3FA7]  }
0x30: {  	s3 =	sld [smem:$0x3FAA]  }
0x31: {  	[smem:$0x3FB3] =	sst s10  }
0x32: {  	s10 =	sld [smem:$0x3FB1];
	_ =	sdelay $0x3  }
0x33: {  	p0 =	seq.s32 s10, $0x1;
	s10 =	sld [smem:$0x3FB3];
	_ =	sdelay $0x3  }
0x34: {  	[smem:$0x3FB3] =	sst s10  }
0x35: {  	s10 =	sld [smem:$0x3FB2];
	_ =	sdelay $0x3  }
0x36: {  	p1 =	seq.s32 s10, $0x1;
	s10 =	sld [smem:$0x3FB3];
	_ =	sdelay $0x3  }
0x37: {  	[smem:$0x3FB3] =	sst s10  }
0x38: {  	s10 =	sld [smem:$0x3FB4]  }
0x39: {  	_ = 	snop;
	(pc) =	sbr.ind lr, $3  }
0x3a: {  	_ = 	snop  }
0x3b: {  	_ = 	snop  }
0x3c: {  	p2 =	seq.s32 s10, $0x1;
	s10 =	sld [smem:$0x3FB3]  }
0x3d: {  	_ =	shalt  }
0x3e: {  	_ =	shalt  }
0x3f: {  	_ =	shalt  }
0x40: {  	_ =	shalt  }
0x41: {  	_ =	shalt  }
0x42: {  	_ =	shalt  }
0x43: {  	_ =	shalt  }
0x44: {  	_ =	shalt  }
0x45: {  	_ =	shalt  }
0x46: {  	_ =	shalt  }
0x47: {  	_ =	shalt  }
0x48: {  	_ =	shalt  }
0x49: {  	_ =	shalt  }
0x4a: {  	_ =	shalt  }
0x4b: {  	_ =	shalt  }
0x4c: {  	_ =	shalt  }
0x4d: {  	_ =	shalt  }
0x4e: {  	_ =	shalt  }
0x4f: {  	_ =	shalt  }
0x50: {  	_ =	shalt  }
0x51: {  	_ =	shalt  }
0x52: {  	_ =	shalt  }
0x53: {  	_ =	shalt  }
0x54: {  	_ =	shalt  }
0x55: {  	_ =	shalt  }
0x56: {  	_ =	shalt  }
0x57: {  	_ =	shalt  }
0x58: {  	_ =	shalt  }
0x59: {  	_ =	shalt  }
0x5a: {  	_ =	shalt  }
0x5b: {  	_ =	shalt  }
0x5c: {  	_ =	shalt  }
0x5d: {  	_ =	shalt  }
0x5e: {  	_ =	shalt  }
0x5f: {  	_ =	shalt  }
0x60: {  	_ =	shalt  }
0x61: {  	_ =	shalt  }
0x62: {  	_ =	shalt  }
0x63: {  	_ =	shalt  }
0x64: {  	_ =	shalt  }
0x65: {  	_ =	shalt  }
0x66: {  	_ =	shalt  }
0x67: {  	_ =	shalt  }
0x68: {  	_ =	shalt  }
0x69: {  	_ =	shalt  }
0x6a: {  	_ =	shalt  }
0x6b: {  	_ =	shalt  }
0x6c: {  	_ =	shalt  }
0x6d: {  	_ =	shalt  }
0x6e: {  	_ =	shalt  }
0x6f: {  	_ =	shalt  }
0x70: {  	_ =	shalt  }
0x71: {  	_ =	shalt  }
0x72: {  	_ =	shalt  }
0x73: {  	_ =	shalt  }
0x74: {  	_ =	shalt  }
0x75: {  	_ =	shalt  }
0x76: {  	_ =	shalt  }
0x77: {  	_ =	shalt  }
0x78: {  	_ =	shalt  }
0x79: {  	_ =	shalt  }
0x7a: {  	_ =	shalt  }
0x7b: {  	_ =	shalt  }
0x7c: {  	_ =	shalt  }
0x7d: {  	_ =	shalt  }
0x7e: {  	_ =	shalt  }
0x7f: {  	_ =	shalt  }
0x80: {  	_ =	shalt  }
0x81: {  	_ =	shalt  }
0x82: {  	_ =	shalt  }
0x83: {  	_ =	shalt  }
0x84: {  	_ =	shalt  }
0x85: {  	_ =	shalt  }
0x86: {  	_ =	shalt  }
0x87: {  	_ =	shalt  }
.Lfunc_end0:
.L_simem_size_0:
called_computation.2_lowered:
.L_overlay_start_0:
0x88: {  	s2 =	sld [smem:$0x3FD9]  }
0x89: {  	s3 =	sld [smem:$0x3FFE];
	_ =	sdelay $0x1  }
0x8a: {  	s1 =	srdreg.scid  }
0x8b: {  	s0 =	sand.u32 $0x1, s1  }
0x8c: {  	s16 =	sshll.u32 s0, $0xA;
	s2 =	sadd.s32 s3, s2  }
0x8d: {  	s2 =	sadd.s32 s2, s16  }
0x8e: {  	[smem:$0x3FBF] =	sst s2  }
0x8f: {  	_ = 	snop  }
0x90: {  	(tm) =	ssettm $0x1  }
0x91: {  	s17 =	sld [smem:$0x3FFB];
	_ =	sdelay $0x3  }
0x92: {  	_ =	strace s17  }
0x93: {  	s2 =	sld [smem:$0x3FFC];
	_ =	sdelay $0x3  }
0x94: {  	_ =	strace s2  }
0x95: {  	s2 =	sld [smem:$0x3FFD];
	_ =	sdelay $0x3  }
0x96: {  	_ =	strace s2  }
0x97: {  	_ =	strace $0x8FFFFFFF  }
0x98: {  	s18 =	sld [smem:$0x3FDB];
	_ =	sdelay $0x1  }
0x99: {  	s19 =	simm.s32 $_scs_section_size  }
0x9a: {  	s4 =	simm.s32 $_size__tile_overlayer_lowered;
	s5 =	simm.s32 $_tile_overlayer_lowered  }
0x9b: {  	s22 =	simm.s32 $0x1BFF;
	s21 =	sshll.u32 s5, $0x1;
	s2 =	sadd.s32 s19, s18  }
0x9c: {  	s6 =	simm.s32 $0x0;
	s20 =	sshll.u32 s4, $0x1;
	s4 =	sadd.s32 s21, s2  }
0x9d: {  	[timem:s6], [sflag:s22] =	dma.local [hbm:s4], s20  }
0x9e: {  	_ =	swait.ge [sflag:s22], s20  }
0x9f: {  	s3 =	ssub.s32 $0x0, s20;
	[sflag:s22] =	ssyncset.done $0x0  }
0xa0: {  	[sflag:s22] =	ssyncadd.s32 s3;
	_ =	sdelay $0x1  }
0xa1: {  	s23 =	simm.s32 $0x1B8B  }
0xa2: {  	_ =	swait.ge [sflag:s23], $0x1  }
0xa3: {  	[sflag:s23] =	ssyncset.done $0x0  }
0xa4: {  	s25 =	simm.s32 $0x1B8E;
	s24 =	sld [smem:$0x3FFE];
	[sflag:s23] =	ssyncadd.s32 $0xFFFFFFFF  }
0xa5: {  	s26 =	simm.s32 $execute0_lowered;
	[smem:$0x3FD2] =	sst s25  }
0xa6: {  	s4 =	sshll.u32 s26, $0x1;
	_ =	strace $0x8000004C;
	[dreg:$0x1] =	wrdreg $0xFFFFFFFF  }
0xa7: {  	s28 =	simm.s32 $_size_execute0_lowered;
	s2 =	sadd.s32 s2, s4;
	[dreg:$0x0] =	wrdreg $0x0  }
0xa8: {  	s4 =	sshll.u32 s28, $0x1;
	[dreg:$0x2] =	wrdreg s2  }
0xa9: {  	[dreg:$0x3] =	wrdreg s4  }
0xaa: {  	[dreg:$0x4] =	wrdreg $0xC0  }
0xab: {  	_ =	task [dreg:s6], $0x5FFFF  }
0xac: {  	[dreg:$0x1] =	wrdreg $0xFFFFFFFF  }
0xad: {  	[dreg:$0x0] =	wrdreg $0x60  }
0xae: {  	[dreg:$0x2] =	wrdreg s24  }
0xaf: {  	[dreg:$0x3] =	wrdreg $0x90000  }
0xb0: {  	[dreg:$0x4] =	wrdreg $0x9  }
0xb1: {  	_ =	task.clear_ibuf [dreg:s6], $0x5FFFF;
	_ =	strace $0x9000004C  }
0xb2: {  	s29 =	simm.s32 $0x9;
	_ =	strace $0x8000004E  }
0xb3: {  	_ =	swait.ge [sflag:s29], $0x1  }
0xb4: {  	[sflag:s29] =	ssyncadd.s32 $0xFFFFFFFF  }
0xb5: {  	_ =	strace $0x9000004E  }
0xb6: {  	_ =	sfence  }
0xb7: {  	s30 =	sld [smem:$0x0];
	_ =	sdelay $0x2  }
0xb8: {  	s31 =	sshll.u32 s1, $0xD;
	s1 =	sshrl.u32 s1, $0x2  }
0xb9: {  	s3 =	sand.u32 $0x4000, s31;
	s1 =	sadd.s32 s1, s30  }
0xba: {  	s0 =	sor.u32 s3, s0;
	s1 =	sshll.u32 s1, $0x11  }
0xbb: {  	s0 =	sor.u32 s1, s0  }
0xbc: {  	s0 =	sadd.s32 $0x8F2B, s0  }
0xbd: {  	[sflag:s0] =	ssyncadd.remote.s32 $0x1  }
0xbe: {  	_ =	sfence.sel $0xFFFF  }
0xbf: {  	[dreg:$0x0] =	wrdreg $0xFFFFFFFF;
	(pc) =	sbr.abs _section_cstart, $3  }
0xc0: {  	[dreg:$0x1] =	wrdreg $0xFFFFFFFF  }
0xc1: {  	_ =	task.clear_ibuf [dreg:s6], $0x2FFFF;
	_ =	strace $0x9FFFFFFF  }
0xc2: {  	(tm) =	ssettm $0x7FFFFFFF  }
0xc3: {  	_ =	shalt  }
tec
execute0_lowered:
.L_overlay_start_1:
0x0: {  	(tag) =	ssettag $0x1  }
0x1: {  	s0 =	srdreg.scid;
	s1 =	rddreg [dreg:$0x0]  }
0x2: {  	s8 =	stileid.u32;
	s2 =	rddreg [dreg:$0x1]  }
0x3: {  	s3 =	simm.s32 $0x0;
	s13 =	simm.s32 $0x100;
	s14 =	simm.s32 $0x880  }
0x4: {  	s16 =	simm.s32 $0x180;
	s18 =	simm.s32 $0x900;
	[smem:$0x7FF] =	sst s3  }
0x5: {  	s19 =	simm.s32 $0x200;
	_ =	strace $0x8000004D;
	[dreg:$0x5] =	wrdreg s13  }
0x6: {  	s20 =	simm.s32 $0x980;
	s21 =	simm.s32 $0x280;
	[dreg:$0x6] =	wrdreg s14  }
0x7: {  	s22 =	simm.s32 $0xA00;
	s23 =	simm.s32 $0x300;
	[dreg:$0x7] =	wrdreg s16  }
0x8: {  	s24 =	simm.s32 $0xA80;
	s25 =	simm.s32 $0x380;
	[dreg:$0x8] =	wrdreg s18  }
0x9: {  	s26 =	simm.s32 $0xB00;
	s28 =	simm.s32 $0x600;
	[dreg:$0x9] =	wrdreg s19  }
0xa: {  	s29 =	simm.s32 $0xD80;
	s4 =	smul.u32 $0x5000, s8;
	[dreg:$0xa] =	wrdreg s20  }
0xb: {  	s30 =	simm.s32 $0x680;
	s7 =	smul.u32 $0x14000, s8;
	[dreg:$0xb] =	wrdreg s21  }
0xc: {  	s0 =	sand.u32 $0x1, s0;
	s8 =	smul.u32 $0x50000, s8;
	[dreg:$0xc] =	wrdreg s22  }
0xd: {  	s31 =	simm.s32 $0xE00;
	s5 =	smul.u32 $0x2800, s0;
	[dreg:$0xd] =	wrdreg s23  }
0xe: {  	s6 =	smul.u32 $0x140000, s0;
	s0 =	ssub.s32 $0x2, s0;
	[dreg:$0xe] =	wrdreg s24  }
0xf: {  	s13 =	simm.s32 $0x3;
	s14 =	simm.s32 $0x800;
	[dreg:$0xf] =	wrdreg s25  }
0x10: {  	s16 =	simm.s32 $0x1;
	s18 =	simm.s32 $0x2;
	[dreg:$0x10] =	wrdreg s26  }
0x11: {  	s19 =	simm.s32 $0x400;
	s20 =	simm.s32 $0xB80;
	s21 =	simm.s32 $0x480  }
0x12: {  	s22 =	simm.s32 $0xC00;
	s23 =	simm.s32 $0x500;
	s24 =	simm.s32 $0xC80  }
0x13: {  	s25 =	simm.s32 $0x580;
	s26 =	simm.s32 $0xD00;
	s9 =	sshrl.u32 s0, $0x1  }
0x14: {  	s11 =	sshrl.u32 s8, $0x2;
	s8 =	simm.s32 $0xF80;
	s5 =	sadd.s32 s5, s4  }
0x15: {  	s4 =	sadd.s32 $0x17000, s1;
	s6 =	sadd.s32 s7, s6;
	s0 =	ssub.s32 s0, s9  }
0x16: {  	s12 =	sadd.s32 s11, s2;
	s9 =	simm.s32 $0x0;
	s5 =	sshrl.u32 s5, $0x3  }
0x17: {  	s6 =	sshrl.u32 s6, $0x3;
	s7 =	sadd.s32 $0x4000, s12;
	[dreg:$0x11] =	wrdreg s12  }
0x18: {  	s15 =	sadd.s32 $0x8000, s12;
	s17 =	sadd.s32 $0xC000, s12;
	[dreg:$0x12] =	wrdreg s7  }
0x19: {  	s0 =	smax.u32 s0, $0x1;
	s5 =	sadd.s32 s5, s1;
	[dreg:$0x13] =	wrdreg s15  }
0x1a: {  	s1 =	sadd.s32 s6, s1;
	[dreg:$0x14] =	wrdreg s17;
	s6 =	sadd.s32 $0x10000, s12  }
0x1b: {  	[dreg:$0x17] =	wrdreg s0;
	s12 =	simm.s32 $0x1000;
	s15 =	simm.s32 $0x80  }
0x1c: {  	s17 =	simm.s32 $0x5000;
	s10 =	sadd.s32 $0xD000, s5;
	[dreg:$0x15] =	wrdreg s6  }
0x1d: {  	s0 =	simm.s32 $0xE80;
	s5 =	sadd.s32 $0x3000, s5;
	[dreg:$0x3] =	wrdreg s10  }
0x1e: {  	s7 =	simm.s32 $0xF00;
	s1 =	sadd.s32 $0x3F000, s1;
	[dreg:$0x4] =	wrdreg s5  }
0x1f: {  	v0 =	vimm.f32 $0.0e+00;
	s6 =	simm.s32 $0x780;
	[dreg:$0x16] =	wrdreg s1;
	s1 =	simm.s32 $0x700  }
.LBB2_1:
0x20: {  	s10 =	simm.s32 $0x0;
	s11 =	simm.s32 $0x200  }
.LBB2_2:
0x21: {  	p0 =	sne.s32 s11, $0xFE00;
	[tilespmem:s10+$0x1070] =	vst v0  }
0x22: {  	[tilespmem:s10+$0x1000] =	vst v0  }
0x23: {  	[tilespmem:s10+$0x1010] =	vst v0  }
.Ltmp0:
0x24: {  	[tilespmem:s10+$0x1020] =	vst v0;
	(pc) =	sbr.rel @p0 .LBB2_2-.Ltmp0, $4  }
0x25: {  	[tilespmem:s10+$0x1030] =	vst v0  }
0x26: {  	[tilespmem:s10+$0x1040] =	vst v0  }
0x27: {  	[tilespmem:s10+$0x1050] =	vst v0  }
0x28: {  	[tilespmem:s10+$0x1060] =	vst v0;
	s10 =	sshra.s32 s11, $0x2;
	s11 =	sadd.s32 $0x200, s11  }
0x29: {  	[tilespmem:s10+$0x1070] =	vst v0  }
0x2a: {  	[tilespmem:s10+$0x1000] =	vst v0  }
0x2b: {  	[tilespmem:s10+$0x1010] =	vst v0  }
0x2c: {  	[tilespmem:s10+$0x1020] =	vst v0  }
0x2d: {  	[tilespmem:s10+$0x1030] =	vst v0  }
0x2e: {  	[tilespmem:s10+$0x1040] =	vst v0  }
0x2f: {  	[dreg:$0x18] =	wrdreg s9;
	[tilespmem:s10+$0x1050] =	vst v0  }
0x30: {  	[tilespmem:s10+$0x1060] =	vst v0;
	s5 =	rddreg [dreg:$0x11]  }
0x31: {  	[spmem:s5] =	stream.linear.scatter [tilespmem:s12], [sflag:$0x3], $0x4000, $0x38;
	[tilespmem:$0x1D000] =	vst v63  }
0x32: {  	_ =	swait.ge [sflag:s13], $0x4000  }
0x33: {  	[sflag:s13] =	ssyncset.done $0x0  }
0x34: {  	s11 =	rddreg [dreg:$0x12];
	[sflag:s13] =	ssyncadd.s32 $0xFFFFC000  }
0x35: {  	[spmem:s11] =	stream.linear.scatter [tilespmem:s12], [sflag:$0x3], $0x4000, $0x38;
	[tilespmem:$0x1D000] =	vst v63  }
0x36: {  	_ =	swait.ge [sflag:s13], $0x4000  }
0x37: {  	[sflag:s13] =	ssyncset.done $0x0  }
0x38: {  	s9 =	rddreg [dreg:$0x13];
	[sflag:s13] =	ssyncadd.s32 $0xFFFFC000  }
0x39: {  	[spmem:s9] =	stream.linear.scatter [tilespmem:s12], [sflag:$0x3], $0x4000, $0x38;
	[tilespmem:$0x1D000] =	vst v63  }
0x3a: {  	_ =	swait.ge [sflag:s13], $0x4000  }
0x3b: {  	[sflag:s13] =	ssyncset.done $0x0  }
0x3c: {  	s10 =	rddreg [dreg:$0x14];
	[sflag:s13] =	ssyncadd.s32 $0xFFFFC000  }
0x3d: {  	[spmem:s10] =	stream.linear.scatter [tilespmem:s12], [sflag:$0x3], $0x4000, $0x38;
	[tilespmem:$0x1D000] =	vst v63  }
0x3e: {  	_ =	swait.ge [sflag:s13], $0x4000  }
0x3f: {  	[sflag:s13] =	ssyncset.done $0x0  }
0x40: {  	s11 =	rddreg [dreg:$0x15];
	[sflag:s13] =	ssyncadd.s32 $0xFFFFC000  }
0x41: {  	[spmem:s11] =	stream.linear.scatter [tilespmem:s12], [sflag:$0x3], $0x4000, $0x38;
	[tilespmem:$0x1D000] =	vst v63  }
0x42: {  	_ =	swait.ge [sflag:s13], $0x4000  }
0x43: {  	[sflag:s13] =	ssyncset.done $0x0  }
0x44: {  	[sflag:s13] =	ssyncadd.s32 $0xFFFFC000  }
0x45: {  	[bflag:$0x0] =	sbarrier.arrive $0xFFFF  }
0x46: {  	s9 =	rddreg [dreg:$0x4]  }
0x47: {  	s5 =	sadd.s32 $0x0, s9  }
0x48: {  	[tilespmem:s3], [sflag:$0x3] =	stream.linear.gather [hbm4b:s5+s3], $0x800, $0x38;
	[tilespmem:$0x1D000] =	vst v63  }
0x49: {  	_ =	swait.ge [sflag:s13], $0x800  }
0x4a: {  	s10 =	rddreg [dreg:$0x3];
	[sflag:s13] =	ssyncset.done $0x0  }
0x4b: {  	[sflag:s13] =	ssyncadd.s32 $0xFFFFF800;
	s5 =	sadd.s32 $0x0, s10  }
0x4c: {  	[tilespmem:s14], [sflag:$0x3] =	stream.linear.gather [hbm4b:s5+s3], $0x800, $0x38;
	[tilespmem:$0x1D000] =	vst v63  }
0x4d: {  	_ =	swait.ge [sflag:s13], $0x800  }
0x4e: {  	[sflag:s13] =	ssyncset.done $0x0  }
0x4f: {  	[sflag:s13] =	ssyncadd.s32 $0xFFFFF800  }
0x50: {  	[tilespmem:s12], [sflag:$0x1] =	stream.indirect.gather [hbm4b:s4+s15], $0x80, s3, s15, $0xb8;
	[tilespmem:$0x1D000] =	vst v63  }
0x51: {  	_ =	swait.ge [sflag:s16], $0x4000  }
0x52: {  	[sflag:s16] =	ssyncset.done $0x0  }
0x53: {  	[sflag:s16] =	ssyncadd.s32 $0xFFFFC000  }
0x54: {  	[tilespmem:s17], [sflag:$0x2] =	stream.indirect.gather [hbm4b:s4+s15], $0x80, s15, s15, $0xb8;
	[tilespmem:$0x1D000] =	vst v63  }
0x55: {  	_ = 	snop  }
0x56: {  	[spmem:s2] =	stream.indirect.scatter.add.f32 [tilespmem:s12], [sflag:$0x3], $0x80, s14, s15, $0xb8;
	[tilespmem:$0x1D000] =	vst v63  }
0x57: {  	_ =	swait.ge [sflag:s13], $0x4000  }
0x58: {  	[sflag:s13] =	ssyncset.done $0x0  }
0x59: {  	[sflag:s13] =	ssyncadd.s32 $0xFFFFC000  }
0x5a: {  	_ =	swait.ge [sflag:s18], $0x4000  }
0x5b: {  	[sflag:s18] =	ssyncset.done $0x0  }
0x5c: {  	s11 =	rddreg [dreg:$0x5];
	[sflag:s18] =	ssyncadd.s32 $0xFFFFC000  }
0x5d: {  	[tilespmem:s12], [sflag:$0x1] =	stream.indirect.gather [hbm4b:s4+s15], $0x80, s11, s15, $0xb8;
	[tilespmem:$0x1D000] =	vst v63  }
0x5e: {  	s9 =	rddreg [dreg:$0x6]  }
0x5f: {  	[spmem:s2] =	stream.indirect.scatter.add.f32 [tilespmem:s17], [sflag:$0x3], $0x80, s9, s15, $0xb8;
	[tilespmem:$0x1D000] =	vst v63  }
0x60: {  	_ =	swait.ge [sflag:s13], $0x4000  }
0x61: {  	[sflag:s13] =	ssyncset.done $0x0  }
0x62: {  	[sflag:s13] =	ssyncadd.s32 $0xFFFFC000  }
0x63: {  	_ =	swait.ge [sflag:s16], $0x4000  }
0x64: {  	[sflag:s16] =	ssyncset.done $0x0  }
0x65: {  	s11 =	rddreg [dreg:$0x7];
	[sflag:s16] =	ssyncadd.s32 $0xFFFFC000  }
0x66: {  	[tilespmem:s17], [sflag:$0x2] =	stream.indirect.gather [hbm4b:s4+s15], $0x80, s11, s15, $0xb8;
	[tilespmem:$0x1D000] =	vst v63  }
0x67: {  	s9 =	rddreg [dreg:$0x8]  }
0x68: {  	[spmem:s2] =	stream.indirect.scatter.add.f32 [tilespmem:s12], [sflag:$0x3], $0x80, s9, s15, $0xb8;
	[tilespmem:$0x1D000] =	vst v63  }
0x69: {  	_ =	swait.ge [sflag:s13], $0x4000  }
0x6a: {  	[sflag:s13] =	ssyncset.done $0x0  }
0x6b: {  	[sflag:s13] =	ssyncadd.s32 $0xFFFFC000  }
0x6c: {  	_ =	swait.ge [sflag:s18], $0x4000  }
0x6d: {  	[sflag:s18] =	ssyncset.done $0x0  }
0x6e: {  	s11 =	rddreg [dreg:$0x9];
	[sflag:s18] =	ssyncadd.s32 $0xFFFFC000  }
0x6f: {  	[tilespmem:s12], [sflag:$0x1] =	stream.indirect.gather [hbm4b:s4+s15], $0x80, s11, s15, $0xb8;
	[tilespmem:$0x1D000] =	vst v63  }
0x70: {  	s9 =	rddreg [dreg:$0xa]  }
0x71: {  	[spmem:s2] =	stream.indirect.scatter.add.f32 [tilespmem:s17], [sflag:$0x3], $0x80, s9, s15, $0xb8;
	[tilespmem:$0x1D000] =	vst v63  }
0x72: {  	_ =	swait.ge [sflag:s13], $0x4000  }
0x73: {  	[sflag:s13] =	ssyncset.done $0x0  }
0x74: {  	[sflag:s13] =	ssyncadd.s32 $0xFFFFC000  }
0x75: {  	_ =	swait.ge [sflag:s16], $0x4000  }
0x76: {  	[sflag:s16] =	ssyncset.done $0x0  }
0x77: {  	s11 =	rddreg [dreg:$0xb];
	[sflag:s16] =	ssyncadd.s32 $0xFFFFC000  }
0x78: {  	[tilespmem:s17], [sflag:$0x2] =	stream.indirect.gather [hbm4b:s4+s15], $0x80, s11, s15, $0xb8;
	[tilespmem:$0x1D000] =	vst v63  }
0x79: {  	s9 =	rddreg [dreg:$0xc]  }
0x7a: {  	[spmem:s2] =	stream.indirect.scatter.add.f32 [tilespmem:s12], [sflag:$0x3], $0x80, s9, s15, $0xb8;
	[tilespmem:$0x1D000] =	vst v63  }
0x7b: {  	_ =	swait.ge [sflag:s13], $0x4000  }
0x7c: {  	[sflag:s13] =	ssyncset.done $0x0  }
0x7d: {  	[sflag:s13] =	ssyncadd.s32 $0xFFFFC000  }
0x7e: {  	_ =	swait.ge [sflag:s18], $0x4000  }
0x7f: {  	[sflag:s18] =	ssyncset.done $0x0  }
0x80: {  	s11 =	rddreg [dreg:$0xd];
	[sflag:s18] =	ssyncadd.s32 $0xFFFFC000  }
0x81: {  	[tilespmem:s12], [sflag:$0x1] =	stream.indirect.gather [hbm4b:s4+s15], $0x80, s11, s15, $0xb8;
	[tilespmem:$0x1D000] =	vst v63  }
0x82: {  	s9 =	rddreg [dreg:$0xe]  }
0x83: {  	[spmem:s2] =	stream.indirect.scatter.add.f32 [tilespmem:s17], [sflag:$0x3], $0x80, s9, s15, $0xb8;
	[tilespmem:$0x1D000] =	vst v63  }
0x84: {  	_ =	swait.ge [sflag:s13], $0x4000  }
0x85: {  	[sflag:s13] =	ssyncset.done $0x0  }
0x86: {  	[sflag:s13] =	ssyncadd.s32 $0xFFFFC000  }
0x87: {  	_ =	swait.ge [sflag:s16], $0x4000  }
0x88: {  	[sflag:s16] =	ssyncset.done $0x0  }
0x89: {  	s10 =	rddreg [dreg:$0xf];
	[sflag:s16] =	ssyncadd.s32 $0xFFFFC000  }
0x8a: {  	[tilespmem:s17], [sflag:$0x2] =	stream.indirect.gather [hbm4b:s4+s15], $0x80, s10, s15, $0xb8;
	[tilespmem:$0x1D000] =	vst v63  }
0x8b: {  	s11 =	rddreg [dreg:$0x10]  }
0x8c: {  	[spmem:s2] =	stream.indirect.scatter.add.f32 [tilespmem:s12], [sflag:$0x3], $0x80, s11, s15, $0xb8;
	[tilespmem:$0x1D000] =	vst v63  }
0x8d: {  	_ =	swait.ge [sflag:s13], $0x4000  }
0x8e: {  	[sflag:s13] =	ssyncset.done $0x0  }
0x8f: {  	[sflag:s13] =	ssyncadd.s32 $0xFFFFC000  }
0x90: {  	_ =	swait.ge [sflag:s18], $0x4000  }
0x91: {  	[sflag:s18] =	ssyncset.done $0x0  }
0x92: {  	[sflag:s18] =	ssyncadd.s32 $0xFFFFC000  }
0x93: {  	[tilespmem:s12], [sflag:$0x1] =	stream.indirect.gather [hbm4b:s4+s15], $0x80, s19, s15, $0xb8;
	[tilespmem:$0x1D000] =	vst v63  }
0x94: {  	_ = 	snop  }
0x95: {  	[spmem:s2] =	stream.indirect.scatter.add.f32 [tilespmem:s17], [sflag:$0x3], $0x80, s20, s15, $0xb8;
	[tilespmem:$0x1D000] =	vst v63  }
0x96: {  	_ =	swait.ge [sflag:s13], $0x4000  }
0x97: {  	[sflag:s13] =	ssyncset.done $0x0  }
0x98: {  	[sflag:s13] =	ssyncadd.s32 $0xFFFFC000  }
0x99: {  	_ =	swait.ge [sflag:s16], $0x4000  }
0x9a: {  	[sflag:s16] =	ssyncset.done $0x0  }
0x9b: {  	[sflag:s16] =	ssyncadd.s32 $0xFFFFC000  }
0x9c: {  	[tilespmem:s17], [sflag:$0x2] =	stream.indirect.gather [hbm4b:s4+s15], $0x80, s21, s15, $0xb8;
	[tilespmem:$0x1D000] =	vst v63  }
0x9d: {  	_ = 	snop  }
0x9e: {  	[spmem:s2] =	stream.indirect.scatter.add.f32 [tilespmem:s12], [sflag:$0x3], $0x80, s22, s15, $0xb8;
	[tilespmem:$0x1D000] =	vst v63  }
0x9f: {  	_ =	swait.ge [sflag:s13], $0x4000  }
0xa0: {  	[sflag:s13] =	ssyncset.done $0x0  }
0xa1: {  	[sflag:s13] =	ssyncadd.s32 $0xFFFFC000  }
0xa2: {  	_ =	swait.ge [sflag:s18], $0x4000  }
0xa3: {  	[sflag:s18] =	ssyncset.done $0x0  }
0xa4: {  	[sflag:s18] =	ssyncadd.s32 $0xFFFFC000  }
0xa5: {  	[tilespmem:s12], [sflag:$0x1] =	stream.indirect.gather [hbm4b:s4+s15], $0x80, s23, s15, $0xb8;
	[tilespmem:$0x1D000] =	vst v63  }
0xa6: {  	_ = 	snop  }
0xa7: {  	[spmem:s2] =	stream.indirect.scatter.add.f32 [tilespmem:s17], [sflag:$0x3], $0x80, s24, s15, $0xb8;
	[tilespmem:$0x1D000] =	vst v63  }
0xa8: {  	_ =	swait.ge [sflag:s13], $0x4000  }
0xa9: {  	[sflag:s13] =	ssyncset.done $0x0  }
0xaa: {  	[sflag:s13] =	ssyncadd.s32 $0xFFFFC000  }
0xab: {  	_ =	swait.ge [sflag:s16], $0x4000  }
0xac: {  	[sflag:s16] =	ssyncset.done $0x0  }
0xad: {  	[sflag:s16] =	ssyncadd.s32 $0xFFFFC000  }
0xae: {  	[tilespmem:s17], [sflag:$0x2] =	stream.indirect.gather [hbm4b:s4+s15], $0x80, s25, s15, $0xb8;
	[tilespmem:$0x1D000] =	vst v63  }
0xaf: {  	_ = 	snop  }
0xb0: {  	[spmem:s2] =	stream.indirect.scatter.add.f32 [tilespmem:s12], [sflag:$0x3], $0x80, s26, s15, $0xb8;
	[tilespmem:$0x1D000] =	vst v63  }
0xb1: {  	_ =	swait.ge [sflag:s13], $0x4000  }
0xb2: {  	[sflag:s13] =	ssyncset.done $0x0  }
0xb3: {  	[sflag:s13] =	ssyncadd.s32 $0xFFFFC000  }
0xb4: {  	_ =	swait.ge [sflag:s18], $0x4000  }
0xb5: {  	[sflag:s18] =	ssyncset.done $0x0  }
0xb6: {  	[sflag:s18] =	ssyncadd.s32 $0xFFFFC000  }
0xb7: {  	[tilespmem:s12], [sflag:$0x1] =	stream.indirect.gather [hbm4b:s4+s15], $0x80, s28, s15, $0xb8;
	[tilespmem:$0x1D000] =	vst v63  }
0xb8: {  	_ = 	snop  }
0xb9: {  	[spmem:s2] =	stream.indirect.scatter.add.f32 [tilespmem:s17], [sflag:$0x3], $0x80, s29, s15, $0xb8;
	[tilespmem:$0x1D000] =	vst v63  }
0xba: {  	_ =	swait.ge [sflag:s13], $0x4000  }
0xbb: {  	[sflag:s13] =	ssyncset.done $0x0  }
0xbc: {  	[sflag:s13] =	ssyncadd.s32 $0xFFFFC000  }
0xbd: {  	_ =	swait.ge [sflag:s16], $0x4000  }
0xbe: {  	[sflag:s16] =	ssyncset.done $0x0  }
0xbf: {  	[sflag:s16] =	ssyncadd.s32 $0xFFFFC000  }
0xc0: {  	[tilespmem:s17], [sflag:$0x2] =	stream.indirect.gather [hbm4b:s4+s15], $0x80, s30, s15, $0xb8;
	[tilespmem:$0x1D000] =	vst v63  }
0xc1: {  	_ = 	snop  }
0xc2: {  	[spmem:s2] =	stream.indirect.scatter.add.f32 [tilespmem:s12], [sflag:$0x3], $0x80, s31, s15, $0xb8;
	[tilespmem:$0x1D000] =	vst v63  }
0xc3: {  	_ =	swait.ge [sflag:s13], $0x4000  }
0xc4: {  	[sflag:s13] =	ssyncset.done $0x0  }
0xc5: {  	[sflag:s13] =	ssyncadd.s32 $0xFFFFC000  }
0xc6: {  	_ =	swait.ge [sflag:s18], $0x4000  }
0xc7: {  	[sflag:s18] =	ssyncset.done $0x0  }
0xc8: {  	[sflag:s18] =	ssyncadd.s32 $0xFFFFC000  }
0xc9: {  	[tilespmem:s12], [sflag:$0x1] =	stream.indirect.gather [hbm4b:s4+s15], $0x80, s1, s15, $0xb8;
	[tilespmem:$0x1D000] =	vst v63  }
0xca: {  	_ = 	snop  }
0xcb: {  	[spmem:s2] =	stream.indirect.scatter.add.f32 [tilespmem:s17], [sflag:$0x3], $0x80, s0, s15, $0xb8;
	[tilespmem:$0x1D000] =	vst v63  }
0xcc: {  	_ =	swait.ge [sflag:s13], $0x4000  }
0xcd: {  	[sflag:s13] =	ssyncset.done $0x0  }
0xce: {  	[sflag:s13] =	ssyncadd.s32 $0xFFFFC000  }
0xcf: {  	_ =	swait.ge [sflag:s16], $0x4000  }
0xd0: {  	[sflag:s16] =	ssyncset.done $0x0  }
0xd1: {  	[sflag:s16] =	ssyncadd.s32 $0xFFFFC000  }
0xd2: {  	[tilespmem:s17], [sflag:$0x2] =	stream.indirect.gather [hbm4b:s4+s15], $0x80, s6, s15, $0xb8;
	[tilespmem:$0x1D000] =	vst v63  }
0xd3: {  	_ = 	snop  }
0xd4: {  	[spmem:s2] =	stream.indirect.scatter.add.f32 [tilespmem:s12], [sflag:$0x3], $0x80, s7, s15, $0xb8;
	[tilespmem:$0x1D000] =	vst v63  }
0xd5: {  	_ =	swait.ge [sflag:s13], $0x4000  }
0xd6: {  	[sflag:s13] =	ssyncset.done $0x0  }
0xd7: {  	[sflag:s13] =	ssyncadd.s32 $0xFFFFC000  }
0xd8: {  	_ =	swait.ge [sflag:s18], $0x4000  }
0xd9: {  	[sflag:s18] =	ssyncset.done $0x0  }
0xda: {  	[sflag:s18] =	ssyncadd.s32 $0xFFFFC000  }
0xdb: {  	[spmem:s2] =	stream.indirect.scatter.add.f32 [tilespmem:s17], [sflag:$0x3], $0x80, s8, s15, $0xb8;
	[tilespmem:$0x1D000] =	vst v63  }
0xdc: {  	s10 =	simm.s32 $0x100;
	_ =	swait.ge [sflag:s13], $0x4000  }
0xdd: {  	s11 =	simm.s32 $0x200;
	s5 =	rddreg [dreg:$0x4];
	[sflag:s13] =	ssyncset.done $0x0  }
.LBB2_4:
0xde: {  	[sflag:s13] =	ssyncadd.s32 $0xFFFFC000;
	s5 =	sadd.s32 s10, s5  }
0xdf: {  	[tilespmem:s3], [sflag:$0x3] =	stream.linear.gather [hbm4b:s5+s3], $0x800, $0x38;
	[tilespmem:$0x1D000] =	vst v63  }
0xe0: {  	_ =	swait.ge [sflag:s13], $0x800  }
0xe1: {  	s5 =	rddreg [dreg:$0x3];
	[sflag:s13] =	ssyncset.done $0x0  }
0xe2: {  	[sflag:s13] =	ssyncadd.s32 $0xFFFFF800;
	s5 =	sadd.s32 s10, s5  }
0xe3: {  	[tilespmem:s14], [sflag:$0x3] =	stream.linear.gather [hbm4b:s5+s3], $0x800, $0x38;
	[tilespmem:$0x1D000] =	vst v63  }
0xe4: {  	_ =	swait.ge [sflag:s13], $0x800  }
0xe5: {  	[sflag:s13] =	ssyncset.done $0x0  }
0xe6: {  	[sflag:s13] =	ssyncadd.s32 $0xFFFFF800  }
0xe7: {  	[tilespmem:s12], [sflag:$0x1] =	stream.indirect.gather [hbm4b:s4+s15], $0x80, s3, s15, $0xb8;
	[tilespmem:$0x1D000] =	vst v63  }
0xe8: {  	_ =	swait.ge [sflag:s16], $0x4000  }
0xe9: {  	[sflag:s16] =	ssyncset.done $0x0  }
0xea: {  	[sflag:s16] =	ssyncadd.s32 $0xFFFFC000  }
0xeb: {  	[tilespmem:s17], [sflag:$0x2] =	stream.indirect.gather [hbm4b:s4+s15], $0x80, s15, s15, $0xb8;
	[tilespmem:$0x1D000] =	vst v63  }
0xec: {  	_ = 	snop  }
0xed: {  	[spmem:s2] =	stream.indirect.scatter.add.f32 [tilespmem:s12], [sflag:$0x3], $0x80, s14, s15, $0xb8;
	[tilespmem:$0x1D000] =	vst v63  }
0xee: {  	_ =	swait.ge [sflag:s13], $0x4000  }
0xef: {  	[sflag:s13] =	ssyncset.done $0x0  }
0xf0: {  	[sflag:s13] =	ssyncadd.s32 $0xFFFFC000  }
0xf1: {  	_ =	swait.ge [sflag:s18], $0x4000  }
0xf2: {  	[sflag:s18] =	ssyncset.done $0x0  }
0xf3: {  	s9 =	smov.u32 s11;
	s5 =	rddreg [dreg:$0x5];
	[sflag:s18] =	ssyncadd.s32 $0xFFFFC000  }
0xf4: {  	[tilespmem:s12], [sflag:$0x1] =	stream.indirect.gather [hbm4b:s4+s15], $0x80, s5, s15, $0xb8;
	[tilespmem:$0x1D000] =	vst v63  }
0xf5: {  	s10 =	smov.u32 s9;
	s9 =	rddreg [dreg:$0x6]  }
0xf6: {  	[spmem:s2] =	stream.indirect.scatter.add.f32 [tilespmem:s17], [sflag:$0x3], $0x80, s9, s15, $0xb8;
	[tilespmem:$0x1D000] =	vst v63  }
0xf7: {  	_ =	swait.ge [sflag:s13], $0x4000  }
0xf8: {  	[sflag:s13] =	ssyncset.done $0x0  }
0xf9: {  	[sflag:s13] =	ssyncadd.s32 $0xFFFFC000  }
0xfa: {  	_ =	swait.ge [sflag:s16], $0x4000  }
0xfb: {  	[sflag:s16] =	ssyncset.done $0x0  }
0xfc: {  	s5 =	rddreg [dreg:$0x7];
	[sflag:s16] =	ssyncadd.s32 $0xFFFFC000  }
0xfd: {  	[tilespmem:s17], [sflag:$0x2] =	stream.indirect.gather [hbm4b:s4+s15], $0x80, s5, s15, $0xb8;
	[tilespmem:$0x1D000] =	vst v63  }
0xfe: {  	s9 =	rddreg [dreg:$0x8]  }
0xff: {  	[spmem:s2] =	stream.indirect.scatter.add.f32 [tilespmem:s12], [sflag:$0x3], $0x80, s9, s15, $0xb8;
	[tilespmem:$0x1D000] =	vst v63  }
0x100: {  	_ =	swait.ge [sflag:s13], $0x4000  }
0x101: {  	[sflag:s13] =	ssyncset.done $0x0  }
0x102: {  	[sflag:s13] =	ssyncadd.s32 $0xFFFFC000  }
0x103: {  	_ =	swait.ge [sflag:s18], $0x4000  }
0x104: {  	[sflag:s18] =	ssyncset.done $0x0  }
0x105: {  	s5 =	rddreg [dreg:$0x9];
	[sflag:s18] =	ssyncadd.s32 $0xFFFFC000  }
0x106: {  	[tilespmem:s12], [sflag:$0x1] =	stream.indirect.gather [hbm4b:s4+s15], $0x80, s5, s15, $0xb8;
	[tilespmem:$0x1D000] =	vst v63  }
0x107: {  	s9 =	rddreg [dreg:$0xa]  }
0x108: {  	[spmem:s2] =	stream.indirect.scatter.add.f32 [tilespmem:s17], [sflag:$0x3], $0x80, s9, s15, $0xb8;
	[tilespmem:$0x1D000] =	vst v63  }
0x109: {  	_ =	swait.ge [sflag:s13], $0x4000  }
0x10a: {  	[sflag:s13] =	ssyncset.done $0x0  }
0x10b: {  	[sflag:s13] =	ssyncadd.s32 $0xFFFFC000  }
0x10c: {  	_ =	swait.ge [sflag:s16], $0x4000  }
0x10d: {  	[sflag:s16] =	ssyncset.done $0x0  }
0x10e: {  	s5 =	rddreg [dreg:$0xb];
	[sflag:s16] =	ssyncadd.s32 $0xFFFFC000  }
0x10f: {  	[tilespmem:s17], [sflag:$0x2] =	stream.indirect.gather [hbm4b:s4+s15], $0x80, s5, s15, $0xb8;
	[tilespmem:$0x1D000] =	vst v63  }
0x110: {  	s9 =	rddreg [dreg:$0xc]  }
0x111: {  	[spmem:s2] =	stream.indirect.scatter.add.f32 [tilespmem:s12], [sflag:$0x3], $0x80, s9, s15, $0xb8;
	[tilespmem:$0x1D000] =	vst v63  }
0x112: {  	_ =	swait.ge [sflag:s13], $0x4000  }
0x113: {  	[sflag:s13] =	ssyncset.done $0x0  }
0x114: {  	[sflag:s13] =	ssyncadd.s32 $0xFFFFC000  }
0x115: {  	_ =	swait.ge [sflag:s18], $0x4000  }
0x116: {  	[sflag:s18] =	ssyncset.done $0x0  }
0x117: {  	s5 =	rddreg [dreg:$0xd];
	[sflag:s18] =	ssyncadd.s32 $0xFFFFC000  }
0x118: {  	[tilespmem:s12], [sflag:$0x1] =	stream.indirect.gather [hbm4b:s4+s15], $0x80, s5, s15, $0xb8;
	[tilespmem:$0x1D000] =	vst v63  }
0x119: {  	s9 =	rddreg [dreg:$0xe]  }
0x11a: {  	[spmem:s2] =	stream.indirect.scatter.add.f32 [tilespmem:s17], [sflag:$0x3], $0x80, s9, s15, $0xb8;
	[tilespmem:$0x1D000] =	vst v63  }
0x11b: {  	_ =	swait.ge [sflag:s13], $0x4000  }
0x11c: {  	[sflag:s13] =	ssyncset.done $0x0  }
0x11d: {  	[sflag:s13] =	ssyncadd.s32 $0xFFFFC000  }
0x11e: {  	_ =	swait.ge [sflag:s16], $0x4000  }
0x11f: {  	[sflag:s16] =	ssyncset.done $0x0  }
0x120: {  	s5 =	rddreg [dreg:$0xf];
	[sflag:s16] =	ssyncadd.s32 $0xFFFFC000  }
0x121: {  	[tilespmem:s17], [sflag:$0x2] =	stream.indirect.gather [hbm4b:s4+s15], $0x80, s5, s15, $0xb8;
	[tilespmem:$0x1D000] =	vst v63  }
0x122: {  	s9 =	rddreg [dreg:$0x10]  }
0x123: {  	[spmem:s2] =	stream.indirect.scatter.add.f32 [tilespmem:s12], [sflag:$0x3], $0x80, s9, s15, $0xb8;
	[tilespmem:$0x1D000] =	vst v63  }
0x124: {  	_ =	swait.ge [sflag:s13], $0x4000  }
0x125: {  	[sflag:s13] =	ssyncset.done $0x0  }
0x126: {  	[sflag:s13] =	ssyncadd.s32 $0xFFFFC000  }
0x127: {  	_ =	swait.ge [sflag:s18], $0x4000  }
0x128: {  	[sflag:s18] =	ssyncset.done $0x0  }
0x129: {  	[sflag:s18] =	ssyncadd.s32 $0xFFFFC000  }
0x12a: {  	[tilespmem:s12], [sflag:$0x1] =	stream.indirect.gather [hbm4b:s4+s15], $0x80, s19, s15, $0xb8;
	[tilespmem:$0x1D000] =	vst v63  }
0x12b: {  	_ = 	snop  }
0x12c: {  	[spmem:s2] =	stream.indirect.scatter.add.f32 [tilespmem:s17], [sflag:$0x3], $0x80, s20, s15, $0xb8;
	[tilespmem:$0x1D000] =	vst v63  }
0x12d: {  	_ =	swait.ge [sflag:s13], $0x4000  }
0x12e: {  	[sflag:s13] =	ssyncset.done $0x0  }
0x12f: {  	[sflag:s13] =	ssyncadd.s32 $0xFFFFC000  }
0x130: {  	_ =	swait.ge [sflag:s16], $0x4000  }
0x131: {  	[sflag:s16] =	ssyncset.done $0x0  }
0x132: {  	[sflag:s16] =	ssyncadd.s32 $0xFFFFC000  }
0x133: {  	[tilespmem:s17], [sflag:$0x2] =	stream.indirect.gather [hbm4b:s4+s15], $0x80, s21, s15, $0xb8;
	[tilespmem:$0x1D000] =	vst v63  }
0x134: {  	_ = 	snop  }
0x135: {  	[spmem:s2] =	stream.indirect.scatter.add.f32 [tilespmem:s12], [sflag:$0x3], $0x80, s22, s15, $0xb8;
	[tilespmem:$0x1D000] =	vst v63  }
0x136: {  	_ =	swait.ge [sflag:s13], $0x4000  }
0x137: {  	[sflag:s13] =	ssyncset.done $0x0  }
0x138: {  	[sflag:s13] =	ssyncadd.s32 $0xFFFFC000  }
0x139: {  	_ =	swait.ge [sflag:s18], $0x4000  }
0x13a: {  	[sflag:s18] =	ssyncset.done $0x0  }
0x13b: {  	[sflag:s18] =	ssyncadd.s32 $0xFFFFC000  }
0x13c: {  	[tilespmem:s12], [sflag:$0x1] =	stream.indirect.gather [hbm4b:s4+s15], $0x80, s23, s15, $0xb8;
	[tilespmem:$0x1D000] =	vst v63  }
0x13d: {  	_ = 	snop  }
0x13e: {  	[spmem:s2] =	stream.indirect.scatter.add.f32 [tilespmem:s17], [sflag:$0x3], $0x80, s24, s15, $0xb8;
	[tilespmem:$0x1D000] =	vst v63  }
0x13f: {  	_ =	swait.ge [sflag:s13], $0x4000  }
0x140: {  	[sflag:s13] =	ssyncset.done $0x0  }
0x141: {  	[sflag:s13] =	ssyncadd.s32 $0xFFFFC000  }
0x142: {  	_ =	swait.ge [sflag:s16], $0x4000  }
0x143: {  	[sflag:s16] =	ssyncset.done $0x0  }
0x144: {  	[sflag:s16] =	ssyncadd.s32 $0xFFFFC000  }
0x145: {  	[tilespmem:s17], [sflag:$0x2] =	stream.indirect.gather [hbm4b:s4+s15], $0x80, s25, s15, $0xb8;
	[tilespmem:$0x1D000] =	vst v63  }
0x146: {  	_ = 	snop  }
0x147: {  	[spmem:s2] =	stream.indirect.scatter.add.f32 [tilespmem:s12], [sflag:$0x3], $0x80, s26, s15, $0xb8;
	[tilespmem:$0x1D000] =	vst v63  }
0x148: {  	_ =	swait.ge [sflag:s13], $0x4000  }
0x149: {  	[sflag:s13] =	ssyncset.done $0x0  }
0x14a: {  	[sflag:s13] =	ssyncadd.s32 $0xFFFFC000  }
0x14b: {  	_ =	swait.ge [sflag:s18], $0x4000  }
0x14c: {  	[sflag:s18] =	ssyncset.done $0x0  }
0x14d: {  	[sflag:s18] =	ssyncadd.s32 $0xFFFFC000  }
0x14e: {  	[tilespmem:s12], [sflag:$0x1] =	stream.indirect.gather [hbm4b:s4+s15], $0x80, s28, s15, $0xb8;
	[tilespmem:$0x1D000] =	vst v63  }
0x14f: {  	_ = 	snop  }
0x150: {  	[spmem:s2] =	stream.indirect.scatter.add.f32 [tilespmem:s17], [sflag:$0x3], $0x80, s29, s15, $0xb8;
	[tilespmem:$0x1D000] =	vst v63  }
0x151: {  	_ =	swait.ge [sflag:s13], $0x4000  }
0x152: {  	[sflag:s13] =	ssyncset.done $0x0  }
0x153: {  	[sflag:s13] =	ssyncadd.s32 $0xFFFFC000  }
0x154: {  	_ =	swait.ge [sflag:s16], $0x4000  }
0x155: {  	[sflag:s16] =	ssyncset.done $0x0  }
0x156: {  	[sflag:s16] =	ssyncadd.s32 $0xFFFFC000  }
0x157: {  	[tilespmem:s17], [sflag:$0x2] =	stream.indirect.gather [hbm4b:s4+s15], $0x80, s30, s15, $0xb8;
	[tilespmem:$0x1D000] =	vst v63  }
0x158: {  	_ = 	snop  }
0x159: {  	[spmem:s2] =	stream.indirect.scatter.add.f32 [tilespmem:s12], [sflag:$0x3], $0x80, s31, s15, $0xb8;
	[tilespmem:$0x1D000] =	vst v63  }
0x15a: {  	_ =	swait.ge [sflag:s13], $0x4000  }
0x15b: {  	[sflag:s13] =	ssyncset.done $0x0  }
0x15c: {  	[sflag:s13] =	ssyncadd.s32 $0xFFFFC000  }
0x15d: {  	_ =	swait.ge [sflag:s18], $0x4000  }
0x15e: {  	[sflag:s18] =	ssyncset.done $0x0  }
0x15f: {  	[sflag:s18] =	ssyncadd.s32 $0xFFFFC000  }
0x160: {  	[tilespmem:s12], [sflag:$0x1] =	stream.indirect.gather [hbm4b:s4+s15], $0x80, s1, s15, $0xb8;
	[tilespmem:$0x1D000] =	vst v63  }
0x161: {  	_ = 	snop  }
0x162: {  	[spmem:s2] =	stream.indirect.scatter.add.f32 [tilespmem:s17], [sflag:$0x3], $0x80, s0, s15, $0xb8;
	[tilespmem:$0x1D000] =	vst v63  }
0x163: {  	_ =	swait.ge [sflag:s13], $0x4000  }
0x164: {  	[sflag:s13] =	ssyncset.done $0x0  }
0x165: {  	[sflag:s13] =	ssyncadd.s32 $0xFFFFC000  }
0x166: {  	_ =	swait.ge [sflag:s16], $0x4000  }
0x167: {  	[sflag:s16] =	ssyncset.done $0x0  }
0x168: {  	[sflag:s16] =	ssyncadd.s32 $0xFFFFC000  }
0x169: {  	[tilespmem:s17], [sflag:$0x2] =	stream.indirect.gather [hbm4b:s4+s15], $0x80, s6, s15, $0xb8;
	[tilespmem:$0x1D000] =	vst v63  }
0x16a: {  	_ = 	snop  }
0x16b: {  	[spmem:s2] =	stream.indirect.scatter.add.f32 [tilespmem:s12], [sflag:$0x3], $0x80, s7, s15, $0xb8;
	[tilespmem:$0x1D000] =	vst v63  }
0x16c: {  	_ =	swait.ge [sflag:s13], $0x4000  }
0x16d: {  	[sflag:s13] =	ssyncset.done $0x0  }
0x16e: {  	[sflag:s13] =	ssyncadd.s32 $0xFFFFC000  }
0x16f: {  	p0 =	sne.s32 s11, $0x400;
	_ =	swait.ge [sflag:s18], $0x4000  }
.Ltmp1:
0x170: {  	[sflag:s18] =	ssyncset.done $0x0;
	(pc) =	sbr.rel @p0 .LBB2_4-.Ltmp1, $4  }
0x171: {  	[sflag:s18] =	ssyncadd.s32 $0xFFFFC000  }
0x172: {  	[spmem:s2] =	stream.indirect.scatter.add.f32 [tilespmem:s17], [sflag:$0x3], $0x80, s8, s15, $0xb8;
	[tilespmem:$0x1D000] =	vst v63  }
0x173: {  	_ =	swait.ge [sflag:s13], $0x4000  }
0x174: {  	s11 =	sadd.s32 $0x100, s11;
	s5 =	rddreg [dreg:$0x4];
	[sflag:s13] =	ssyncset.done $0x0  }
0x175: {  	[sflag:s13] =	ssyncadd.s32 $0xFFFFC000;
	s5 =	sadd.s32 s10, s5  }
0x176: {  	[tilespmem:s3], [sflag:$0x3] =	stream.linear.gather [hbm4b:s5+s3], $0x800, $0x38;
	[tilespmem:$0x1D000] =	vst v63  }
0x177: {  	_ =	swait.ge [sflag:s13], $0x800  }
0x178: {  	s9 =	rddreg [dreg:$0x3];
	[sflag:s13] =	ssyncset.done $0x0  }
0x179: {  	[sflag:s13] =	ssyncadd.s32 $0xFFFFF800;
	s5 =	sadd.s32 s10, s9  }
0x17a: {  	[tilespmem:s14], [sflag:$0x3] =	stream.linear.gather [hbm4b:s5+s3], $0x800, $0x38;
	[tilespmem:$0x1D000] =	vst v63  }
0x17b: {  	_ =	swait.ge [sflag:s13], $0x800  }
0x17c: {  	[sflag:s13] =	ssyncset.done $0x0  }
0x17d: {  	[sflag:s13] =	ssyncadd.s32 $0xFFFFF800  }
0x17e: {  	[tilespmem:s12], [sflag:$0x1] =	stream.indirect.gather [hbm4b:s4+s15], $0x80, s3, s15, $0xb8;
	[tilespmem:$0x1D000] =	vst v63  }
0x17f: {  	_ =	swait.ge [sflag:s16], $0x4000  }
0x180: {  	[sflag:s16] =	ssyncset.done $0x0  }
0x181: {  	[sflag:s16] =	ssyncadd.s32 $0xFFFFC000  }
0x182: {  	[tilespmem:s17], [sflag:$0x2] =	stream.indirect.gather [hbm4b:s4+s15], $0x80, s15, s15, $0xb8;
	[tilespmem:$0x1D000] =	vst v63  }
0x183: {  	_ = 	snop  }
0x184: {  	[spmem:s2] =	stream.indirect.scatter.add.f32 [tilespmem:s12], [sflag:$0x3], $0x80, s14, s15, $0xb8;
	[tilespmem:$0x1D000] =	vst v63  }
0x185: {  	_ =	swait.ge [sflag:s13], $0x4000  }
0x186: {  	[sflag:s13] =	ssyncset.done $0x0  }
0x187: {  	[sflag:s13] =	ssyncadd.s32 $0xFFFFC000  }
0x188: {  	_ =	swait.ge [sflag:s18], $0x4000  }
0x189: {  	[sflag:s18] =	ssyncset.done $0x0  }
0x18a: {  	s11 =	rddreg [dreg:$0x5];
	[sflag:s18] =	ssyncadd.s32 $0xFFFFC000  }
0x18b: {  	[tilespmem:s12], [sflag:$0x1] =	stream.indirect.gather [hbm4b:s4+s15], $0x80, s11, s15, $0xb8;
	[tilespmem:$0x1D000] =	vst v63  }
0x18c: {  	s9 =	rddreg [dreg:$0x6]  }
0x18d: {  	[spmem:s2] =	stream.indirect.scatter.add.f32 [tilespmem:s17], [sflag:$0x3], $0x80, s9, s15, $0xb8;
	[tilespmem:$0x1D000] =	vst v63  }
0x18e: {  	_ =	swait.ge [sflag:s13], $0x4000  }
0x18f: {  	[sflag:s13] =	ssyncset.done $0x0  }
0x190: {  	[sflag:s13] =	ssyncadd.s32 $0xFFFFC000  }
0x191: {  	_ =	swait.ge [sflag:s16], $0x4000  }
0x192: {  	[sflag:s16] =	ssyncset.done $0x0  }
0x193: {  	s10 =	rddreg [dreg:$0x7];
	[sflag:s16] =	ssyncadd.s32 $0xFFFFC000  }
0x194: {  	[tilespmem:s17], [sflag:$0x2] =	stream.indirect.gather [hbm4b:s4+s15], $0x80, s10, s15, $0xb8;
	[tilespmem:$0x1D000] =	vst v63  }
0x195: {  	s11 =	rddreg [dreg:$0x8]  }
0x196: {  	[spmem:s2] =	stream.indirect.scatter.add.f32 [tilespmem:s12], [sflag:$0x3], $0x80, s11, s15, $0xb8;
	[tilespmem:$0x1D000] =	vst v63  }
0x197: {  	_ =	swait.ge [sflag:s13], $0x4000  }
0x198: {  	[sflag:s13] =	ssyncset.done $0x0  }
0x199: {  	[sflag:s13] =	ssyncadd.s32 $0xFFFFC000  }
0x19a: {  	_ =	swait.ge [sflag:s18], $0x4000  }
0x19b: {  	[sflag:s18] =	ssyncset.done $0x0  }
0x19c: {  	s10 =	rddreg [dreg:$0x9];
	[sflag:s18] =	ssyncadd.s32 $0xFFFFC000  }
0x19d: {  	[tilespmem:s12], [sflag:$0x1] =	stream.indirect.gather [hbm4b:s4+s15], $0x80, s10, s15, $0xb8;
	[tilespmem:$0x1D000] =	vst v63  }
0x19e: {  	s11 =	rddreg [dreg:$0xa]  }
0x19f: {  	[spmem:s2] =	stream.indirect.scatter.add.f32 [tilespmem:s17], [sflag:$0x3], $0x80, s11, s15, $0xb8;
	[tilespmem:$0x1D000] =	vst v63  }
0x1a0: {  	_ =	swait.ge [sflag:s13], $0x4000  }
0x1a1: {  	[sflag:s13] =	ssyncset.done $0x0  }
0x1a2: {  	[sflag:s13] =	ssyncadd.s32 $0xFFFFC000  }
0x1a3: {  	_ =	swait.ge [sflag:s16], $0x4000  }
0x1a4: {  	[sflag:s16] =	ssyncset.done $0x0  }
0x1a5: {  	s10 =	rddreg [dreg:$0xb];
	[sflag:s16] =	ssyncadd.s32 $0xFFFFC000  }
0x1a6: {  	[tilespmem:s17], [sflag:$0x2] =	stream.indirect.gather [hbm4b:s4+s15], $0x80, s10, s15, $0xb8;
	[tilespmem:$0x1D000] =	vst v63  }
0x1a7: {  	s11 =	rddreg [dreg:$0xc]  }
0x1a8: {  	[spmem:s2] =	stream.indirect.scatter.add.f32 [tilespmem:s12], [sflag:$0x3], $0x80, s11, s15, $0xb8;
	[tilespmem:$0x1D000] =	vst v63  }
0x1a9: {  	_ =	swait.ge [sflag:s13], $0x4000  }
0x1aa: {  	[sflag:s13] =	ssyncset.done $0x0  }
0x1ab: {  	[sflag:s13] =	ssyncadd.s32 $0xFFFFC000  }
0x1ac: {  	_ =	swait.ge [sflag:s18], $0x4000  }
0x1ad: {  	[sflag:s18] =	ssyncset.done $0x0  }
0x1ae: {  	s10 =	rddreg [dreg:$0xd];
	[sflag:s18] =	ssyncadd.s32 $0xFFFFC000  }
0x1af: {  	[tilespmem:s12], [sflag:$0x1] =	stream.indirect.gather [hbm4b:s4+s15], $0x80, s10, s15, $0xb8;
	[tilespmem:$0x1D000] =	vst v63  }
0x1b0: {  	s11 =	rddreg [dreg:$0xe]  }
0x1b1: {  	[spmem:s2] =	stream.indirect.scatter.add.f32 [tilespmem:s17], [sflag:$0x3], $0x80, s11, s15, $0xb8;
	[tilespmem:$0x1D000] =	vst v63  }
0x1b2: {  	_ =	swait.ge [sflag:s13], $0x4000  }
0x1b3: {  	[sflag:s13] =	ssyncset.done $0x0  }
0x1b4: {  	[sflag:s13] =	ssyncadd.s32 $0xFFFFC000  }
0x1b5: {  	_ =	swait.ge [sflag:s16], $0x4000  }
0x1b6: {  	[sflag:s16] =	ssyncset.done $0x0  }
0x1b7: {  	s10 =	rddreg [dreg:$0xf];
	[sflag:s16] =	ssyncadd.s32 $0xFFFFC000  }
0x1b8: {  	[tilespmem:s17], [sflag:$0x2] =	stream.indirect.gather [hbm4b:s4+s15], $0x80, s10, s15, $0xb8;
	[tilespmem:$0x1D000] =	vst v63  }
0x1b9: {  	s11 =	rddreg [dreg:$0x10]  }
0x1ba: {  	[spmem:s2] =	stream.indirect.scatter.add.f32 [tilespmem:s12], [sflag:$0x3], $0x80, s11, s15, $0xb8;
	[tilespmem:$0x1D000] =	vst v63  }
0x1bb: {  	_ =	swait.ge [sflag:s13], $0x4000  }
0x1bc: {  	[sflag:s13] =	ssyncset.done $0x0  }
0x1bd: {  	[sflag:s13] =	ssyncadd.s32 $0xFFFFC000  }
0x1be: {  	_ =	swait.ge [sflag:s18], $0x4000  }
0x1bf: {  	[sflag:s18] =	ssyncset.done $0x0  }
0x1c0: {  	[sflag:s18] =	ssyncadd.s32 $0xFFFFC000  }
0x1c1: {  	[tilespmem:s12], [sflag:$0x1] =	stream.indirect.gather [hbm4b:s4+s15], $0x80, s19, s15, $0xb8;
	[tilespmem:$0x1D000] =	vst v63  }
0x1c2: {  	_ = 	snop  }
0x1c3: {  	[spmem:s2] =	stream.indirect.scatter.add.f32 [tilespmem:s17], [sflag:$0x3], $0x80, s20, s15, $0xb8;
	[tilespmem:$0x1D000] =	vst v63  }
0x1c4: {  	_ =	swait.ge [sflag:s13], $0x4000  }
0x1c5: {  	[sflag:s13] =	ssyncset.done $0x0  }
0x1c6: {  	[sflag:s13] =	ssyncadd.s32 $0xFFFFC000  }
0x1c7: {  	_ =	swait.ge [sflag:s16], $0x4000  }
0x1c8: {  	[sflag:s16] =	ssyncset.done $0x0  }
0x1c9: {  	[sflag:s16] =	ssyncadd.s32 $0xFFFFC000  }
0x1ca: {  	[tilespmem:s17], [sflag:$0x2] =	stream.indirect.gather [hbm4b:s4+s15], $0x80, s21, s15, $0xb8;
	[tilespmem:$0x1D000] =	vst v63  }
0x1cb: {  	_ = 	snop  }
0x1cc: {  	[spmem:s2] =	stream.indirect.scatter.add.f32 [tilespmem:s12], [sflag:$0x3], $0x80, s22, s15, $0xb8;
	[tilespmem:$0x1D000] =	vst v63  }
0x1cd: {  	_ =	swait.ge [sflag:s13], $0x4000  }
0x1ce: {  	[sflag:s13] =	ssyncset.done $0x0  }
0x1cf: {  	[sflag:s13] =	ssyncadd.s32 $0xFFFFC000  }
0x1d0: {  	_ =	swait.ge [sflag:s18], $0x4000  }
0x1d1: {  	[sflag:s18] =	ssyncset.done $0x0  }
0x1d2: {  	[sflag:s18] =	ssyncadd.s32 $0xFFFFC000  }
0x1d3: {  	[tilespmem:s12], [sflag:$0x1] =	stream.indirect.gather [hbm4b:s4+s15], $0x80, s23, s15, $0xb8;
	[tilespmem:$0x1D000] =	vst v63  }
0x1d4: {  	_ = 	snop  }
0x1d5: {  	[spmem:s2] =	stream.indirect.scatter.add.f32 [tilespmem:s17], [sflag:$0x3], $0x80, s24, s15, $0xb8;
	[tilespmem:$0x1D000] =	vst v63  }
0x1d6: {  	_ =	swait.ge [sflag:s13], $0x4000  }
0x1d7: {  	[sflag:s13] =	ssyncset.done $0x0  }
0x1d8: {  	[sflag:s13] =	ssyncadd.s32 $0xFFFFC000  }
0x1d9: {  	_ =	swait.ge [sflag:s16], $0x4000  }
0x1da: {  	[sflag:s16] =	ssyncset.done $0x0  }
0x1db: {  	[sflag:s16] =	ssyncadd.s32 $0xFFFFC000  }
0x1dc: {  	[tilespmem:s17], [sflag:$0x2] =	stream.indirect.gather [hbm4b:s4+s15], $0x80, s25, s15, $0xb8;
	[tilespmem:$0x1D000] =	vst v63  }
0x1dd: {  	_ = 	snop  }
0x1de: {  	[spmem:s2] =	stream.indirect.scatter.add.f32 [tilespmem:s12], [sflag:$0x3], $0x80, s26, s15, $0xb8;
	[tilespmem:$0x1D000] =	vst v63  }
0x1df: {  	_ =	swait.ge [sflag:s13], $0x4000  }
0x1e0: {  	[sflag:s13] =	ssyncset.done $0x0  }
0x1e1: {  	[sflag:s13] =	ssyncadd.s32 $0xFFFFC000  }
0x1e2: {  	_ =	swait.ge [sflag:s18], $0x4000  }
0x1e3: {  	[sflag:s18] =	ssyncset.done $0x0  }
0x1e4: {  	[sflag:s18] =	ssyncadd.s32 $0xFFFFC000  }
0x1e5: {  	[tilespmem:s12], [sflag:$0x1] =	stream.indirect.gather [hbm4b:s4+s15], $0x80, s28, s15, $0xb8;
	[tilespmem:$0x1D000] =	vst v63  }
0x1e6: {  	_ = 	snop  }
0x1e7: {  	[spmem:s2] =	stream.indirect.scatter.add.f32 [tilespmem:s17], [sflag:$0x3], $0x80, s29, s15, $0xb8;
	[tilespmem:$0x1D000] =	vst v63  }
0x1e8: {  	_ =	swait.ge [sflag:s13], $0x4000  }
0x1e9: {  	[sflag:s13] =	ssyncset.done $0x0  }
0x1ea: {  	[sflag:s13] =	ssyncadd.s32 $0xFFFFC000  }
0x1eb: {  	_ =	swait.ge [sflag:s16], $0x4000  }
0x1ec: {  	[sflag:s16] =	ssyncset.done $0x0  }
0x1ed: {  	[sflag:s16] =	ssyncadd.s32 $0xFFFFC000  }
0x1ee: {  	[tilespmem:s17], [sflag:$0x2] =	stream.indirect.gather [hbm4b:s4+s15], $0x80, s30, s15, $0xb8;
	[tilespmem:$0x1D000] =	vst v63  }
0x1ef: {  	_ = 	snop  }
0x1f0: {  	[spmem:s2] =	stream.indirect.scatter.add.f32 [tilespmem:s12], [sflag:$0x3], $0x80, s31, s15, $0xb8;
	[tilespmem:$0x1D000] =	vst v63  }
0x1f1: {  	_ =	swait.ge [sflag:s13], $0x4000  }
0x1f2: {  	[sflag:s13] =	ssyncset.done $0x0  }
0x1f3: {  	[sflag:s13] =	ssyncadd.s32 $0xFFFFC000  }
0x1f4: {  	_ =	swait.ge [sflag:s18], $0x4000  }
0x1f5: {  	[sflag:s18] =	ssyncset.done $0x0  }
0x1f6: {  	[sflag:s18] =	ssyncadd.s32 $0xFFFFC000  }
0x1f7: {  	[tilespmem:s12], [sflag:$0x1] =	stream.indirect.gather [hbm4b:s4+s15], $0x80, s1, s15, $0xb8;
	[tilespmem:$0x1D000] =	vst v63  }
0x1f8: {  	_ = 	snop  }
0x1f9: {  	[spmem:s2] =	stream.indirect.scatter.add.f32 [tilespmem:s17], [sflag:$0x3], $0x80, s0, s15, $0xb8;
	[tilespmem:$0x1D000] =	vst v63  }
0x1fa: {  	_ =	swait.ge [sflag:s13], $0x4000  }
0x1fb: {  	[sflag:s13] =	ssyncset.done $0x0  }
0x1fc: {  	[sflag:s13] =	ssyncadd.s32 $0xFFFFC000  }
0x1fd: {  	_ =	swait.ge [sflag:s16], $0x4000  }
0x1fe: {  	[sflag:s16] =	ssyncset.done $0x0  }
0x1ff: {  	[sflag:s16] =	ssyncadd.s32 $0xFFFFC000  }
0x200: {  	[tilespmem:s17], [sflag:$0x2] =	stream.indirect.gather [hbm4b:s4+s15], $0x80, s6, s15, $0xb8;
	[tilespmem:$0x1D000] =	vst v63  }
0x201: {  	_ = 	snop  }
0x202: {  	[spmem:s2] =	stream.indirect.scatter.add.f32 [tilespmem:s12], [sflag:$0x3], $0x80, s7, s15, $0xb8;
	[tilespmem:$0x1D000] =	vst v63  }
0x203: {  	_ =	swait.ge [sflag:s13], $0x4000  }
0x204: {  	[sflag:s13] =	ssyncset.done $0x0  }
0x205: {  	[sflag:s13] =	ssyncadd.s32 $0xFFFFC000  }
0x206: {  	_ =	swait.ge [sflag:s18], $0x4000  }
0x207: {  	[sflag:s18] =	ssyncset.done $0x0  }
0x208: {  	[sflag:s18] =	ssyncadd.s32 $0xFFFFC000  }
0x209: {  	[spmem:s2] =	stream.indirect.scatter.add.f32 [tilespmem:s17], [sflag:$0x3], $0x80, s8, s15, $0xb8;
	[tilespmem:$0x1D000] =	vst v63  }
0x20a: {  	_ =	swait.ge [sflag:s13], $0x4000  }
0x20b: {  	[sflag:s13] =	ssyncset.done $0x0  }
0x20c: {  	[sflag:s13] =	ssyncadd.s32 $0xFFFFC000  }
0x20d: {  	s9 =	stileid.u32;
	[bflag:$0x0] =	sbarrier.arrive $0xFFFF  }
0x20e: {  	s5 =	sshll.u32 s9, $0x6;
	s10 =	rddreg [dreg:$0x11]  }
0x20f: {  	s5 =	sor.u32 $0x1C03, s5;
	s11 =	rddreg [dreg:$0x16];
	s9 =	sshrl.u32 s10, $0x3  }
0x210: {  	[hbm:s11], [sflag:s5] =	dma.local [spmem:s9], $0x2800  }
0x211: {  	_ =	swait.ge [sflag:s13], $0x2800  }
0x212: {  	s10 =	rddreg [dreg:$0x18]  }
0x213: {  	s11 =	rddreg [dreg:$0x17];
	s9 =	sadd.s32 $0x1, s10  }
0x214: {  	p0 =	sne.s32 s9, s11  }
.Ltmp2:
0x215: {  	_ = 	snop;
	(pc) =	sbr.rel @p0 .LBB2_1-.Ltmp2, $3  }
0x216: {  	_ =	sdelay $0x1  }
0x217: {  	[sflag:s13] =	ssyncset.done $0x0  }
0x218: {  	[sflag:s13] =	ssyncadd.s32 $0xFFFFD800  }
0x219: {  	_ =	sfence.sel $0x180000  }
0x21a: {  	[bflag:$0x0] =	sbarrier.arrive $0xFFFF  }
0x21b: {  	_ =	strace $0x9000004D  }
0x21c: {  	s0 =	stileid.u32;
	[bflag:$0x2] =	sbarrier.arrive $0xFFFF  }
0x21d: {  	p0 =	sne.s32 s0, $0x0;
	s0 =	rddreg [dreg:$0x2]  }
0x21e: {  	s0 =	sadd.s32 @!p0 $0x100000, s0  }
0x21f: {  	[sflag:s0] =	ssyncadd.tile.s32 @!p0 $0x1;
	_ =	shalt  }
.Lfunc_end2:
_tile_overlayer_lowered:
.L_overlay_start_2:
0x220: {  	(tag) =	ssettag $0x2  }
0x221: {  	s0 =	rddreg [dreg:$0x0];
	s2 =	stileid.u32  }
0x222: {  	s1 =	rddreg [dreg:$0x1];
	p0 =	sne.s32 s2, $0x0  }
0x223: {  	s3 =	rddreg [dreg:$0x2];
	[bflag:$0x3] =	sbarrier.arrive $0xFFFF;
	s2 =	simm.s32 @!p0 $0x1C03  }
0x224: {  	[timem:s3], [sflag:s2] =	dma.local @!p0 [hbm:s0], s1  }
0x225: {  	s0 =	simm.s32 @!p0 $0x3  }
0x226: {  	_ =	swait.ge @!p0 [sflag:s0], s1  }
0x227: {  	s1 =	ssub.s32 @!p0 $0x0, s1;
	[sflag:s0] =	ssyncset.done @!p0 $0x0  }
0x228: {  	[sflag:s0] =	ssyncadd.s32 @!p0 s1  }
0x229: {  	[bflag:$0x3] =	sbarrier.arrive $0xFFFF  }
0x22a: {  	_ =	shalt  }

// kernel: kernel.9.cloned.1.call-start
scs
__scs_entry_jumppad:
0x0: {  	(pc) =	sbr.rel $0x88, $3  }
0x1: {  	(tag) =	ssettag $0x0;
	lr =	simm.s32 $0x1  }
0x2: {  	[smem:$0x3F98] =	sst lr;
	_ =	strace $0xD0000000  }
0x3: {  	_ = 	snop  }
0x4: {  	_ = 	snop  }
0x5: {  	_ = 	snop  }
0x6: {  	_ = 	snop  }
0x7: {  	_ = 	snop  }
__scs_overlays_trampoline_lowered:
0x8: {  	[smem:$0x3FA7] =	sst s0  }
0x9: {  	[smem:$0x3FA8] =	sst s1  }
0xa: {  	[smem:$0x3FA9] =	sst s2  }
0xb: {  	[smem:$0x3FAA] =	sst s3  }
0xc: {  	[smem:$0x3FAB] =	sst s4  }
0xd: {  	[smem:$0x3FAC] =	sst s5  }
0xe: {  	[smem:$0x3FAD] =	sst s6  }
0xf: {  	[smem:$0x3FAE] =	sst s7  }
0x10: {  	[smem:$0x3FAF] =	sst s8  }
0x11: {  	[smem:$0x3FB0] =	sst s9;
	s0 =	simm.s32 @!p0 $0x0  }
0x12: {  	s1 =	sld [smem:$0x3F96];
	s0 =	simm.s32 @p0 $0x1  }
0x13: {  	[smem:$0x3FB1] =	sst s0;
	s0 =	simm.s32 @!p1 $0x0  }
0x14: {  	s2 =	sld [smem:$0x3F95];
	s0 =	simm.s32 @p1 $0x1  }
0x15: {  	[smem:$0x3FB2] =	sst s0;
	s0 =	simm.s32 @!p2 $0x0  }
0x16: {  	s3 =	sld [smem:$0x3FDB];
	s0 =	simm.s32 @p2 $0x1  }
0x17: {  	s4 =	simm.s32 $0x1BF5;
	[smem:$0x3FB4] =	sst s0  }
0x18: {  	s0 =	sld [smem:$0x3F97];
	_ =	swait.ge [sflag:s4], $0x0  }
0x19: {  	s7 =	sld [smem:$0x3F98]  }
0x1a: {  	s8 =	sadd.s32 $0xFFFFE003, lr  }
0x1b: {  	s9 =	sadd.s32 $0xFFFFFEF7, lr;
	s5 =	simm.s32 $0xFFFFFFFF;
	p2 =	slt.u32 s8, $0xFFFFF086  }
0x1c: {  	p1 =	slt.u32 s9, $0xF7A;
	s5 =	simm.s32 @!p2 $0x0  }
0x1d: {  	s5 =	simm.s32 @p1 $0x1;
	p0 =	seq.s32 s7, s2  }
0x1e: {  	s7 =	smul.u32 @!p0 $0xF7A, s2;
	p2 =	seq.s32 @!p0 s5, $0x0  }
0x1f: {  	s9 =	smul.u32 $0xF7A, s1;
	s8 =	simm.s32 @!p0 $0x1BF5;
	p2 =	por !p2, p0  }
0x20: {  	[sflag:s8] =	ssyncset.s32 @!p0 $0xFFFFF086;
	s6 =	sadd.s32 @!p0 s3, s7;
	s7 =	simm.s32 @!p0 $0x108  }
0x21: {  	s3 =	sadd.s32 s3, s9;
	s6 =	sadd.s32 @!p0 $0x88, s6;
	s7 =	simm.s32 @p2 $0x1082  }
0x22: {  	[simem:s7], [sflag:s8] =	dma.local @!p0 [hbm:s6], $0xF7A  }
0x23: {  	s9 =	sor.u32 $0xD0000000, s2;
	s6 =	simm.s32 $0x108;
	_ =	swait.ge @!p0 [sflag:s8], $0x0  }
0x24: {  	s3 =	sadd.s32 $0x88, s3;
	s6 =	simm.s32 @!p1 $0x1082;
	[sflag:s4] =	ssyncset.s32 $0xFFFFF086  }
0x25: {  	[simem:s6], [sflag:s4] =	dma.local [hbm:s3], $0xF7A  }
0x26: {  	[smem:$0x3F98] =	sst s1;
	(tag) =	ssettag s2;
	_ =	strace s9  }
0x27: {  	s1 =	sld [smem:$0x3FA8]  }
0x28: {  	s2 =	sld [smem:$0x3FA9]  }
0x29: {  	s4 =	sld [smem:$0x3FAB]  }
0x2a: {  	p0 =	seq.s32 s5, $0x0;
	s5 =	sld [smem:$0x3FAC]  }
0x2b: {  	s6 =	sld [smem:$0x3FAD]  }
0x2c: {  	s7 =	sld [smem:$0x3FAE]  }
0x2d: {  	s3 =	simm.s32 $0x108;
	s8 =	sld [smem:$0x3FAF]  }
0x2e: {  	s3 =	simm.s32 @!p0 $0x1082;
	s9 =	sld [smem:$0x3FB0]  }
0x2f: {  	lr =	sadd.s32 s0, s3;
	s0 =	sld [smem:$0x3FA7]  }
0x30: {  	s3 =	sld [smem:$0x3FAA]  }
0x31: {  	[smem:$0x3FB3] =	sst s10  }
0x32: {  	s10 =	sld [smem:$0x3FB1];
	_ =	sdelay $0x3  }
0x33: {  	p0 =	seq.s32 s10, $0x1;
	s10 =	sld [smem:$0x3FB3];
	_ =	sdelay $0x3  }
0x34: {  	[smem:$0x3FB3] =	sst s10  }
0x35: {  	s10 =	sld [smem:$0x3FB2];
	_ =	sdelay $0x3  }
0x36: {  	p1 =	seq.s32 s10, $0x1;
	s10 =	sld [smem:$0x3FB3];
	_ =	sdelay $0x3  }
0x37: {  	[smem:$0x3FB3] =	sst s10  }
0x38: {  	s10 =	sld [smem:$0x3FB4]  }
0x39: {  	_ = 	snop;
	(pc) =	sbr.ind lr, $3  }
0x3a: {  	_ = 	snop  }
0x3b: {  	_ = 	snop  }
0x3c: {  	p2 =	seq.s32 s10, $0x1;
	s10 =	sld [smem:$0x3FB3]  }
0x3d: {  	_ =	shalt  }
0x3e: {  	_ =	shalt  }
0x3f: {  	_ =	shalt  }
0x40: {  	_ =	shalt  }
0x41: {  	_ =	shalt  }
0x42: {  	_ =	shalt  }
0x43: {  	_ =	shalt  }
0x44: {  	_ =	shalt  }
0x45: {  	_ =	shalt  }
0x46: {  	_ =	shalt  }
0x47: {  	_ =	shalt  }
0x48: {  	_ =	shalt  }
0x49: {  	_ =	shalt  }
0x4a: {  	_ =	shalt  }
0x4b: {  	_ =	shalt  }
0x4c: {  	_ =	shalt  }
0x4d: {  	_ =	shalt  }
0x4e: {  	_ =	shalt  }
0x4f: {  	_ =	shalt  }
0x50: {  	_ =	shalt  }
0x51: {  	_ =	shalt  }
0x52: {  	_ =	shalt  }
0x53: {  	_ =	shalt  }
0x54: {  	_ =	shalt  }
0x55: {  	_ =	shalt  }
0x56: {  	_ =	shalt  }
0x57: {  	_ =	shalt  }
0x58: {  	_ =	shalt  }
0x59: {  	_ =	shalt  }
0x5a: {  	_ =	shalt  }
0x5b: {  	_ =	shalt  }
0x5c: {  	_ =	shalt  }
0x5d: {  	_ =	shalt  }
0x5e: {  	_ =	shalt  }
0x5f: {  	_ =	shalt  }
0x60: {  	_ =	shalt  }
0x61: {  	_ =	shalt  }
0x62: {  	_ =	shalt  }
0x63: {  	_ =	shalt  }
0x64: {  	_ =	shalt  }
0x65: {  	_ =	shalt  }
0x66: {  	_ =	shalt  }
0x67: {  	_ =	shalt  }
0x68: {  	_ =	shalt  }
0x69: {  	_ =	shalt  }
0x6a: {  	_ =	shalt  }
0x6b: {  	_ =	shalt  }
0x6c: {  	_ =	shalt  }
0x6d: {  	_ =	shalt  }
0x6e: {  	_ =	shalt  }
0x6f: {  	_ =	shalt  }
0x70: {  	_ =	shalt  }
0x71: {  	_ =	shalt  }
0x72: {  	_ =	shalt  }
0x73: {  	_ =	shalt  }
0x74: {  	_ =	shalt  }
0x75: {  	_ =	shalt  }
0x76: {  	_ =	shalt  }
0x77: {  	_ =	shalt  }
0x78: {  	_ =	shalt  }
0x79: {  	_ =	shalt  }
0x7a: {  	_ =	shalt  }
0x7b: {  	_ =	shalt  }
0x7c: {  	_ =	shalt  }
0x7d: {  	_ =	shalt  }
0x7e: {  	_ =	shalt  }
0x7f: {  	_ =	shalt  }
0x80: {  	_ =	shalt  }
0x81: {  	_ =	shalt  }
0x82: {  	_ =	shalt  }
0x83: {  	_ =	shalt  }
0x84: {  	_ =	shalt  }
0x85: {  	_ =	shalt  }
0x86: {  	_ =	shalt  }
0x87: {  	_ =	shalt  }
.Lfunc_end0:
.L_simem_size_0:
called_computation_lowered:
.L_overlay_start_0:
0x88: {  	s2 =	sld [smem:$0x3FD9]  }
0x89: {  	s3 =	sld [smem:$0x3FFE];
	_ =	sdelay $0x1  }
0x8a: {  	s1 =	srdreg.scid  }
0x8b: {  	s0 =	sand.u32 $0x1, s1  }
0x8c: {  	s16 =	sshll.u32 s0, $0xA;
	s2 =	sadd.s32 s3, s2  }
0x8d: {  	s2 =	sadd.s32 s2, s16  }
0x8e: {  	[smem:$0x3FBF] =	sst s2  }
0x8f: {  	_ = 	snop  }
0x90: {  	(tm) =	ssettm $0x1  }
0x91: {  	s17 =	sld [smem:$0x3FFB];
	_ =	sdelay $0x3  }
0x92: {  	_ =	strace s17  }
0x93: {  	s2 =	sld [smem:$0x3FFC];
	_ =	sdelay $0x3  }
0x94: {  	_ =	strace s2  }
0x95: {  	s2 =	sld [smem:$0x3FFD];
	_ =	sdelay $0x3  }
0x96: {  	_ =	strace s2  }
0x97: {  	_ =	strace $0x8FFFFFFF  }
0x98: {  	s18 =	sld [smem:$0x3FDB];
	_ =	sdelay $0x1  }
0x99: {  	s19 =	simm.s32 $_scs_section_size  }
0x9a: {  	s4 =	simm.s32 $_size__tile_overlayer_lowered;
	s5 =	simm.s32 $_tile_overlayer_lowered  }
0x9b: {  	s22 =	simm.s32 $0x1BFF;
	s21 =	sshll.u32 s5, $0x1;
	s2 =	sadd.s32 s19, s18  }
0x9c: {  	s6 =	simm.s32 $0x0;
	s20 =	sshll.u32 s4, $0x1;
	s4 =	sadd.s32 s21, s2  }
0x9d: {  	[timem:s6], [sflag:s22] =	dma.local [hbm:s4], s20  }
0x9e: {  	_ =	swait.ge [sflag:s22], s20  }
0x9f: {  	s3 =	ssub.s32 $0x0, s20;
	[sflag:s22] =	ssyncset.done $0x0  }
0xa0: {  	[sflag:s22] =	ssyncadd.s32 s3;
	_ =	sdelay $0x1  }
0xa1: {  	s23 =	simm.s32 $0x1B8B  }
0xa2: {  	_ =	swait.ge [sflag:s23], $0x1  }
0xa3: {  	[sflag:s23] =	ssyncset.done $0x0  }
0xa4: {  	s25 =	simm.s32 $0x1B8E;
	s24 =	sld [smem:$0x3FFE];
	[sflag:s23] =	ssyncadd.s32 $0xFFFFFFFF  }
0xa5: {  	s26 =	simm.s32 $execute0_lowered;
	[smem:$0x3FD2] =	sst s25  }
0xa6: {  	s4 =	sshll.u32 s26, $0x1;
	_ =	strace $0x80000046;
	[dreg:$0x1] =	wrdreg $0xFFFFFFFF  }
0xa7: {  	s28 =	simm.s32 $_size_execute0_lowered;
	s2 =	sadd.s32 s2, s4;
	[dreg:$0x0] =	wrdreg $0x0  }
0xa8: {  	s4 =	sshll.u32 s28, $0x1;
	[dreg:$0x2] =	wrdreg s2  }
0xa9: {  	[dreg:$0x3] =	wrdreg s4  }
0xaa: {  	[dreg:$0x4] =	wrdreg $0xC0  }
0xab: {  	_ =	task [dreg:s6], $0x5FFFF  }
0xac: {  	[dreg:$0x1] =	wrdreg $0xFFFFFFFF  }
0xad: {  	[dreg:$0x0] =	wrdreg $0x60  }
0xae: {  	[dreg:$0x2] =	wrdreg s24  }
0xaf: {  	[dreg:$0x3] =	wrdreg $0x2B000  }
0xb0: {  	[dreg:$0x4] =	wrdreg $0x9  }
0xb1: {  	_ =	task.clear_ibuf [dreg:s6], $0x5FFFF;
	_ =	strace $0x90000046  }
0xb2: {  	s29 =	simm.s32 $0x9;
	_ =	strace $0x80000048  }
0xb3: {  	_ =	swait.ge [sflag:s29], $0x1  }
0xb4: {  	[sflag:s29] =	ssyncadd.s32 $0xFFFFFFFF  }
0xb5: {  	_ =	strace $0x90000048  }
0xb6: {  	_ =	sfence  }
0xb7: {  	s30 =	sld [smem:$0x0];
	_ =	sdelay $0x2  }
0xb8: {  	s31 =	sshll.u32 s1, $0xD;
	s1 =	sshrl.u32 s1, $0x2  }
0xb9: {  	s3 =	sand.u32 $0x4000, s31;
	s1 =	sadd.s32 s1, s30  }
0xba: {  	s0 =	sor.u32 s3, s0;
	s1 =	sshll.u32 s1, $0x11  }
0xbb: {  	s0 =	sor.u32 s1, s0  }
0xbc: {  	s0 =	sadd.s32 $0x8F2B, s0  }
0xbd: {  	[sflag:s0] =	ssyncadd.remote.s32 $0x1  }
0xbe: {  	_ =	sfence.sel $0xFFFF  }
0xbf: {  	[dreg:$0x0] =	wrdreg $0xFFFFFFFF;
	(pc) =	sbr.abs _section_cstart, $3  }
0xc0: {  	[dreg:$0x1] =	wrdreg $0xFFFFFFFF  }
0xc1: {  	_ =	task.clear_ibuf [dreg:s6], $0x2FFFF;
	_ =	strace $0x9FFFFFFF  }
0xc2: {  	(tm) =	ssettm $0x7FFFFFFF  }
0xc3: {  	_ =	shalt  }
tec
execute0_lowered:
.L_overlay_start_1:
0x0: {  	(tag) =	ssettag $0x1  }
0x1: {  	s4 =	rddreg [dreg:$0x0]  }
0x2: {  	s2 =	rddreg [dreg:$0x1]  }
0x3: {  	s0 =	rddreg [dreg:$0x2];
	s5 =	srdreg.scid  }
0x4: {  	s3 =	simm.s32 $0x0;
	s1 =	stileid.u32;
	s10 =	simm.s32 $0x80  }
0x5: {  	s11 =	simm.s32 $0x2800;
	s14 =	simm.s32 $0x10;
	s15 =	simm.s32 $0x0  }
0x6: {  	s5 =	sand.u32 $0x1, s5;
	s6 =	sshll.u32 s1, $0x1;
	s30 =	smul.u32 $0xA00, s1  }
0x7: {  	s8 =	sshrl.u32 s1, $0x3;
	[smem:$0x7FF] =	sst s3;
	s7 =	smul.u32 $0x2800, s5  }
0x8: {  	s9 =	sshll.u32 s1, $0x7;
	s12 =	sshll.u32 s1, $0x6;
	s8 =	smul.u32 $0x1400, s8  }
0x9: {  	s6 =	sor.u32 s5, s6;
	_ =	strace $0x80000047;
	s29 =	sand.u32 $0x380, s9  }
0xa: {  	s5 =	ssub.s32 $0x2, s5;
	s6 =	smul.u32 $0x500, s6;
	s7 =	sadd.s32 s7, s8  }
0xb: {  	s12 =	sor.u32 $0x1C01, s12;
	s31 =	sshrl.u32 s5, $0x1;
	s7 =	sor.u32 s29, s7  }
0xc: {  	s9 =	sshrl.u32 s30, $0x2;
	s6 =	sadd.s32 s6, s4;
	s7 =	sshrl.u32 s7, $0x3  }
0xd: {  	s8 =	ssub.s32 s5, s31;
	s5 =	sadd.s32 $0xD000, s6;
	s7 =	sadd.s32 s7, s4  }
0xe: {  	s4 =	sadd.s32 s9, s2;
	s9 =	simm.s32 $0x1;
	s6 =	sadd.s32 $0x17000, s7  }
0xf: {  	v0 =	vimm.f32 $0.0e+00;
	v1 =	vimm.f32 $1.000000000e+00;
	s7 =	smax.u32 s8, $0x1;
	s8 =	simm.s32 $0x2880;
	s13 =	sshrl.u32 s4, $0x3  }
.LBB2_1:
0x10: {  	[tilespmem:$0x2880] =	vst v0  }
0x11: {  	[tilespmem:$0x2890] =	vst v0  }
0x12: {  	[tilespmem:$0x28A0] =	vst v0  }
0x13: {  	[tilespmem:$0x28B0] =	vst v0  }
0x14: {  	[tilespmem:$0x28C0] =	vst v0  }
0x15: {  	[tilespmem:$0x28D0] =	vst v0  }
0x16: {  	[tilespmem:$0x28E0] =	vst v0  }
0x17: {  	[tilespmem:$0x28F0] =	vst v0  }
0x18: {  	[tilespmem:$0x2900] =	vst v0  }
0x19: {  	[tilespmem:$0x2910] =	vst v0  }
0x1a: {  	[tilespmem:$0x2920] =	vst v0  }
0x1b: {  	[tilespmem:$0x2930] =	vst v0  }
0x1c: {  	[tilespmem:$0x2940] =	vst v0  }
0x1d: {  	[tilespmem:$0x2950] =	vst v0  }
0x1e: {  	[tilespmem:$0x2960] =	vst v0  }
0x1f: {  	[tilespmem:$0x2970] =	vst v0  }
0x20: {  	[tilespmem:$0x2980] =	vst v0  }
0x21: {  	[tilespmem:$0x2990] =	vst v0  }
0x22: {  	[tilespmem:$0x29A0] =	vst v0  }
0x23: {  	[tilespmem:$0x29B0] =	vst v0  }
0x24: {  	[tilespmem:$0x29C0] =	vst v0  }
0x25: {  	[tilespmem:$0x29D0] =	vst v0  }
0x26: {  	[tilespmem:$0x29E0] =	vst v0  }
0x27: {  	[tilespmem:$0x29F0] =	vst v0  }
0x28: {  	[tilespmem:$0x2A00] =	vst v0  }
0x29: {  	[tilespmem:$0x2A10] =	vst v0  }
0x2a: {  	[tilespmem:$0x2A20] =	vst v0  }
0x2b: {  	[tilespmem:$0x2A30] =	vst v0  }
0x2c: {  	[tilespmem:$0x2A40] =	vst v0  }
0x2d: {  	[tilespmem:$0x2A50] =	vst v0  }
0x2e: {  	[tilespmem:$0x2A60] =	vst v0  }
0x2f: {  	[tilespmem:$0x2A70] =	vst v0  }
0x30: {  	[tilespmem:$0x2A80] =	vst v0  }
0x31: {  	[tilespmem:$0x2A90] =	vst v0  }
0x32: {  	[tilespmem:$0x2AA0] =	vst v0  }
0x33: {  	[tilespmem:$0x2AB0] =	vst v0  }
0x34: {  	[tilespmem:$0x2AC0] =	vst v0  }
0x35: {  	[tilespmem:$0x2AD0] =	vst v0  }
0x36: {  	[tilespmem:$0x2AE0] =	vst v0  }
0x37: {  	[tilespmem:$0x2AF0] =	vst v0  }
0x38: {  	[tilespmem:$0x2800] =	vst v1  }
0x39: {  	[tilespmem:$0x2810] =	vst v1  }
0x3a: {  	[tilespmem:$0x2820] =	vst v1  }
0x3b: {  	[tilespmem:$0x2830] =	vst v1  }
0x3c: {  	[tilespmem:$0x2840] =	vst v1  }
0x3d: {  	[tilespmem:$0x2850] =	vst v1  }
0x3e: {  	[tilespmem:$0x2860] =	vst v1  }
0x3f: {  	[tilespmem:$0x2870] =	vst v1  }
0x40: {  	[spmem:s4] =	stream.linear.scatter [tilespmem:s8], [sflag:$0x1], $0x280, $0x38;
	[tilespmem:$0x2D80] =	vst v63  }
0x41: {  	_ =	swait.ge [sflag:s9], $0x280  }
0x42: {  	[sflag:s9] =	ssyncset.done $0x0  }
0x43: {  	[sflag:s9] =	ssyncadd.s32 $0xFFFFFD80  }
0x44: {  	[tilespmem:s3], [sflag:$0x1] =	stream.linear.gather [hbm4b:s5+s3], $0x2800, $0x38;
	[tilespmem:$0x2D80] =	vst v63  }
0x45: {  	_ =	swait.ge [sflag:s9], $0x2800  }
0x46: {  	[sflag:s9] =	ssyncset.done $0x0  }
0x47: {  	[sflag:s9] =	ssyncadd.s32 $0xFFFFD800  }
0x48: {  	s16 =	simm.s32 $0x0;
	[bflag:$0x0] =	sbarrier.arrive $0xFFFF  }
0x49: {  	[spmem:s2] =	stream.indirect.scatter.add.f32 [tilespmem:s11], [sflag:$0x1], $0x1, s16, s10, $0xb8;
	[tilespmem:$0x2D80] =	vst v63  }
0x4a: {  	_ =	swait.ge [sflag:s9], $0x80  }
0x4b: {  	s16 =	simm.s32 $0x200;
	[sflag:s9] =	ssyncset.done $0x0  }
.LBB2_2:
0x4c: {  	s17 =	sshra.s32 s16, $0x2;
	[sflag:s9] =	ssyncadd.s32 $0xFFFFFF80;
	p0 =	sne.s32 s16, $0x9E00  }
0x4d: {  	[spmem:s2] =	stream.indirect.scatter.add.f32 [tilespmem:s11], [sflag:$0x1], $0x1, s17, s10, $0xb8;
	[tilespmem:$0x2D80] =	vst v63  }
.Ltmp0:
0x4e: {  	_ = 	snop;
	(pc) =	sbr.rel @p0 .LBB2_2-.Ltmp0, $4  }
0x4f: {  	_ = 	snop  }
0x50: {  	s16 =	sadd.s32 $0x200, s16  }
0x51: {  	_ =	swait.ge [sflag:s9], $0x80  }
0x52: {  	[sflag:s9] =	ssyncset.done $0x0  }
0x53: {  	s15 =	sadd.s32 $0x1, s15  }
0x54: {  	[sflag:s9] =	ssyncadd.s32 $0xFFFFFF80;
	p0 =	sne.s32 s15, s7  }
.Ltmp1:
0x55: {  	[bflag:$0x0] =	sbarrier.arrive $0xFFFF;
	(pc) =	sbr.rel @p0 .LBB2_1-.Ltmp1, $4  }
0x56: {  	[hbm:s6@s10], [sflag:s12] =	dma.strided [spmem:s13@s14], $0x50, s9, $0x10   }
0x57: {  	_ =	swait.ge [sflag:s9], $0x50  }
0x58: {  	[sflag:s9] =	ssyncset.done $0x0  }
0x59: {  	[sflag:s9] =	ssyncadd.s32 $0xFFFFFFB0  }
0x5a: {  	_ =	sfence.sel $0x180000  }
0x5b: {  	[bflag:$0x0] =	sbarrier.arrive $0xFFFF  }
0x5c: {  	p0 =	sne.s32 s1, $0x0;
	_ =	strace $0x90000047  }
0x5d: {  	s0 =	sadd.s32 @!p0 $0x100000, s0;
	[bflag:$0x2] =	sbarrier.arrive $0xFFFF  }
0x5e: {  	[sflag:s0] =	ssyncadd.tile.s32 @!p0 $0x1;
	_ =	shalt  }
.Lfunc_end2:
_tile_overlayer_lowered:
.L_overlay_start_2:
0x5f: {  	(tag) =	ssettag $0x2  }
0x60: {  	s0 =	rddreg [dreg:$0x0];
	s2 =	stileid.u32  }
0x61: {  	s1 =	rddreg [dreg:$0x1];
	p0 =	sne.s32 s2, $0x0  }
0x62: {  	s3 =	rddreg [dreg:$0x2];
	[bflag:$0x3] =	sbarrier.arrive $0xFFFF;
	s2 =	simm.s32 @!p0 $0x1C01  }
0x63: {  	[timem:s3], [sflag:s2] =	dma.local @!p0 [hbm:s0], s1  }
0x64: {  	s0 =	simm.s32 @!p0 $0x1  }
0x65: {  	_ =	swait.ge @!p0 [sflag:s0], s1  }
0x66: {  	s1 =	ssub.s32 @!p0 $0x0, s1;
	[sflag:s0] =	ssyncset.done @!p0 $0x0  }
0x67: {  	[sflag:s0] =	ssyncadd.s32 @!p0 s1  }
0x68: {  	[bflag:$0x3] =	sbarrier.arrive $0xFFFF  }
0x69: {  	_ =	shalt  }

</sc_bundles>
